<compile_context>
chip_gen: v7x
topology: tpu7x:2x2x1
jax: 0.10.2.dev20260603
libtpu: 0.0.44.dev20260713+nightly
codegen_flags: <defaults>
</compile_context>

<pallas_src>
import functools
import jax
import jax.numpy as jnp
from jax import lax
from jax.experimental import pallas as pl
from jax.experimental.pallas import tpu as pltpu
from jax.experimental.pallas import tpu_sc as plsc

QP = 64
C = 64
NPARAM = 11
ROW = 768


def _transform_body(t_ref, o_ref):
    sp = [jax.nn.softplus(t_ref[:, i, :]) for i in (0, 3, 6, 9)]
    ta = [jnp.tanh(t_ref[:, i, :]) for i in (2, 5, 8)]
    b = [t_ref[:, i, :] for i in (1, 4, 7, 10)]

    def put(i, v):
        o_ref[:, i * C:(i + 1) * C] = v

    put(0, sp[0])
    put(1, b[0])
    for layer in range(3):
        scale = sp[layer + 1] if layer < 2 else 0.5 * sp[3]
        put(3 * layer + 2, scale)
        put(3 * layer + 3, ta[layer] * scale)
        put(3 * layer + 4, b[layer + 1] * (1.0 if layer < 2 else 0.5))
    o_ref[:, NPARAM * C:] = jnp.zeros((QP, ROW - NPARAM * C), jnp.float32)


def _sc_gather(ttable, index, num_cores):
    B = index.shape[0]
    mesh = plsc.VectorSubcoreMesh(core_axis_name="c", subcore_axis_name="s")

    @functools.partial(
        pl.kernel,
        mesh=mesh,
        out_type=jax.ShapeDtypeStruct((B, ROW), jnp.float32),
        scratch_types=[
            pltpu.VMEM((B,), jnp.int32),
            pltpu.VMEM((B, ROW), jnp.float32),
            pltpu.SemaphoreType.DMA,
        ],
    )
    def gather_kernel(table_hbm, idx_hbm, out_hbm, idx_v, rows_v, sem):
        wid = lax.axis_index("s") * num_cores + lax.axis_index("c")

        @pl.when(wid == 0)
        def _():
            pltpu.sync_copy(idx_hbm, idx_v)
            pltpu.async_copy(table_hbm.at[idx_v], rows_v, sem).wait()
            pltpu.sync_copy(rows_v, out_hbm)

    return gather_kernel(ttable, index)


def _main_body(p_ref, x_ref, o_ref):
    b = pl.program_id(0)

    def chan(c, _):
        y = x_ref[0, c]

        def s(i):
            return p_ref[b, i * C + c]

        y = y * s(0) + s(1)
        for layer in range(3):
            y = y * s(3 * layer + 2) + jnp.tanh(y) * s(3 * layer + 3) + s(3 * layer + 4)
        o_ref[0, c] = 0.5 * jnp.tanh(y) + 0.5
        return 0

    jax.lax.fori_loop(0, x_ref.shape[1], chan, 0, unroll=32)


@jax.jit
def kernel(x, index, h1, b1, a1, h2, b2, a2, h3, b3, a3, h4, b4):
    B, Cx, H, W = x.shape
    table = jnp.stack(
        [t.reshape(QP, C) for t in (h1, b1, a1, h2, b2, a2, h3, b3, a3, h4, b4)],
        axis=1,
    )

    ttable = pl.pallas_call(
        _transform_body,
        out_shape=jax.ShapeDtypeStruct((QP, ROW), x.dtype),
    )(table)

    info = plsc.get_sparse_core_info()
    params = _sc_gather(ttable, index, info.num_cores)

    return pl.pallas_call(
        _main_body,
        grid=(B,),
        in_specs=[
            pl.BlockSpec(memory_space=pltpu.SMEM),
            pl.BlockSpec((1, Cx, H, W), lambda b: (b, 0, 0, 0)),
        ],
        out_specs=pl.BlockSpec((1, Cx, H, W), lambda b: (b, 0, 0, 0)),
        out_shape=jax.ShapeDtypeStruct(x.shape, x.dtype),
    )(params, x)

# --- scband reference (transcript-rebuilt; emitter-appended) ---
"""Pipeline reference for scband-bit-estimator-10909216932557 (READ-ONLY COPY).

The authoritative reference and input builder live on the scoring server;
editing this copy changes nothing except your own understanding.
"""

import jax, jax.numpy as jnp
import numpy as np

QP_NUM = 64
CHANNEL = 64
B = 8
H = 128
W = 128


def setup_inputs(seed: int = 0) -> dict:
    key = jax.random.key(seed)
    ks = jax.random.split(key, 14)
    x = jax.random.normal(ks[0], (B, CHANNEL, H, W), dtype=jnp.float32)
    index = jax.random.randint(ks[1], (B,), 0, QP_NUM, dtype=jnp.int32)

    def param(k):
        return jax.random.normal(k, (QP_NUM, CHANNEL, 1, 1), dtype=jnp.float32) * 0.01

    return {
        "x": x,
        "index": index,
        "h1": param(ks[2]), "b1": param(ks[3]), "a1": param(ks[4]),
        "h2": param(ks[5]), "b2": param(ks[6]), "a2": param(ks[7]),
        "h3": param(ks[8]), "b3": param(ks[9]), "a3": param(ks[10]),
        "h4": param(ks[11]), "b4": param(ks[12]),
    }


def _bitparm(x, index, h, b, a=None):
    # torch.index_select(param, 0, index) -> gather rows of the QP-indexed table
    hs = jnp.take(h, index, axis=0)  # [B, C, 1, 1]
    bs = jnp.take(b, index, axis=0)
    x = x * jax.nn.softplus(hs) + bs
    if a is None:
        return x
    as_ = jnp.take(a, index, axis=0)
    return x + jnp.tanh(x) * jnp.tanh(as_)


def reference(x, index, h1, b1, a1, h2, b2, a2, h3, b3, a3, h4, b4):
    x = _bitparm(x, index, h1, b1, a1)
    x = _bitparm(x, index, h2, b2, a2)
    x = _bitparm(x, index, h3, b3, a3)
    x = _bitparm(x, index, h4, b4, None)  # final layer: no 'a'
    return jax.nn.sigmoid(x)

if __name__ == "__main__":
    import jax
    _d = setup_inputs()
    print(jax.jit(kernel)(*tuple(_d.values())))

</pallas_src>

<mosaic_0001>
#map = affine_map<(d0, d1) -> (0, 0)>
#map1 = affine_map<(d0, d1) -> (0)>
module attributes {stable_mosaic.version = 14 : i64} {
  func.func @gather_kernel(%arg0: i32, %arg1: i32, %arg2: memref<64x768xf32, #tpu.memory_space<hbm>>, %arg3: memref<8xi32, #tpu.memory_space<hbm>>, %arg4: memref<8x768xf32, #tpu.memory_space<hbm>>, %arg5: memref<8xi32, #tpu.memory_space<vmem>>, %arg6: memref<8x768xf32, #tpu.memory_space<vmem>>, %arg7: memref<!tpu.dma_semaphore, #tpu.memory_space<semaphore_mem>>) attributes {dimension_semantics = [#tpu.dimension_semantics<core_parallel>, #tpu.dimension_semantics<subcore_parallel>], iteration_bounds = array<i64: 2, 16>, scalar_prefetch = 0 : i64, scratch_operands = 3 : i64, tpu.core_type = #tpu.core_type<sc_vector_subcore>, window_params = [{transform_indices = #map}, {transform_indices = #map1}, {transform_indices = #map}]} {
    %mul3A = arith.constant 2 : i32
    %mul3A_0 = arith.muli %arg1, %mul3A : i32
    %add3A = arith.addi %mul3A_0, %arg0 : i32
    %eq3A = arith.constant 0 : i32
    %eq3A_1 = arith.cmpi eq, %add3A, %eq3A : i32
    %convert_element_type3A = arith.extui %eq3A_1 : i1 to i32
    %cond3A = arith.constant 0 : i32
    %cond3A_2 = arith.cmpi ne, %convert_element_type3A, %cond3A : i32
    scf.if %cond3A_2 {
      "tpu.region"() ({
        %run_scoped3A = tpu.sem_alloc : memref<!tpu.dma_semaphore, #tpu.memory_space<semaphore_mem>>
        tpu.enqueue_dma source(%arg3 : memref<8xi32, #tpu.memory_space<hbm>>) target(%arg5 : memref<8xi32, #tpu.memory_space<vmem>>) target_semaphore(%run_scoped3A : memref<!tpu.dma_semaphore, #tpu.memory_space<semaphore_mem>>)
        tpu.wait_dma2 semaphore(%run_scoped3A : memref<!tpu.dma_semaphore, #tpu.memory_space<semaphore_mem>>) src(%arg3 : memref<8xi32, #tpu.memory_space<hbm>>) dst(%arg5 : memref<8xi32, #tpu.memory_space<vmem>>)
        tpu.yield
      }) : () -> ()
      %dma_start3A = arith.constant 0 : i32
      %dma_start3A_3 = arith.constant 0 : i32
      %dma_start3A_4 = tpu.memref_slice %arg2[%dma_start3A, %dma_start3A_3] : memref<64x768xf32, #tpu.memory_space<hbm>> -> memref<64x768xf32, #tpu.memory_space<hbm>>
      tpu.enqueue_indirect_dma source(%dma_start3A_4 : memref<64x768xf32, #tpu.memory_space<hbm>>) target(%arg6 : memref<8x768xf32, #tpu.memory_space<vmem>>) offsets(%arg5 : memref<8xi32, #tpu.memory_space<vmem>>) semaphore(%arg7 : memref<!tpu.dma_semaphore, #tpu.memory_space<semaphore_mem>>)
      %dma_wait3A = arith.constant 0 : i32
      %dma_wait3A_5 = arith.constant 0 : i32
      %dma_wait3A_6 = tpu.memref_slice %arg2[%dma_wait3A, %dma_wait3A_5] : memref<64x768xf32, #tpu.memory_space<hbm>> -> memref<64x768xf32, #tpu.memory_space<hbm>>
      tpu.wait_indirect_dma semaphore(%arg7 : memref<!tpu.dma_semaphore, #tpu.memory_space<semaphore_mem>>) src(%dma_wait3A_6 : memref<64x768xf32, #tpu.memory_space<hbm>>) dst(%arg6 : memref<8x768xf32, #tpu.memory_space<vmem>>)
      "tpu.region"() ({
        %run_scoped3A = tpu.sem_alloc : memref<!tpu.dma_semaphore, #tpu.memory_space<semaphore_mem>>
        tpu.enqueue_dma source(%arg6 : memref<8x768xf32, #tpu.memory_space<vmem>>) target(%arg4 : memref<8x768xf32, #tpu.memory_space<hbm>>) target_semaphore(%run_scoped3A : memref<!tpu.dma_semaphore, #tpu.memory_space<semaphore_mem>>)
        tpu.wait_dma2 semaphore(%run_scoped3A : memref<!tpu.dma_semaphore, #tpu.memory_space<semaphore_mem>>) src(%arg6 : memref<8x768xf32, #tpu.memory_space<vmem>>) dst(%arg4 : memref<8x768xf32, #tpu.memory_space<hbm>>)
        tpu.yield
      }) : () -> ()
    } else {
    }
    return
  }
}

module attributes {stable_mosaic.version = 14 : i64} {
  func.func @_transform_body(%arg0: memref<64x11x64xf32, #tpu.memory_space<vmem>>, %arg1: memref<64x768xf32, #tpu.memory_space<vmem>>) attributes {dimension_semantics = [], scalar_prefetch = 0 : i64, scratch_operands = 0 : i64, tpu.core_type = #tpu.core_type<tc>} {
    %get3A = arith.constant 0 : index
    %get3A_0 = arith.constant 0 : index
    %get3A_1 = arith.constant 0 : index
    %get3A_2 = vector.load %arg0[%get3A, %get3A_0, %get3A_1] : memref<64x11x64xf32, #tpu.memory_space<vmem>>, vector<64x1x64xf32>
    %get3A_3 = vector.shape_cast %get3A_2 : vector<64x1x64xf32> to vector<64x64xf32>
    %custom_jvp_call3A = arith.constant 0.000000e+00 : f32
    %max3A = vector.broadcast %custom_jvp_call3A : f32 to vector<64x64xf32>
    %max3A_4 = arith.maximumf %get3A_3, %max3A : vector<64x64xf32>
    %sub3A = vector.broadcast %custom_jvp_call3A : f32 to vector<64x64xf32>
    %sub3A_5 = arith.subf %get3A_3, %sub3A : vector<64x64xf32>
    %ne3A = arith.cmpf one, %sub3A_5, %sub3A_5 : vector<64x64xf32>
    %add3A = vector.broadcast %custom_jvp_call3A : f32 to vector<64x64xf32>
    %add3A_6 = arith.addf %get3A_3, %add3A : vector<64x64xf32>
    %abs3A = math.absf %sub3A_5 : vector<64x64xf32>
    %neg3A = arith.constant 0.000000e+00 : f32
    %neg3A_7 = vector.broadcast %neg3A : f32 to vector<64x64xf32>
    %neg3A_8 = arith.subf %neg3A_7, %abs3A : vector<64x64xf32>
    %exp3A = math.exp %neg3A_8 : vector<64x64xf32>
    %log1p3A = math.log1p %exp3A : vector<64x64xf32>
    %add3A_9 = arith.addf %max3A_4, %log1p3A : vector<64x64xf32>
    %select_n3A = arith.select %ne3A, %add3A_6, %add3A_9 : vector<64x64xi1>, vector<64x64xf32>
    %get3A_10 = arith.constant 0 : index
    %get3A_11 = arith.constant 3 : index
    %get3A_12 = arith.constant 0 : index
    %get3A_13 = vector.load %arg0[%get3A_10, %get3A_11, %get3A_12] : memref<64x11x64xf32, #tpu.memory_space<vmem>>, vector<64x1x64xf32>
    %get3A_14 = vector.shape_cast %get3A_13 : vector<64x1x64xf32> to vector<64x64xf32>
    %custom_jvp_call3A_15 = arith.constant 0.000000e+00 : f32
    %max3A_16 = vector.broadcast %custom_jvp_call3A_15 : f32 to vector<64x64xf32>
    %max3A_17 = arith.maximumf %get3A_14, %max3A_16 : vector<64x64xf32>
    %sub3A_18 = vector.broadcast %custom_jvp_call3A_15 : f32 to vector<64x64xf32>
    %sub3A_19 = arith.subf %get3A_14, %sub3A_18 : vector<64x64xf32>
    %ne3A_20 = arith.cmpf one, %sub3A_19, %sub3A_19 : vector<64x64xf32>
    %add3A_21 = vector.broadcast %custom_jvp_call3A_15 : f32 to vector<64x64xf32>
    %add3A_22 = arith.addf %get3A_14, %add3A_21 : vector<64x64xf32>
    %abs3A_23 = math.absf %sub3A_19 : vector<64x64xf32>
    %neg3A_24 = arith.constant 0.000000e+00 : f32
    %neg3A_25 = vector.broadcast %neg3A_24 : f32 to vector<64x64xf32>
    %neg3A_26 = arith.subf %neg3A_25, %abs3A_23 : vector<64x64xf32>
    %exp3A_27 = math.exp %neg3A_26 : vector<64x64xf32>
    %log1p3A_28 = math.log1p %exp3A_27 : vector<64x64xf32>
    %add3A_29 = arith.addf %max3A_17, %log1p3A_28 : vector<64x64xf32>
    %select_n3A_30 = arith.select %ne3A_20, %add3A_22, %add3A_29 : vector<64x64xi1>, vector<64x64xf32>
    %get3A_31 = arith.constant 0 : index
    %get3A_32 = arith.constant 6 : index
    %get3A_33 = arith.constant 0 : index
    %get3A_34 = vector.load %arg0[%get3A_31, %get3A_32, %get3A_33] : memref<64x11x64xf32, #tpu.memory_space<vmem>>, vector<64x1x64xf32>
    %get3A_35 = vector.shape_cast %get3A_34 : vector<64x1x64xf32> to vector<64x64xf32>
    %custom_jvp_call3A_36 = arith.constant 0.000000e+00 : f32
    %max3A_37 = vector.broadcast %custom_jvp_call3A_36 : f32 to vector<64x64xf32>
    %max3A_38 = arith.maximumf %get3A_35, %max3A_37 : vector<64x64xf32>
    %sub3A_39 = vector.broadcast %custom_jvp_call3A_36 : f32 to vector<64x64xf32>
    %sub3A_40 = arith.subf %get3A_35, %sub3A_39 : vector<64x64xf32>
    %ne3A_41 = arith.cmpf one, %sub3A_40, %sub3A_40 : vector<64x64xf32>
    %add3A_42 = vector.broadcast %custom_jvp_call3A_36 : f32 to vector<64x64xf32>
    %add3A_43 = arith.addf %get3A_35, %add3A_42 : vector<64x64xf32>
    %abs3A_44 = math.absf %sub3A_40 : vector<64x64xf32>
    %neg3A_45 = arith.constant 0.000000e+00 : f32
    %neg3A_46 = vector.broadcast %neg3A_45 : f32 to vector<64x64xf32>
    %neg3A_47 = arith.subf %neg3A_46, %abs3A_44 : vector<64x64xf32>
    %exp3A_48 = math.exp %neg3A_47 : vector<64x64xf32>
    %log1p3A_49 = math.log1p %exp3A_48 : vector<64x64xf32>
    %add3A_50 = arith.addf %max3A_38, %log1p3A_49 : vector<64x64xf32>
    %select_n3A_51 = arith.select %ne3A_41, %add3A_43, %add3A_50 : vector<64x64xi1>, vector<64x64xf32>
    %get3A_52 = arith.constant 0 : index
    %get3A_53 = arith.constant 9 : index
    %get3A_54 = arith.constant 0 : index
    %get3A_55 = vector.load %arg0[%get3A_52, %get3A_53, %get3A_54] : memref<64x11x64xf32, #tpu.memory_space<vmem>>, vector<64x1x64xf32>
    %get3A_56 = vector.shape_cast %get3A_55 : vector<64x1x64xf32> to vector<64x64xf32>
    %custom_jvp_call3A_57 = arith.constant 0.000000e+00 : f32
    %max3A_58 = vector.broadcast %custom_jvp_call3A_57 : f32 to vector<64x64xf32>
    %max3A_59 = arith.maximumf %get3A_56, %max3A_58 : vector<64x64xf32>
    %sub3A_60 = vector.broadcast %custom_jvp_call3A_57 : f32 to vector<64x64xf32>
    %sub3A_61 = arith.subf %get3A_56, %sub3A_60 : vector<64x64xf32>
    %ne3A_62 = arith.cmpf one, %sub3A_61, %sub3A_61 : vector<64x64xf32>
    %add3A_63 = vector.broadcast %custom_jvp_call3A_57 : f32 to vector<64x64xf32>
    %add3A_64 = arith.addf %get3A_56, %add3A_63 : vector<64x64xf32>
    %abs3A_65 = math.absf %sub3A_61 : vector<64x64xf32>
    %neg3A_66 = arith.constant 0.000000e+00 : f32
    %neg3A_67 = vector.broadcast %neg3A_66 : f32 to vector<64x64xf32>
    %neg3A_68 = arith.subf %neg3A_67, %abs3A_65 : vector<64x64xf32>
    %exp3A_69 = math.exp %neg3A_68 : vector<64x64xf32>
    %log1p3A_70 = math.log1p %exp3A_69 : vector<64x64xf32>
    %add3A_71 = arith.addf %max3A_59, %log1p3A_70 : vector<64x64xf32>
    %select_n3A_72 = arith.select %ne3A_62, %add3A_64, %add3A_71 : vector<64x64xi1>, vector<64x64xf32>
    %get3A_73 = arith.constant 0 : index
    %get3A_74 = arith.constant 2 : index
    %get3A_75 = arith.constant 0 : index
    %get3A_76 = vector.load %arg0[%get3A_73, %get3A_74, %get3A_75] : memref<64x11x64xf32, #tpu.memory_space<vmem>>, vector<64x1x64xf32>
    %get3A_77 = vector.shape_cast %get3A_76 : vector<64x1x64xf32> to vector<64x64xf32>
    %tanh3A = math.tanh %get3A_77 : vector<64x64xf32>
    %get3A_78 = arith.constant 0 : index
    %get3A_79 = arith.constant 5 : index
    %get3A_80 = arith.constant 0 : index
    %get3A_81 = vector.load %arg0[%get3A_78, %get3A_79, %get3A_80] : memref<64x11x64xf32, #tpu.memory_space<vmem>>, vector<64x1x64xf32>
    %get3A_82 = vector.shape_cast %get3A_81 : vector<64x1x64xf32> to vector<64x64xf32>
    %tanh3A_83 = math.tanh %get3A_82 : vector<64x64xf32>
    %get3A_84 = arith.constant 0 : index
    %get3A_85 = arith.constant 8 : index
    %get3A_86 = arith.constant 0 : index
    %get3A_87 = vector.load %arg0[%get3A_84, %get3A_85, %get3A_86] : memref<64x11x64xf32, #tpu.memory_space<vmem>>, vector<64x1x64xf32>
    %get3A_88 = vector.shape_cast %get3A_87 : vector<64x1x64xf32> to vector<64x64xf32>
    %tanh3A_89 = math.tanh %get3A_88 : vector<64x64xf32>
    %get3A_90 = arith.constant 0 : index
    %get3A_91 = arith.constant 1 : index
    %get3A_92 = arith.constant 0 : index
    %get3A_93 = vector.load %arg0[%get3A_90, %get3A_91, %get3A_92] : memref<64x11x64xf32, #tpu.memory_space<vmem>>, vector<64x1x64xf32>
    %get3A_94 = vector.shape_cast %get3A_93 : vector<64x1x64xf32> to vector<64x64xf32>
    %get3A_95 = arith.constant 0 : index
    %get3A_96 = arith.constant 4 : index
    %get3A_97 = arith.constant 0 : index
    %get3A_98 = vector.load %arg0[%get3A_95, %get3A_96, %get3A_97] : memref<64x11x64xf32, #tpu.memory_space<vmem>>, vector<64x1x64xf32>
    %get3A_99 = vector.shape_cast %get3A_98 : vector<64x1x64xf32> to vector<64x64xf32>
    %get3A_100 = arith.constant 0 : index
    %get3A_101 = arith.constant 7 : index
    %get3A_102 = arith.constant 0 : index
    %get3A_103 = vector.load %arg0[%get3A_100, %get3A_101, %get3A_102] : memref<64x11x64xf32, #tpu.memory_space<vmem>>, vector<64x1x64xf32>
    %get3A_104 = vector.shape_cast %get3A_103 : vector<64x1x64xf32> to vector<64x64xf32>
    %get3A_105 = arith.constant 0 : index
    %get3A_106 = arith.constant 10 : index
    %get3A_107 = arith.constant 0 : index
    %get3A_108 = vector.load %arg0[%get3A_105, %get3A_106, %get3A_107] : memref<64x11x64xf32, #tpu.memory_space<vmem>>, vector<64x1x64xf32>
    %get3A_109 = vector.shape_cast %get3A_108 : vector<64x1x64xf32> to vector<64x64xf32>
    %swap3A = arith.constant 0 : index
    %swap3A_110 = arith.constant 0 : index
    %swap3A_111 = vector.load %arg1[%swap3A, %swap3A_110] : memref<64x768xf32, #tpu.memory_space<vmem>>, vector<64x64xf32>
    tpu.vector_store %arg1[%swap3A, %swap3A_110], %select_n3A {strides = array<i32>} : memref<64x768xf32, #tpu.memory_space<vmem>>, vector<64x64xf32>,
    %swap3A_112 = arith.constant 0 : index
    %swap3A_113 = arith.constant 64 : index
    %swap3A_114 = vector.load %arg1[%swap3A_112, %swap3A_113] : memref<64x768xf32, #tpu.memory_space<vmem>>, vector<64x64xf32>
    tpu.vector_store %arg1[%swap3A_112, %swap3A_113], %get3A_94 {strides = array<i32>} : memref<64x768xf32, #tpu.memory_space<vmem>>, vector<64x64xf32>,
    %swap3A_115 = arith.constant 0 : index
    %swap3A_116 = arith.constant 128 : index
    %swap3A_117 = vector.load %arg1[%swap3A_115, %swap3A_116] : memref<64x768xf32, #tpu.memory_space<vmem>>, vector<64x64xf32>
    tpu.vector_store %arg1[%swap3A_115, %swap3A_116], %select_n3A_30 {strides = array<i32>} : memref<64x768xf32, #tpu.memory_space<vmem>>, vector<64x64xf32>,
    %mul3A = arith.mulf %tanh3A, %select_n3A_30 : vector<64x64xf32>
    %swap3A_118 = arith.constant 0 : index
    %swap3A_119 = arith.constant 192 : index
    %swap3A_120 = vector.load %arg1[%swap3A_118, %swap3A_119] : memref<64x768xf32, #tpu.memory_space<vmem>>, vector<64x64xf32>
    tpu.vector_store %arg1[%swap3A_118, %swap3A_119], %mul3A {strides = array<i32>} : memref<64x768xf32, #tpu.memory_space<vmem>>, vector<64x64xf32>,
    %mul3A_121 = arith.constant 1.000000e+00 : f32
    %mul3A_122 = vector.broadcast %mul3A_121 : f32 to vector<64x64xf32>
    %mul3A_123 = arith.mulf %get3A_99, %mul3A_122 : vector<64x64xf32>
    %swap3A_124 = arith.constant 0 : index
    %swap3A_125 = arith.constant 256 : index
    %swap3A_126 = vector.load %arg1[%swap3A_124, %swap3A_125] : memref<64x768xf32, #tpu.memory_space<vmem>>, vector<64x64xf32>
    tpu.vector_store %arg1[%swap3A_124, %swap3A_125], %mul3A_123 {strides = array<i32>} : memref<64x768xf32, #tpu.memory_space<vmem>>, vector<64x64xf32>,
    %swap3A_127 = arith.constant 0 : index
    %swap3A_128 = arith.constant 320 : index
    %swap3A_129 = vector.load %arg1[%swap3A_127, %swap3A_128] : memref<64x768xf32, #tpu.memory_space<vmem>>, vector<64x64xf32>
    tpu.vector_store %arg1[%swap3A_127, %swap3A_128], %select_n3A_51 {strides = array<i32>} : memref<64x768xf32, #tpu.memory_space<vmem>>, vector<64x64xf32>,
    %mul3A_130 = arith.mulf %tanh3A_83, %select_n3A_51 : vector<64x64xf32>
    %swap3A_131 = arith.constant 0 : index
    %swap3A_132 = arith.constant 384 : index
    %swap3A_133 = vector.load %arg1[%swap3A_131, %swap3A_132] : memref<64x768xf32, #tpu.memory_space<vmem>>, vector<64x64xf32>
    tpu.vector_store %arg1[%swap3A_131, %swap3A_132], %mul3A_130 {strides = array<i32>} : memref<64x768xf32, #tpu.memory_space<vmem>>, vector<64x64xf32>,
    %mul3A_134 = arith.constant 1.000000e+00 : f32
    %mul3A_135 = vector.broadcast %mul3A_134 : f32 to vector<64x64xf32>
    %mul3A_136 = arith.mulf %get3A_104, %mul3A_135 : vector<64x64xf32>
    %swap3A_137 = arith.constant 0 : index
    %swap3A_138 = arith.constant 448 : index
    %swap3A_139 = vector.load %arg1[%swap3A_137, %swap3A_138] : memref<64x768xf32, #tpu.memory_space<vmem>>, vector<64x64xf32>
    tpu.vector_store %arg1[%swap3A_137, %swap3A_138], %mul3A_136 {strides = array<i32>} : memref<64x768xf32, #tpu.memory_space<vmem>>, vector<64x64xf32>,
    %mul3A_140 = arith.constant 5.000000e-01 : f32
    %mul3A_141 = vector.broadcast %mul3A_140 : f32 to vector<64x64xf32>
    %mul3A_142 = arith.mulf %mul3A_141, %select_n3A_72 : vector<64x64xf32>
    %swap3A_143 = arith.constant 0 : index
    %swap3A_144 = arith.constant 512 : index
    %swap3A_145 = vector.load %arg1[%swap3A_143, %swap3A_144] : memref<64x768xf32, #tpu.memory_space<vmem>>, vector<64x64xf32>
    tpu.vector_store %arg1[%swap3A_143, %swap3A_144], %mul3A_142 {strides = array<i32>} : memref<64x768xf32, #tpu.memory_space<vmem>>, vector<64x64xf32>,
    %mul3A_146 = arith.mulf %tanh3A_89, %mul3A_142 : vector<64x64xf32>
    %swap3A_147 = arith.constant 0 : index
    %swap3A_148 = arith.constant 576 : index
    %swap3A_149 = vector.load %arg1[%swap3A_147, %swap3A_148] : memref<64x768xf32, #tpu.memory_space<vmem>>, vector<64x64xf32>
    tpu.vector_store %arg1[%swap3A_147, %swap3A_148], %mul3A_146 {strides = array<i32>} : memref<64x768xf32, #tpu.memory_space<vmem>>, vector<64x64xf32>,
    %mul3A_150 = arith.constant 5.000000e-01 : f32
    %mul3A_151 = vector.broadcast %mul3A_150 : f32 to vector<64x64xf32>
    %mul3A_152 = arith.mulf %get3A_109, %mul3A_151 : vector<64x64xf32>
    %swap3A_153 = arith.constant 0 : index
    %swap3A_154 = arith.constant 640 : index
    %swap3A_155 = vector.load %arg1[%swap3A_153, %swap3A_154] : memref<64x768xf32, #tpu.memory_space<vmem>>, vector<64x64xf32>
    tpu.vector_store %arg1[%swap3A_153, %swap3A_154], %mul3A_152 {strides = array<i32>} : memref<64x768xf32, #tpu.memory_space<vmem>>, vector<64x64xf32>,
    %broadcast_in_dim3A = arith.constant 0.000000e+00 : f32
    %broadcast_in_dim3A_156 = vector.broadcast %broadcast_in_dim3A : f32 to vector<64x64xf32>
    %swap3A_157 = arith.constant 0 : index
    %swap3A_158 = arith.constant 704 : index
    %swap3A_159 = vector.load %arg1[%swap3A_157, %swap3A_158] : memref<64x768xf32, #tpu.memory_space<vmem>>, vector<64x64xf32>
    tpu.vector_store %arg1[%swap3A_157, %swap3A_158], %broadcast_in_dim3A_156 {strides = array<i32>} : memref<64x768xf32, #tpu.memory_space<vmem>>, vector<64x64xf32>,
    return
  }
}

module attributes {stable_mosaic.version = 14 : i64} {
  func.func @_main_body(%arg0: i32, %arg1: memref<8x768xf32, #tpu.memory_space<smem>>, %arg2: memref<1x64x128x128xf32, #tpu.memory_space<vmem>>, %arg3: memref<1x64x128x128xf32, #tpu.memory_space<vmem>>) attributes {dimension_semantics = [#tpu.dimension_semantics<arbitrary>], iteration_bounds = array<i64: 8>, scalar_prefetch = 0 : i64, scratch_operands = 0 : i64, tpu.core_type = #tpu.core_type<tc>, window_params = [{transform_indices = @transform_0, window_bounds = array<i64: 8, 768>}, {transform_indices = @transform_1, window_bounds = array<i64: 1, 64, 128, 128>}, {transform_indices = @transform_2, window_bounds = array<i64: 1, 64, 128, 128>}]} {
    %scan3A = arith.constant 0 : i32
    %scan3A_0 = arith.constant 64 : i32
    %scan3A_1 = arith.addi %scan3A, %scan3A_0 : i32
    %scan3A_2 = arith.constant 32 : i32
    scf.for %scan3A_4 = %scan3A to %scan3A_1 step %scan3A_2  : i32 {
      %get3A = arith.constant 0 : index
      %get3A_5 = arith.index_cast %scan3A_4 : i32 to index
      %get3A_6 = arith.constant 0 : index
      %get3A_7 = arith.constant 0 : index
      %get3A_8 = vector.load %arg2[%get3A, %get3A_5, %get3A_6, %get3A_7] : memref<1x64x128x128xf32, #tpu.memory_space<vmem>>, vector<1x1x128x128xf32>
      %get3A_9 = vector.shape_cast %get3A_8 : vector<1x1x128x128xf32> to vector<128x128xf32>
      %add3A = arith.constant 0 : i32
      %add3A_10 = arith.addi %add3A, %scan3A_4 : i32
      %get3A_11 = arith.index_cast %arg0 : i32 to index
      %get3A_12 = arith.index_cast %add3A_10 : i32 to index
      %get3A_13 = memref.load %arg1[%get3A_11, %get3A_12] : memref<8x768xf32, #tpu.memory_space<smem>>
      %mul3A = vector.broadcast %get3A_13 : f32 to vector<128x128xf32>
      %mul3A_14 = arith.mulf %get3A_9, %mul3A : vector<128x128xf32>
      %add3A_15 = arith.constant 64 : i32
      %add3A_16 = arith.addi %add3A_15, %scan3A_4 : i32
      %get3A_17 = arith.index_cast %arg0 : i32 to index
      %get3A_18 = arith.index_cast %add3A_16 : i32 to index
      %get3A_19 = memref.load %arg1[%get3A_17, %get3A_18] : memref<8x768xf32, #tpu.memory_space<smem>>
      %add3A_20 = vector.broadcast %get3A_19 : f32 to vector<128x128xf32>
      %add3A_21 = arith.addf %mul3A_14, %add3A_20 : vector<128x128xf32>
      %add3A_22 = arith.constant 128 : i32
      %add3A_23 = arith.addi %add3A_22, %scan3A_4 : i32
      %get3A_24 = arith.index_cast %arg0 : i32 to index
      %get3A_25 = arith.index_cast %add3A_23 : i32 to index
      %get3A_26 = memref.load %arg1[%get3A_24, %get3A_25] : memref<8x768xf32, #tpu.memory_space<smem>>
      %mul3A_27 = vector.broadcast %get3A_26 : f32 to vector<128x128xf32>
      %mul3A_28 = arith.mulf %add3A_21, %mul3A_27 : vector<128x128xf32>
      %tanh3A = math.tanh %add3A_21 : vector<128x128xf32>
      %add3A_29 = arith.constant 192 : i32
      %add3A_30 = arith.addi %add3A_29, %scan3A_4 : i32
      %get3A_31 = arith.index_cast %arg0 : i32 to index
      %get3A_32 = arith.index_cast %add3A_30 : i32 to index
      %get3A_33 = memref.load %arg1[%get3A_31, %get3A_32] : memref<8x768xf32, #tpu.memory_space<smem>>
      %mul3A_34 = vector.broadcast %get3A_33 : f32 to vector<128x128xf32>
      %mul3A_35 = arith.mulf %tanh3A, %mul3A_34 : vector<128x128xf32>
      %add3A_36 = arith.addf %mul3A_28, %mul3A_35 : vector<128x128xf32>
      %add3A_37 = arith.constant 256 : i32
      %add3A_38 = arith.addi %add3A_37, %scan3A_4 : i32
      %get3A_39 = arith.index_cast %arg0 : i32 to index
      %get3A_40 = arith.index_cast %add3A_38 : i32 to index
      %get3A_41 = memref.load %arg1[%get3A_39, %get3A_40] : memref<8x768xf32, #tpu.memory_space<smem>>
      %add3A_42 = vector.broadcast %get3A_41 : f32 to vector<128x128xf32>
      %add3A_43 = arith.addf %add3A_36, %add3A_42 : vector<128x128xf32>
      %add3A_44 = arith.constant 320 : i32
      %add3A_45 = arith.addi %add3A_44, %scan3A_4 : i32
      %get3A_46 = arith.index_cast %arg0 : i32 to index
      %get3A_47 = arith.index_cast %add3A_45 : i32 to index
      %get3A_48 = memref.load %arg1[%get3A_46, %get3A_47] : memref<8x768xf32, #tpu.memory_space<smem>>
      %mul3A_49 = vector.broadcast %get3A_48 : f32 to vector<128x128xf32>
      %mul3A_50 = arith.mulf %add3A_43, %mul3A_49 : vector<128x128xf32>
      %tanh3A_51 = math.tanh %add3A_43 : vector<128x128xf32>
      %add3A_52 = arith.constant 384 : i32
      %add3A_53 = arith.addi %add3A_52, %scan3A_4 : i32
      %get3A_54 = arith.index_cast %arg0 : i32 to index
      %get3A_55 = arith.index_cast %add3A_53 : i32 to index
      %get3A_56 = memref.load %arg1[%get3A_54, %get3A_55] : memref<8x768xf32, #tpu.memory_space<smem>>
      %mul3A_57 = vector.broadcast %get3A_56 : f32 to vector<128x128xf32>
      %mul3A_58 = arith.mulf %tanh3A_51, %mul3A_57 : vector<128x128xf32>
      %add3A_59 = arith.addf %mul3A_50, %mul3A_58 : vector<128x128xf32>
      %add3A_60 = arith.constant 448 : i32
      %add3A_61 = arith.addi %add3A_60, %scan3A_4 : i32
      %get3A_62 = arith.index_cast %arg0 : i32 to index
      %get3A_63 = arith.index_cast %add3A_61 : i32 to index
      %get3A_64 = memref.load %arg1[%get3A_62, %get3A_63] : memref<8x768xf32, #tpu.memory_space<smem>>
      %add3A_65 = vector.broadcast %get3A_64 : f32 to vector<128x128xf32>
      %add3A_66 = arith.addf %add3A_59, %add3A_65 : vector<128x128xf32>
      %add3A_67 = arith.constant 512 : i32
      %add3A_68 = arith.addi %add3A_67, %scan3A_4 : i32
      %get3A_69 = arith.index_cast %arg0 : i32 to index
      %get3A_70 = arith.index_cast %add3A_68 : i32 to index
      %get3A_71 = memref.load %arg1[%get3A_69, %get3A_70] : memref<8x768xf32, #tpu.memory_space<smem>>
      %mul3A_72 = vector.broadcast %get3A_71 : f32 to vector<128x128xf32>
      %mul3A_73 = arith.mulf %add3A_66, %mul3A_72 : vector<128x128xf32>
      %tanh3A_74 = math.tanh %add3A_66 : vector<128x128xf32>
      %add3A_75 = arith.constant 576 : i32
      %add3A_76 = arith.addi %add3A_75, %scan3A_4 : i32
      %get3A_77 = arith.index_cast %arg0 : i32 to index
      %get3A_78 = arith.index_cast %add3A_76 : i32 to index
      %get3A_79 = memref.load %arg1[%get3A_77, %get3A_78] : memref<8x768xf32, #tpu.memory_space<smem>>
      %mul3A_80 = vector.broadcast %get3A_79 : f32 to vector<128x128xf32>
      %mul3A_81 = arith.mulf %tanh3A_74, %mul3A_80 : vector<128x128xf32>
      %add3A_82 = arith.addf %mul3A_73, %mul3A_81 : vector<128x128xf32>
      %add3A_83 = arith.constant 640 : i32
      %add3A_84 = arith.addi %add3A_83, %scan3A_4 : i32
      %get3A_85 = arith.index_cast %arg0 : i32 to index
      %get3A_86 = arith.index_cast %add3A_84 : i32 to index
      %get3A_87 = memref.load %arg1[%get3A_85, %get3A_86] : memref<8x768xf32, #tpu.memory_space<smem>>
      %add3A_88 = vector.broadcast %get3A_87 : f32 to vector<128x128xf32>
      %add3A_89 = arith.addf %add3A_82, %add3A_88 : vector<128x128xf32>
      %tanh3A_90 = math.tanh %add3A_89 : vector<128x128xf32>
      %mul3A_91 = arith.constant 5.000000e-01 : f32
      %mul3A_92 = vector.broadcast %mul3A_91 : f32 to vector<128x128xf32>
      %mul3A_93 = arith.mulf %mul3A_92, %tanh3A_90 : vector<128x128xf32>
      %add3A_94 = arith.constant 5.000000e-01 : f32
      %add3A_95 = vector.broadcast %add3A_94 : f32 to vector<128x128xf32>
      %add3A_96 = arith.addf %mul3A_93, %add3A_95 : vector<128x128xf32>
      %swap3A = arith.constant 0 : index
      %swap3A_97 = arith.index_cast %scan3A_4 : i32 to index
      %swap3A_98 = arith.constant 0 : index
      %swap3A_99 = arith.constant 0 : index
      %swap3A_100 = vector.load %arg3[%swap3A, %swap3A_97, %swap3A_98, %swap3A_99] : memref<1x64x128x128xf32, #tpu.memory_space<vmem>>, vector<1x1x128x128xf32>
      %swap3A_101 = vector.shape_cast %swap3A_100 : vector<1x1x128x128xf32> to vector<128x128xf32>
      %swap3A_102 = vector.shape_cast %add3A_96 : vector<128x128xf32> to vector<1x1x128x128xf32>
      tpu.vector_store %arg3[%swap3A, %swap3A_97, %swap3A_98, %swap3A_99], %swap3A_102 {strides = array<i32>} : memref<1x64x128x128xf32, #tpu.memory_space<vmem>>, vector<1x1x128x128xf32>,
      %scan3A_103 = arith.constant 1 : i32
      %scan3A_104 = arith.addi %scan3A_4, %scan3A_103 : i32
      %get3A_105 = arith.constant 0 : index
      %get3A_106 = arith.index_cast %scan3A_104 : i32 to index
      %get3A_107 = arith.constant 0 : index
      %get3A_108 = arith.constant 0 : index
      %get3A_109 = vector.load %arg2[%get3A_105, %get3A_106, %get3A_107, %get3A_108] : memref<1x64x128x128xf32, #tpu.memory_space<vmem>>, vector<1x1x128x128xf32>
      %get3A_110 = vector.shape_cast %get3A_109 : vector<1x1x128x128xf32> to vector<128x128xf32>
      %add3A_111 = arith.constant 0 : i32
      %add3A_112 = arith.addi %add3A_111, %scan3A_104 : i32
      %get3A_113 = arith.index_cast %arg0 : i32 to index
      %get3A_114 = arith.index_cast %add3A_112 : i32 to index
      %get3A_115 = memref.load %arg1[%get3A_113, %get3A_114] : memref<8x768xf32, #tpu.memory_space<smem>>
      %mul3A_116 = vector.broadcast %get3A_115 : f32 to vector<128x128xf32>
      %mul3A_117 = arith.mulf %get3A_110, %mul3A_116 : vector<128x128xf32>
      %add3A_118 = arith.constant 64 : i32
      %add3A_119 = arith.addi %add3A_118, %scan3A_104 : i32
      %get3A_120 = arith.index_cast %arg0 : i32 to index
      %get3A_121 = arith.index_cast %add3A_119 : i32 to index
      %get3A_122 = memref.load %arg1[%get3A_120, %get3A_121] : memref<8x768xf32, #tpu.memory_space<smem>>
      %add3A_123 = vector.broadcast %get3A_122 : f32 to vector<128x128xf32>
      %add3A_124 = arith.addf %mul3A_117, %add3A_123 : vector<128x128xf32>
      %add3A_125 = arith.constant 128 : i32
      %add3A_126 = arith.addi %add3A_125, %scan3A_104 : i32
      %get3A_127 = arith.index_cast %arg0 : i32 to index
      %get3A_128 = arith.index_cast %add3A_126 : i32 to index
      %get3A_129 = memref.load %arg1[%get3A_127, %get3A_128] : memref<8x768xf32, #tpu.memory_space<smem>>
      %mul3A_130 = vector.broadcast %get3A_129 : f32 to vector<128x128xf32>
      %mul3A_131 = arith.mulf %add3A_124, %mul3A_130 : vector<128x128xf32>
      %tanh3A_132 = math.tanh %add3A_124 : vector<128x128xf32>
      %add3A_133 = arith.constant 192 : i32
      %add3A_134 = arith.addi %add3A_133, %scan3A_104 : i32
      %get3A_135 = arith.index_cast %arg0 : i32 to index
      %get3A_136 = arith.index_cast %add3A_134 : i32 to index
      %get3A_137 = memref.load %arg1[%get3A_135, %get3A_136] : memref<8x768xf32, #tpu.memory_space<smem>>
      %mul3A_138 = vector.broadcast %get3A_137 : f32 to vector<128x128xf32>
      %mul3A_139 = arith.mulf %tanh3A_132, %mul3A_138 : vector<128x128xf32>
      %add3A_140 = arith.addf %mul3A_131, %mul3A_139 : vector<128x128xf32>
      %add3A_141 = arith.constant 256 : i32
      %add3A_142 = arith.addi %add3A_141, %scan3A_104 : i32
      %get3A_143 = arith.index_cast %arg0 : i32 to index
      %get3A_144 = arith.index_cast %add3A_142 : i32 to index
      %get3A_145 = memref.load %arg1[%get3A_143, %get3A_144] : memref<8x768xf32, #tpu.memory_space<smem>>
      %add3A_146 = vector.broadcast %get3A_145 : f32 to vector<128x128xf32>
      %add3A_147 = arith.addf %add3A_140, %add3A_146 : vector<128x128xf32>
      %add3A_148 = arith.constant 320 : i32
      %add3A_149 = arith.addi %add3A_148, %scan3A_104 : i32
      %get3A_150 = arith.index_cast %arg0 : i32 to index
      %get3A_151 = arith.index_cast %add3A_149 : i32 to index
      %get3A_152 = memref.load %arg1[%get3A_150, %get3A_151] : memref<8x768xf32, #tpu.memory_space<smem>>
      %mul3A_153 = vector.broadcast %get3A_152 : f32 to vector<128x128xf32>
      %mul3A_154 = arith.mulf %add3A_147, %mul3A_153 : vector<128x128xf32>
      %tanh3A_155 = math.tanh %add3A_147 : vector<128x128xf32>
      %add3A_156 = arith.constant 384 : i32
      %add3A_157 = arith.addi %add3A_156, %scan3A_104 : i32
      %get3A_158 = arith.index_cast %arg0 : i32 to index
      %get3A_159 = arith.index_cast %add3A_157 : i32 to index
      %get3A_160 = memref.load %arg1[%get3A_158, %get3A_159] : memref<8x768xf32, #tpu.memory_space<smem>>
      %mul3A_161 = vector.broadcast %get3A_160 : f32 to vector<128x128xf32>
      %mul3A_162 = arith.mulf %tanh3A_155, %mul3A_161 : vector<128x128xf32>
      %add3A_163 = arith.addf %mul3A_154, %mul3A_162 : vector<128x128xf32>
      %add3A_164 = arith.constant 448 : i32
      %add3A_165 = arith.addi %add3A_164, %scan3A_104 : i32
      %get3A_166 = arith.index_cast %arg0 : i32 to index
      %get3A_167 = arith.index_cast %add3A_165 : i32 to index
      %get3A_168 = memref.load %arg1[%get3A_166, %get3A_167] : memref<8x768xf32, #tpu.memory_space<smem>>
      %add3A_169 = vector.broadcast %get3A_168 : f32 to vector<128x128xf32>
      %add3A_170 = arith.addf %add3A_163, %add3A_169 : vector<128x128xf32>
      %add3A_171 = arith.constant 512 : i32
      %add3A_172 = arith.addi %add3A_171, %scan3A_104 : i32
      %get3A_173 = arith.index_cast %arg0 : i32 to index
      %get3A_174 = arith.index_cast %add3A_172 : i32 to index
      %get3A_175 = memref.load %arg1[%get3A_173, %get3A_174] : memref<8x768xf32, #tpu.memory_space<smem>>
      %mul3A_176 = vector.broadcast %get3A_175 : f32 to vector<128x128xf32>
      %mul3A_177 = arith.mulf %add3A_170, %mul3A_176 : vector<128x128xf32>
      %tanh3A_178 = math.tanh %add3A_170 : vector<128x128xf32>
      %add3A_179 = arith.constant 576 : i32
      %add3A_180 = arith.addi %add3A_179, %scan3A_104 : i32
      %get3A_181 = arith.index_cast %arg0 : i32 to index
      %get3A_182 = arith.index_cast %add3A_180 : i32 to index
      %get3A_183 = memref.load %arg1[%get3A_181, %get3A_182] : memref<8x768xf32, #tpu.memory_space<smem>>
      %mul3A_184 = vector.broadcast %get3A_183 : f32 to vector<128x128xf32>
      %mul3A_185 = arith.mulf %tanh3A_178, %mul3A_184 : vector<128x128xf32>
      %add3A_186 = arith.addf %mul3A_177, %mul3A_185 : vector<128x128xf32>
      %add3A_187 = arith.constant 640 : i32
      %add3A_188 = arith.addi %add3A_187, %scan3A_104 : i32
      %get3A_189 = arith.index_cast %arg0 : i32 to index
      %get3A_190 = arith.index_cast %add3A_188 : i32 to index
      %get3A_191 = memref.load %arg1[%get3A_189, %get3A_190] : memref<8x768xf32, #tpu.memory_space<smem>>
      %add3A_192 = vector.broadcast %get3A_191 : f32 to vector<128x128xf32>
      %add3A_193 = arith.addf %add3A_186, %add3A_192 : vector<128x128xf32>
      %tanh3A_194 = math.tanh %add3A_193 : vector<128x128xf32>
      %mul3A_195 = arith.constant 5.000000e-01 : f32
      %mul3A_196 = vector.broadcast %mul3A_195 : f32 to vector<128x128xf32>
      %mul3A_197 = arith.mulf %mul3A_196, %tanh3A_194 : vector<128x128xf32>
      %add3A_198 = arith.constant 5.000000e-01 : f32
      %add3A_199 = vector.broadcast %add3A_198 : f32 to vector<128x128xf32>
      %add3A_200 = arith.addf %mul3A_197, %add3A_199 : vector<128x128xf32>
      %swap3A_201 = arith.constant 0 : index
      %swap3A_202 = arith.index_cast %scan3A_104 : i32 to index
      %swap3A_203 = arith.constant 0 : index
      %swap3A_204 = arith.constant 0 : index
      %swap3A_205 = vector.load %arg3[%swap3A_201, %swap3A_202, %swap3A_203, %swap3A_204] : memref<1x64x128x128xf32, #tpu.memory_space<vmem>>, vector<1x1x128x128xf32>
      %swap3A_206 = vector.shape_cast %swap3A_205 : vector<1x1x128x128xf32> to vector<128x128xf32>
      %swap3A_207 = vector.shape_cast %add3A_200 : vector<128x128xf32> to vector<1x1x128x128xf32>
      tpu.vector_store %arg3[%swap3A_201, %swap3A_202, %swap3A_203, %swap3A_204], %swap3A_207 {strides = array<i32>} : memref<1x64x128x128xf32, #tpu.memory_space<vmem>>, vector<1x1x128x128xf32>,
      %scan3A_208 = arith.constant 2 : i32
      %scan3A_209 = arith.addi %scan3A_4, %scan3A_208 : i32
      %get3A_210 = arith.constant 0 : index
      %get3A_211 = arith.index_cast %scan3A_209 : i32 to index
      %get3A_212 = arith.constant 0 : index
      %get3A_213 = arith.constant 0 : index
      %get3A_214 = vector.load %arg2[%get3A_210, %get3A_211, %get3A_212, %get3A_213] : memref<1x64x128x128xf32, #tpu.memory_space<vmem>>, vector<1x1x128x128xf32>
      %get3A_215 = vector.shape_cast %get3A_214 : vector<1x1x128x128xf32> to vector<128x128xf32>
      %add3A_216 = arith.constant 0 : i32
      %add3A_217 = arith.addi %add3A_216, %scan3A_209 : i32
      %get3A_218 = arith.index_cast %arg0 : i32 to index
      %get3A_219 = arith.index_cast %add3A_217 : i32 to index
      %get3A_220 = memref.load %arg1[%get3A_218, %get3A_219] : memref<8x768xf32, #tpu.memory_space<smem>>
      %mul3A_221 = vector.broadcast %get3A_220 : f32 to vector<128x128xf32>
      %mul3A_222 = arith.mulf %get3A_215, %mul3A_221 : vector<128x128xf32>
      %add3A_223 = arith.constant 64 : i32
      %add3A_224 = arith.addi %add3A_223, %scan3A_209 : i32
      %get3A_225 = arith.index_cast %arg0 : i32 to index
      %get3A_226 = arith.index_cast %add3A_224 : i32 to index
      %get3A_227 = memref.load %arg1[%get3A_225, %get3A_226] : memref<8x768xf32, #tpu.memory_space<smem>>
      %add3A_228 = vector.broadcast %get3A_227 : f32 to vector<128x128xf32>
      %add3A_229 = arith.addf %mul3A_222, %add3A_228 : vector<128x128xf32>
      %add3A_230 = arith.constant 128 : i32
      %add3A_231 = arith.addi %add3A_230, %scan3A_209 : i32
      %get3A_232 = arith.index_cast %arg0 : i32 to index
      %get3A_233 = arith.index_cast %add3A_231 : i32 to index
      %get3A_234 = memref.load %arg1[%get3A_232, %get3A_233] : memref<8x768xf32, #tpu.memory_space<smem>>
      %mul3A_235 = vector.broadcast %get3A_234 : f32 to vector<128x128xf32>
      %mul3A_236 = arith.mulf %add3A_229, %mul3A_235 : vector<128x128xf32>
      %tanh3A_237 = math.tanh %add3A_229 : vector<128x128xf32>
      %add3A_238 = arith.constant 192 : i32
      %add3A_239 = arith.addi %add3A_238, %scan3A_209 : i32
      %get3A_240 = arith.index_cast %arg0 : i32 to index
      %get3A_241 = arith.index_cast %add3A_239 : i32 to index
      %get3A_242 = memref.load %arg1[%get3A_240, %get3A_241] : memref<8x768xf32, #tpu.memory_space<smem>>
      %mul3A_243 = vector.broadcast %get3A_242 : f32 to vector<128x128xf32>
      %mul3A_244 = arith.mulf %tanh3A_237, %mul3A_243 : vector<128x128xf32>
      %add3A_245 = arith.addf %mul3A_236, %mul3A_244 : vector<128x128xf32>
      %add3A_246 = arith.constant 256 : i32
      %add3A_247 = arith.addi %add3A_246, %scan3A_209 : i32
      %get3A_248 = arith.index_cast %arg0 : i32 to index
      %get3A_249 = arith.index_cast %add3A_247 : i32 to index
      %get3A_250 = memref.load %arg1[%get3A_248, %get3A_249] : memref<8x768xf32, #tpu.memory_space<smem>>
      %add3A_251 = vector.broadcast %get3A_250 : f32 to vector<128x128xf32>
      %add3A_252 = arith.addf %add3A_245, %add3A_251 : vector<128x128xf32>
      %add3A_253 = arith.constant 320 : i32
      %add3A_254 = arith.addi %add3A_253, %scan3A_209 : i32
      %get3A_255 = arith.index_cast %arg0 : i32 to index
      %get3A_256 = arith.index_cast %add3A_254 : i32 to index
      %get3A_257 = memref.load %arg1[%get3A_255, %get3A_256] : memref<8x768xf32, #tpu.memory_space<smem>>
      %mul3A_258 = vector.broadcast %get3A_257 : f32 to vector<128x128xf32>
      %mul3A_259 = arith.mulf %add3A_252, %mul3A_258 : vector<128x128xf32>
      %tanh3A_260 = math.tanh %add3A_252 : vector<128x128xf32>
      %add3A_261 = arith.constant 384 : i32
      %add3A_262 = arith.addi %add3A_261, %scan3A_209 : i32
      %get3A_263 = arith.index_cast %arg0 : i32 to index
      %get3A_264 = arith.index_cast %add3A_262 : i32 to index
      %get3A_265 = memref.load %arg1[%get3A_263, %get3A_264] : memref<8x768xf32, #tpu.memory_space<smem>>
      %mul3A_266 = vector.broadcast %get3A_265 : f32 to vector<128x128xf32>
      %mul3A_267 = arith.mulf %tanh3A_260, %mul3A_266 : vector<128x128xf32>
      %add3A_268 = arith.addf %mul3A_259, %mul3A_267 : vector<128x128xf32>
      %add3A_269 = arith.constant 448 : i32
      %add3A_270 = arith.addi %add3A_269, %scan3A_209 : i32
      %get3A_271 = arith.index_cast %arg0 : i32 to index
      %get3A_272 = arith.index_cast %add3A_270 : i32 to index
      %get3A_273 = memref.load %arg1[%get3A_271, %get3A_272] : memref<8x768xf32, #tpu.memory_space<smem>>
      %add3A_274 = vector.broadcast %get3A_273 : f32 to vector<128x128xf32>
      %add3A_275 = arith.addf %add3A_268, %add3A_274 : vector<128x128xf32>
      %add3A_276 = arith.constant 512 : i32
      %add3A_277 = arith.addi %add3A_276, %scan3A_209 : i32
      %get3A_278 = arith.index_cast %arg0 : i32 to index
      %get3A_279 = arith.index_cast %add3A_277 : i32 to index
      %get3A_280 = memref.load %arg1[%get3A_278, %get3A_279] : memref<8x768xf32, #tpu.memory_space<smem>>
      %mul3A_281 = vector.broadcast %get3A_280 : f32 to vector<128x128xf32>
      %mul3A_282 = arith.mulf %add3A_275, %mul3A_281 : vector<128x128xf32>
      %tanh3A_283 = math.tanh %add3A_275 : vector<128x128xf32>
      %add3A_284 = arith.constant 576 : i32
      %add3A_285 = arith.addi %add3A_284, %scan3A_209 : i32
      %get3A_286 = arith.index_cast %arg0 : i32 to index
      %get3A_287 = arith.index_cast %add3A_285 : i32 to index
      %get3A_288 = memref.load %arg1[%get3A_286, %get3A_287] : memref<8x768xf32, #tpu.memory_space<smem>>
      %mul3A_289 = vector.broadcast %get3A_288 : f32 to vector<128x128xf32>
      %mul3A_290 = arith.mulf %tanh3A_283, %mul3A_289 : vector<128x128xf32>
      %add3A_291 = arith.addf %mul3A_282, %mul3A_290 : vector<128x128xf32>
      %add3A_292 = arith.constant 640 : i32
      %add3A_293 = arith.addi %add3A_292, %scan3A_209 : i32
      %get3A_294 = arith.index_cast %arg0 : i32 to index
      %get3A_295 = arith.index_cast %add3A_293 : i32 to index
      %get3A_296 = memref.load %arg1[%get3A_294, %get3A_295] : memref<8x768xf32, #tpu.memory_space<smem>>
      %add3A_297 = vector.broadcast %get3A_296 : f32 to vector<128x128xf32>
      %add3A_298 = arith.addf %add3A_291, %add3A_297 : vector<128x128xf32>
      %tanh3A_299 = math.tanh %add3A_298 : vector<128x128xf32>
      %mul3A_300 = arith.constant 5.000000e-01 : f32
      %mul3A_301 = vector.broadcast %mul3A_300 : f32 to vector<128x128xf32>
      %mul3A_302 = arith.mulf %mul3A_301, %tanh3A_299 : vector<128x128xf32>
      %add3A_303 = arith.constant 5.000000e-01 : f32
      %add3A_304 = vector.broadcast %add3A_303 : f32 to vector<128x128xf32>
      %add3A_305 = arith.addf %mul3A_302, %add3A_304 : vector<128x128xf32>
      %swap3A_306 = arith.constant 0 : index
      %swap3A_307 = arith.index_cast %scan3A_209 : i32 to index
      %swap3A_308 = arith.constant 0 : index
      %swap3A_309 = arith.constant 0 : index
      %swap3A_310 = vector.load %arg3[%swap3A_306, %swap3A_307, %swap3A_308, %swap3A_309] : memref<1x64x128x128xf32, #tpu.memory_space<vmem>>, vector<1x1x128x128xf32>
      %swap3A_311 = vector.shape_cast %swap3A_310 : vector<1x1x128x128xf32> to vector<128x128xf32>
      %swap3A_312 = vector.shape_cast %add3A_305 : vector<128x128xf32> to vector<1x1x128x128xf32>
      tpu.vector_store %arg3[%swap3A_306, %swap3A_307, %swap3A_308, %swap3A_309], %swap3A_312 {strides = array<i32>} : memref<1x64x128x128xf32, #tpu.memory_space<vmem>>, vector<1x1x128x128xf32>,
      %scan3A_313 = arith.constant 3 : i32
      %scan3A_314 = arith.addi %scan3A_4, %scan3A_313 : i32
      %get3A_315 = arith.constant 0 : index
      %get3A_316 = arith.index_cast %scan3A_314 : i32 to index
      %get3A_317 = arith.constant 0 : index
      %get3A_318 = arith.constant 0 : index
      %get3A_319 = vector.load %arg2[%get3A_315, %get3A_316, %get3A_317, %get3A_318] : memref<1x64x128x128xf32, #tpu.memory_space<vmem>>, vector<1x1x128x128xf32>
      %get3A_320 = vector.shape_cast %get3A_319 : vector<1x1x128x128xf32> to vector<128x128xf32>
      %add3A_321 = arith.constant 0 : i32
      %add3A_322 = arith.addi %add3A_321, %scan3A_314 : i32
      %get3A_323 = arith.index_cast %arg0 : i32 to index
      %get3A_324 = arith.index_cast %add3A_322 : i32 to index
      %get3A_325 = memref.load %arg1[%get3A_323, %get3A_324] : memref<8x768xf32, #tpu.memory_space<smem>>
      %mul3A_326 = vector.broadcast %get3A_325 : f32 to vector<128x128xf32>
      %mul3A_327 = arith.mulf %get3A_320, %mul3A_326 : vector<128x128xf32>
      %add3A_328 = arith.constant 64 : i32
      %add3A_329 = arith.addi %add3A_328, %scan3A_314 : i32
      %get3A_330 = arith.index_cast %arg0 : i32 to index
      %get3A_331 = arith.index_cast %add3A_329 : i32 to index
      %get3A_332 = memref.load %arg1[%get3A_330, %get3A_331] : memref<8x768xf32, #tpu.memory_space<smem>>
      %add3A_333 = vector.broadcast %get3A_332 : f32 to vector<128x128xf32>
      %add3A_334 = arith.addf %mul3A_327, %add3A_333 : vector<128x128xf32>
      %add3A_335 = arith.constant 128 : i32
      %add3A_336 = arith.addi %add3A_335, %scan3A_314 : i32
      %get3A_337 = arith.index_cast %arg0 : i32 to index
      %get3A_338 = arith.index_cast %add3A_336 : i32 to index
      %get3A_339 = memref.load %arg1[%get3A_337, %get3A_338] : memref<8x768xf32, #tpu.memory_space<smem>>
      %mul3A_340 = vector.broadcast %get3A_339 : f32 to vector<128x128xf32>
      %mul3A_341 = arith.mulf %add3A_334, %mul3A_340 : vector<128x128xf32>
      %tanh3A_342 = math.tanh %add3A_334 : vector<128x128xf32>
      %add3A_343 = arith.constant 192 : i32
      %add3A_344 = arith.addi %add3A_343, %scan3A_314 : i32
      %get3A_345 = arith.index_cast %arg0 : i32 to index
      %get3A_346 = arith.index_cast %add3A_344 : i32 to index
      %get3A_347 = memref.load %arg1[%get3A_345, %get3A_346] : memref<8x768xf32, #tpu.memory_space<smem>>
      %mul3A_348 = vector.broadcast %get3A_347 : f32 to vector<128x128xf32>
      %mul3A_349 = arith.mulf %tanh3A_342, %mul3A_348 : vector<128x128xf32>
      %add3A_350 = arith.addf %mul3A_341, %mul3A_349 : vector<128x128xf32>
      %add3A_351 = arith.constant 256 : i32
      %add3A_352 = arith.addi %add3A_351, %scan3A_314 : i32
      %get3A_353 = arith.index_cast %arg0 : i32 to index
      %get3A_354 = arith.index_cast %add3A_352 : i32 to index
      %get3A_355 = memref.load %arg1[%get3A_353, %get3A_354] : memref<8x768xf32, #tpu.memory_space<smem>>
      %add3A_356 = vector.broadcast %get3A_355 : f32 to vector<128x128xf32>
      %add3A_357 = arith.addf %add3A_350, %add3A_356 : vector<128x128xf32>
      %add3A_358 = arith.constant 320 : i32
      %add3A_359 = arith.addi %add3A_358, %scan3A_314 : i32
      %get3A_360 = arith.index_cast %arg0 : i32 to index
      %get3A_361 = arith.index_cast %add3A_359 : i32 to index
      %get3A_362 = memref.load %arg1[%get3A_360, %get3A_361] : memref<8x768xf32, #tpu.memory_space<smem>>
      %mul3A_363 = vector.broadcast %get3A_362 : f32 to vector<128x128xf32>
      %mul3A_364 = arith.mulf %add3A_357, %mul3A_363 : vector<128x128xf32>
      %tanh3A_365 = math.tanh %add3A_357 : vector<128x128xf32>
      %add3A_366 = arith.constant 384 : i32
      %add3A_367 = arith.addi %add3A_366, %scan3A_314 : i32
      %get3A_368 = arith.index_cast %arg0 : i32 to index
      %get3A_369 = arith.index_cast %add3A_367 : i32 to index
      %get3A_370 = memref.load %arg1[%get3A_368, %get3A_369] : memref<8x768xf32, #tpu.memory_space<smem>>
      %mul3A_371 = vector.broadcast %get3A_370 : f32 to vector<128x128xf32>
      %mul3A_372 = arith.mulf %tanh3A_365, %mul3A_371 : vector<128x128xf32>
      %add3A_373 = arith.addf %mul3A_364, %mul3A_372 : vector<128x128xf32>
      %add3A_374 = arith.constant 448 : i32
      %add3A_375 = arith.addi %add3A_374, %scan3A_314 : i32
      %get3A_376 = arith.index_cast %arg0 : i32 to index
      %get3A_377 = arith.index_cast %add3A_375 : i32 to index
      %get3A_378 = memref.load %arg1[%get3A_376, %get3A_377] : memref<8x768xf32, #tpu.memory_space<smem>>
      %add3A_379 = vector.broadcast %get3A_378 : f32 to vector<128x128xf32>
      %add3A_380 = arith.addf %add3A_373, %add3A_379 : vector<128x128xf32>
      %add3A_381 = arith.constant 512 : i32
      %add3A_382 = arith.addi %add3A_381, %scan3A_314 : i32
      %get3A_383 = arith.index_cast %arg0 : i32 to index
      %get3A_384 = arith.index_cast %add3A_382 : i32 to index
      %get3A_385 = memref.load %arg1[%get3A_383, %get3A_384] : memref<8x768xf32, #tpu.memory_space<smem>>
      %mul3A_386 = vector.broadcast %get3A_385 : f32 to vector<128x128xf32>
      %mul3A_387 = arith.mulf %add3A_380, %mul3A_386 : vector<128x128xf32>
      %tanh3A_388 = math.tanh %add3A_380 : vector<128x128xf32>
      %add3A_389 = arith.constant 576 : i32
      %add3A_390 = arith.addi %add3A_389, %scan3A_314 : i32
      %get3A_391 = arith.index_cast %arg0 : i32 to index
      %get3A_392 = arith.index_cast %add3A_390 : i32 to index
      %get3A_393 = memref.load %arg1[%get3A_391, %get3A_392] : memref<8x768xf32, #tpu.memory_space<smem>>
      %mul3A_394 = vector.broadcast %get3A_393 : f32 to vector<128x128xf32>
      %mul3A_395 = arith.mulf %tanh3A_388, %mul3A_394 : vector<128x128xf32>
      %add3A_396 = arith.addf %mul3A_387, %mul3A_395 : vector<128x128xf32>
      %add3A_397 = arith.constant 640 : i32
      %add3A_398 = arith.addi %add3A_397, %scan3A_314 : i32
      %get3A_399 = arith.index_cast %arg0 : i32 to index
      %get3A_400 = arith.index_cast %add3A_398 : i32 to index
      %get3A_401 = memref.load %arg1[%get3A_399, %get3A_400] : memref<8x768xf32, #tpu.memory_space<smem>>
      %add3A_402 = vector.broadcast %get3A_401 : f32 to vector<128x128xf32>
      %add3A_403 = arith.addf %add3A_396, %add3A_402 : vector<128x128xf32>
      %tanh3A_404 = math.tanh %add3A_403 : vector<128x128xf32>
      %mul3A_405 = arith.constant 5.000000e-01 : f32
      %mul3A_406 = vector.broadcast %mul3A_405 : f32 to vector<128x128xf32>
      %mul3A_407 = arith.mulf %mul3A_406, %tanh3A_404 : vector<128x128xf32>
      %add3A_408 = arith.constant 5.000000e-01 : f32
      %add3A_409 = vector.broadcast %add3A_408 : f32 to vector<128x128xf32>
      %add3A_410 = arith.addf %mul3A_407, %add3A_409 : vector<128x128xf32>
      %swap3A_411 = arith.constant 0 : index
      %swap3A_412 = arith.index_cast %scan3A_314 : i32 to index
      %swap3A_413 = arith.constant 0 : index
      %swap3A_414 = arith.constant 0 : index
      %swap3A_415 = vector.load %arg3[%swap3A_411, %swap3A_412, %swap3A_413, %swap3A_414] : memref<1x64x128x128xf32, #tpu.memory_space<vmem>>, vector<1x1x128x128xf32>
      %swap3A_416 = vector.shape_cast %swap3A_415 : vector<1x1x128x128xf32> to vector<128x128xf32>
      %swap3A_417 = vector.shape_cast %add3A_410 : vector<128x128xf32> to vector<1x1x128x128xf32>
      tpu.vector_store %arg3[%swap3A_411, %swap3A_412, %swap3A_413, %swap3A_414], %swap3A_417 {strides = array<i32>} : memref<1x64x128x128xf32, #tpu.memory_space<vmem>>, vector<1x1x128x128xf32>,
      %scan3A_418 = arith.constant 4 : i32
      %scan3A_419 = arith.addi %scan3A_4, %scan3A_418 : i32
      %get3A_420 = arith.constant 0 : index
      %get3A_421 = arith.index_cast %scan3A_419 : i32 to index
      %get3A_422 = arith.constant 0 : index
      %get3A_423 = arith.constant 0 : index
      %get3A_424 = vector.load %arg2[%get3A_420, %get3A_421, %get3A_422, %get3A_423] : memref<1x64x128x128xf32, #tpu.memory_space<vmem>>, vector<1x1x128x128xf32>
      %get3A_425 = vector.shape_cast %get3A_424 : vector<1x1x128x128xf32> to vector<128x128xf32>
      %add3A_426 = arith.constant 0 : i32
      %add3A_427 = arith.addi %add3A_426, %scan3A_419 : i32
      %get3A_428 = arith.index_cast %arg0 : i32 to index
      %get3A_429 = arith.index_cast %add3A_427 : i32 to index
      %get3A_430 = memref.load %arg1[%get3A_428, %get3A_429] : memref<8x768xf32, #tpu.memory_space<smem>>
      %mul3A_431 = vector.broadcast %get3A_430 : f32 to vector<128x128xf32>
      %mul3A_432 = arith.mulf %get3A_425, %mul3A_431 : vector<128x128xf32>
      %add3A_433 = arith.constant 64 : i32
      %add3A_434 = arith.addi %add3A_433, %scan3A_419 : i32
      %get3A_435 = arith.index_cast %arg0 : i32 to index
      %get3A_436 = arith.index_cast %add3A_434 : i32 to index
      %get3A_437 = memref.load %arg1[%get3A_435, %get3A_436] : memref<8x768xf32, #tpu.memory_space<smem>>
      %add3A_438 = vector.broadcast %get3A_437 : f32 to vector<128x128xf32>
      %add3A_439 = arith.addf %mul3A_432, %add3A_438 : vector<128x128xf32>
      %add3A_440 = arith.constant 128 : i32
      %add3A_441 = arith.addi %add3A_440, %scan3A_419 : i32
      %get3A_442 = arith.index_cast %arg0 : i32 to index
      %get3A_443 = arith.index_cast %add3A_441 : i32 to index
      %get3A_444 = memref.load %arg1[%get3A_442, %get3A_443] : memref<8x768xf32, #tpu.memory_space<smem>>
      %mul3A_445 = vector.broadcast %get3A_444 : f32 to vector<128x128xf32>
      %mul3A_446 = arith.mulf %add3A_439, %mul3A_445 : vector<128x128xf32>
      %tanh3A_447 = math.tanh %add3A_439 : vector<128x128xf32>
      %add3A_448 = arith.constant 192 : i32
      %add3A_449 = arith.addi %add3A_448, %scan3A_419 : i32
      %get3A_450 = arith.index_cast %arg0 : i32 to index
      %get3A_451 = arith.index_cast %add3A_449 : i32 to index
      %get3A_452 = memref.load %arg1[%get3A_450, %get3A_451] : memref<8x768xf32, #tpu.memory_space<smem>>
      %mul3A_453 = vector.broadcast %get3A_452 : f32 to vector<128x128xf32>
      %mul3A_454 = arith.mulf %tanh3A_447, %mul3A_453 : vector<128x128xf32>
      %add3A_455 = arith.addf %mul3A_446, %mul3A_454 : vector<128x128xf32>
      %add3A_456 = arith.constant 256 : i32
      %add3A_457 = arith.addi %add3A_456, %scan3A_419 : i32
      %get3A_458 = arith.index_cast %arg0 : i32 to index
      %get3A_459 = arith.index_cast %add3A_457 : i32 to index
      %get3A_460 = memref.load %arg1[%get3A_458, %get3A_459] : memref<8x768xf32, #tpu.memory_space<smem>>
      %add3A_461 = vector.broadcast %get3A_460 : f32 to vector<128x128xf32>
      %add3A_462 = arith.addf %add3A_455, %add3A_461 : vector<128x128xf32>
      %add3A_463 = arith.constant 320 : i32
      %add3A_464 = arith.addi %add3A_463, %scan3A_419 : i32
      %get3A_465 = arith.index_cast %arg0 : i32 to index
      %get3A_466 = arith.index_cast %add3A_464 : i32 to index
      %get3A_467 = memref.load %arg1[%get3A_465, %get3A_466] : memref<8x768xf32, #tpu.memory_space<smem>>
      %mul3A_468 = vector.broadcast %get3A_467 : f32 to vector<128x128xf32>
      %mul3A_469 = arith.mulf %add3A_462, %mul3A_468 : vector<128x128xf32>
      %tanh3A_470 = math.tanh %add3A_462 : vector<128x128xf32>
      %add3A_471 = arith.constant 384 : i32
      %add3A_472 = arith.addi %add3A_471, %scan3A_419 : i32
      %get3A_473 = arith.index_cast %arg0 : i32 to index
      %get3A_474 = arith.index_cast %add3A_472 : i32 to index
      %get3A_475 = memref.load %arg1[%get3A_473, %get3A_474] : memref<8x768xf32, #tpu.memory_space<smem>>
      %mul3A_476 = vector.broadcast %get3A_475 : f32 to vector<128x128xf32>
      %mul3A_477 = arith.mulf %tanh3A_470, %mul3A_476 : vector<128x128xf32>
      %add3A_478 = arith.addf %mul3A_469, %mul3A_477 : vector<128x128xf32>
      %add3A_479 = arith.constant 448 : i32
      %add3A_480 = arith.addi %add3A_479, %scan3A_419 : i32
      %get3A_481 = arith.index_cast %arg0 : i32 to index
      %get3A_482 = arith.index_cast %add3A_480 : i32 to index
      %get3A_483 = memref.load %arg1[%get3A_481, %get3A_482] : memref<8x768xf32, #tpu.memory_space<smem>>
      %add3A_484 = vector.broadcast %get3A_483 : f32 to vector<128x128xf32>
      %add3A_485 = arith.addf %add3A_478, %add3A_484 : vector<128x128xf32>
      %add3A_486 = arith.constant 512 : i32
      %add3A_487 = arith.addi %add3A_486, %scan3A_419 : i32
      %get3A_488 = arith.index_cast %arg0 : i32 to index
      %get3A_489 = arith.index_cast %add3A_487 : i32 to index
      %get3A_490 = memref.load %arg1[%get3A_488, %get3A_489] : memref<8x768xf32, #tpu.memory_space<smem>>
      %mul3A_491 = vector.broadcast %get3A_490 : f32 to vector<128x128xf32>
      %mul3A_492 = arith.mulf %add3A_485, %mul3A_491 : vector<128x128xf32>
      %tanh3A_493 = math.tanh %add3A_485 : vector<128x128xf32>
      %add3A_494 = arith.constant 576 : i32
      %add3A_495 = arith.addi %add3A_494, %scan3A_419 : i32
      %get3A_496 = arith.index_cast %arg0 : i32 to index
      %get3A_497 = arith.index_cast %add3A_495 : i32 to index
      %get3A_498 = memref.load %arg1[%get3A_496, %get3A_497] : memref<8x768xf32, #tpu.memory_space<smem>>
      %mul3A_499 = vector.broadcast %get3A_498 : f32 to vector<128x128xf32>
      %mul3A_500 = arith.mulf %tanh3A_493, %mul3A_499 : vector<128x128xf32>
      %add3A_501 = arith.addf %mul3A_492, %mul3A_500 : vector<128x128xf32>
      %add3A_502 = arith.constant 640 : i32
      %add3A_503 = arith.addi %add3A_502, %scan3A_419 : i32
      %get3A_504 = arith.index_cast %arg0 : i32 to index
      %get3A_505 = arith.index_cast %add3A_503 : i32 to index
      %get3A_506 = memref.load %arg1[%get3A_504, %get3A_505] : memref<8x768xf32, #tpu.memory_space<smem>>
      %add3A_507 = vector.broadcast %get3A_506 : f32 to vector<128x128xf32>
      %add3A_508 = arith.addf %add3A_501, %add3A_507 : vector<128x128xf32>
      %tanh3A_509 = math.tanh %add3A_508 : vector<128x128xf32>
      %mul3A_510 = arith.constant 5.000000e-01 : f32
      %mul3A_511 = vector.broadcast %mul3A_510 : f32 to vector<128x128xf32>
      %mul3A_512 = arith.mulf %mul3A_511, %tanh3A_509 : vector<128x128xf32>
      %add3A_513 = arith.constant 5.000000e-01 : f32
      %add3A_514 = vector.broadcast %add3A_513 : f32 to vector<128x128xf32>
      %add3A_515 = arith.addf %mul3A_512, %add3A_514 : vector<128x128xf32>
      %swap3A_516 = arith.constant 0 : index
      %swap3A_517 = arith.index_cast %scan3A_419 : i32 to index
      %swap3A_518 = arith.constant 0 : index
      %swap3A_519 = arith.constant 0 : index
      %swap3A_520 = vector.load %arg3[%swap3A_516, %swap3A_517, %swap3A_518, %swap3A_519] : memref<1x64x128x128xf32, #tpu.memory_space<vmem>>, vector<1x1x128x128xf32>
      %swap3A_521 = vector.shape_cast %swap3A_520 : vector<1x1x128x128xf32> to vector<128x128xf32>
      %swap3A_522 = vector.shape_cast %add3A_515 : vector<128x128xf32> to vector<1x1x128x128xf32>
      tpu.vector_store %arg3[%swap3A_516, %swap3A_517, %swap3A_518, %swap3A_519], %swap3A_522 {strides = array<i32>} : memref<1x64x128x128xf32, #tpu.memory_space<vmem>>, vector<1x1x128x128xf32>,
      %scan3A_523 = arith.constant 5 : i32
      %scan3A_524 = arith.addi %scan3A_4, %scan3A_523 : i32
      %get3A_525 = arith.constant 0 : index
      %get3A_526 = arith.index_cast %scan3A_524 : i32 to index
      %get3A_527 = arith.constant 0 : index
      %get3A_528 = arith.constant 0 : index
      %get3A_529 = vector.load %arg2[%get3A_525, %get3A_526, %get3A_527, %get3A_528] : memref<1x64x128x128xf32, #tpu.memory_space<vmem>>, vector<1x1x128x128xf32>
      %get3A_530 = vector.shape_cast %get3A_529 : vector<1x1x128x128xf32> to vector<128x128xf32>
      %add3A_531 = arith.constant 0 : i32
      %add3A_532 = arith.addi %add3A_531, %scan3A_524 : i32
      %get3A_533 = arith.index_cast %arg0 : i32 to index
      %get3A_534 = arith.index_cast %add3A_532 : i32 to index
      %get3A_535 = memref.load %arg1[%get3A_533, %get3A_534] : memref<8x768xf32, #tpu.memory_space<smem>>
      %mul3A_536 = vector.broadcast %get3A_535 : f32 to vector<128x128xf32>
      %mul3A_537 = arith.mulf %get3A_530, %mul3A_536 : vector<128x128xf32>
      %add3A_538 = arith.constant 64 : i32
      %add3A_539 = arith.addi %add3A_538, %scan3A_524 : i32
      %get3A_540 = arith.index_cast %arg0 : i32 to index
      %get3A_541 = arith.index_cast %add3A_539 : i32 to index
      %get3A_542 = memref.load %arg1[%get3A_540, %get3A_541] : memref<8x768xf32, #tpu.memory_space<smem>>
      %add3A_543 = vector.broadcast %get3A_542 : f32 to vector<128x128xf32>
      %add3A_544 = arith.addf %mul3A_537, %add3A_543 : vector<128x128xf32>
      %add3A_545 = arith.constant 128 : i32
      %add3A_546 = arith.addi %add3A_545, %scan3A_524 : i32
      %get3A_547 = arith.index_cast %arg0 : i32 to index
      %get3A_548 = arith.index_cast %add3A_546 : i32 to index
      %get3A_549 = memref.load %arg1[%get3A_547, %get3A_548] : memref<8x768xf32, #tpu.memory_space<smem>>
      %mul3A_550 = vector.broadcast %get3A_549 : f32 to vector<128x128xf32>
      %mul3A_551 = arith.mulf %add3A_544, %mul3A_550 : vector<128x128xf32>
      %tanh3A_552 = math.tanh %add3A_544 : vector<128x128xf32>
      %add3A_553 = arith.constant 192 : i32
      %add3A_554 = arith.addi %add3A_553, %scan3A_524 : i32
      %get3A_555 = arith.index_cast %arg0 : i32 to index
      %get3A_556 = arith.index_cast %add3A_554 : i32 to index
      %get3A_557 = memref.load %arg1[%get3A_555, %get3A_556] : memref<8x768xf32, #tpu.memory_space<smem>>
      %mul3A_558 = vector.broadcast %get3A_557 : f32 to vector<128x128xf32>
      %mul3A_559 = arith.mulf %tanh3A_552, %mul3A_558 : vector<128x128xf32>
      %add3A_560 = arith.addf %mul3A_551, %mul3A_559 : vector<128x128xf32>
      %add3A_561 = arith.constant 256 : i32
      %add3A_562 = arith.addi %add3A_561, %scan3A_524 : i32
      %get3A_563 = arith.index_cast %arg0 : i32 to index
      %get3A_564 = arith.index_cast %add3A_562 : i32 to index
      %get3A_565 = memref.load %arg1[%get3A_563, %get3A_564] : memref<8x768xf32, #tpu.memory_space<smem>>
      %add3A_566 = vector.broadcast %get3A_565 : f32 to vector<128x128xf32>
      %add3A_567 = arith.addf %add3A_560, %add3A_566 : vector<128x128xf32>
      %add3A_568 = arith.constant 320 : i32
      %add3A_569 = arith.addi %add3A_568, %scan3A_524 : i32
      %get3A_570 = arith.index_cast %arg0 : i32 to index
      %get3A_571 = arith.index_cast %add3A_569 : i32 to index
      %get3A_572 = memref.load %arg1[%get3A_570, %get3A_571] : memref<8x768xf32, #tpu.memory_space<smem>>
      %mul3A_573 = vector.broadcast %get3A_572 : f32 to vector<128x128xf32>
      %mul3A_574 = arith.mulf %add3A_567, %mul3A_573 : vector<128x128xf32>
      %tanh3A_575 = math.tanh %add3A_567 : vector<128x128xf32>
      %add3A_576 = arith.constant 384 : i32
      %add3A_577 = arith.addi %add3A_576, %scan3A_524 : i32
      %get3A_578 = arith.index_cast %arg0 : i32 to index
      %get3A_579 = arith.index_cast %add3A_577 : i32 to index
      %get3A_580 = memref.load %arg1[%get3A_578, %get3A_579] : memref<8x768xf32, #tpu.memory_space<smem>>
      %mul3A_581 = vector.broadcast %get3A_580 : f32 to vector<128x128xf32>
      %mul3A_582 = arith.mulf %tanh3A_575, %mul3A_581 : vector<128x128xf32>
      %add3A_583 = arith.addf %mul3A_574, %mul3A_582 : vector<128x128xf32>
      %add3A_584 = arith.constant 448 : i32
      %add3A_585 = arith.addi %add3A_584, %scan3A_524 : i32
      %get3A_586 = arith.index_cast %arg0 : i32 to index
      %get3A_587 = arith.index_cast %add3A_585 : i32 to index
      %get3A_588 = memref.load %arg1[%get3A_586, %get3A_587] : memref<8x768xf32, #tpu.memory_space<smem>>
      %add3A_589 = vector.broadcast %get3A_588 : f32 to vector<128x128xf32>
      %add3A_590 = arith.addf %add3A_583, %add3A_589 : vector<128x128xf32>
      %add3A_591 = arith.constant 512 : i32
      %add3A_592 = arith.addi %add3A_591, %scan3A_524 : i32
      %get3A_593 = arith.index_cast %arg0 : i32 to index
      %get3A_594 = arith.index_cast %add3A_592 : i32 to index
      %get3A_595 = memref.load %arg1[%get3A_593, %get3A_594] : memref<8x768xf32, #tpu.memory_space<smem>>
      %mul3A_596 = vector.broadcast %get3A_595 : f32 to vector<128x128xf32>
      %mul3A_597 = arith.mulf %add3A_590, %mul3A_596 : vector<128x128xf32>
      %tanh3A_598 = math.tanh %add3A_590 : vector<128x128xf32>
      %add3A_599 = arith.constant 576 : i32
      %add3A_600 = arith.addi %add3A_599, %scan3A_524 : i32
      %get3A_601 = arith.index_cast %arg0 : i32 to index
      %get3A_602 = arith.index_cast %add3A_600 : i32 to index
      %get3A_603 = memref.load %arg1[%get3A_601, %get3A_602] : memref<8x768xf32, #tpu.memory_space<smem>>
      %mul3A_604 = vector.broadcast %get3A_603 : f32 to vector<128x128xf32>
      %mul3A_605 = arith.mulf %tanh3A_598, %mul3A_604 : vector<128x128xf32>
      %add3A_606 = arith.addf %mul3A_597, %mul3A_605 : vector<128x128xf32>
      %add3A_607 = arith.constant 640 : i32
      %add3A_608 = arith.addi %add3A_607, %scan3A_524 : i32
      %get3A_609 = arith.index_cast %arg0 : i32 to index
      %get3A_610 = arith.index_cast %add3A_608 : i32 to index
      %get3A_611 = memref.load %arg1[%get3A_609, %get3A_610] : memref<8x768xf32, #tpu.memory_space<smem>>
      %add3A_612 = vector.broadcast %get3A_611 : f32 to vector<128x128xf32>
      %add3A_613 = arith.addf %add3A_606, %add3A_612 : vector<128x128xf32>
      %tanh3A_614 = math.tanh %add3A_613 : vector<128x128xf32>
      %mul3A_615 = arith.constant 5.000000e-01 : f32
      %mul3A_616 = vector.broadcast %mul3A_615 : f32 to vector<128x128xf32>
      %mul3A_617 = arith.mulf %mul3A_616, %tanh3A_614 : vector<128x128xf32>
      %add3A_618 = arith.constant 5.000000e-01 : f32
      %add3A_619 = vector.broadcast %add3A_618 : f32 to vector<128x128xf32>
      %add3A_620 = arith.addf %mul3A_617, %add3A_619 : vector<128x128xf32>
      %swap3A_621 = arith.constant 0 : index
      %swap3A_622 = arith.index_cast %scan3A_524 : i32 to index
      %swap3A_623 = arith.constant 0 : index
      %swap3A_624 = arith.constant 0 : index
      %swap3A_625 = vector.load %arg3[%swap3A_621, %swap3A_622, %swap3A_623, %swap3A_624] : memref<1x64x128x128xf32, #tpu.memory_space<vmem>>, vector<1x1x128x128xf32>
      %swap3A_626 = vector.shape_cast %swap3A_625 : vector<1x1x128x128xf32> to vector<128x128xf32>
      %swap3A_627 = vector.shape_cast %add3A_620 : vector<128x128xf32> to vector<1x1x128x128xf32>
      tpu.vector_store %arg3[%swap3A_621, %swap3A_622, %swap3A_623, %swap3A_624], %swap3A_627 {strides = array<i32>} : memref<1x64x128x128xf32, #tpu.memory_space<vmem>>, vector<1x1x128x128xf32>,
      %scan3A_628 = arith.constant 6 : i32
      %scan3A_629 = arith.addi %scan3A_4, %scan3A_628 : i32
      %get3A_630 = arith.constant 0 : index
      %get3A_631 = arith.index_cast %scan3A_629 : i32 to index
      %get3A_632 = arith.constant 0 : index
      %get3A_633 = arith.constant 0 : index
      %get3A_634 = vector.load %arg2[%get3A_630, %get3A_631, %get3A_632, %get3A_633] : memref<1x64x128x128xf32, #tpu.memory_space<vmem>>, vector<1x1x128x128xf32>
      %get3A_635 = vector.shape_cast %get3A_634 : vector<1x1x128x128xf32> to vector<128x128xf32>
      %add3A_636 = arith.constant 0 : i32
      %add3A_637 = arith.addi %add3A_636, %scan3A_629 : i32
      %get3A_638 = arith.index_cast %arg0 : i32 to index
      %get3A_639 = arith.index_cast %add3A_637 : i32 to index
      %get3A_640 = memref.load %arg1[%get3A_638, %get3A_639] : memref<8x768xf32, #tpu.memory_space<smem>>
      %mul3A_641 = vector.broadcast %get3A_640 : f32 to vector<128x128xf32>
      %mul3A_642 = arith.mulf %get3A_635, %mul3A_641 : vector<128x128xf32>
      %add3A_643 = arith.constant 64 : i32
      %add3A_644 = arith.addi %add3A_643, %scan3A_629 : i32
      %get3A_645 = arith.index_cast %arg0 : i32 to index
      %get3A_646 = arith.index_cast %add3A_644 : i32 to index
      %get3A_647 = memref.load %arg1[%get3A_645, %get3A_646] : memref<8x768xf32, #tpu.memory_space<smem>>
      %add3A_648 = vector.broadcast %get3A_647 : f32 to vector<128x128xf32>
      %add3A_649 = arith.addf %mul3A_642, %add3A_648 : vector<128x128xf32>
      %add3A_650 = arith.constant 128 : i32
      %add3A_651 = arith.addi %add3A_650, %scan3A_629 : i32
      %get3A_652 = arith.index_cast %arg0 : i32 to index
      %get3A_653 = arith.index_cast %add3A_651 : i32 to index
      %get3A_654 = memref.load %arg1[%get3A_652, %get3A_653] : memref<8x768xf32, #tpu.memory_space<smem>>
      %mul3A_655 = vector.broadcast %get3A_654 : f32 to vector<128x128xf32>
      %mul3A_656 = arith.mulf %add3A_649, %mul3A_655 : vector<128x128xf32>
      %tanh3A_657 = math.tanh %add3A_649 : vector<128x128xf32>
      %add3A_658 = arith.constant 192 : i32
      %add3A_659 = arith.addi %add3A_658, %scan3A_629 : i32
      %get3A_660 = arith.index_cast %arg0 : i32 to index
      %get3A_661 = arith.index_cast %add3A_659 : i32 to index
      %get3A_662 = memref.load %arg1[%get3A_660, %get3A_661] : memref<8x768xf32, #tpu.memory_space<smem>>
      %mul3A_663 = vector.broadcast %get3A_662 : f32 to vector<128x128xf32>
      %mul3A_664 = arith.mulf %tanh3A_657, %mul3A_663 : vector<128x128xf32>
      %add3A_665 = arith.addf %mul3A_656, %mul3A_664 : vector<128x128xf32>
      %add3A_666 = arith.constant 256 : i32
      %add3A_667 = arith.addi %add3A_666, %scan3A_629 : i32
      %get3A_668 = arith.index_cast %arg0 : i32 to index
      %get3A_669 = arith.index_cast %add3A_667 : i32 to index
      %get3A_670 = memref.load %arg1[%get3A_668, %get3A_669] : memref<8x768xf32, #tpu.memory_space<smem>>
      %add3A_671 = vector.broadcast %get3A_670 : f32 to vector<128x128xf32>
      %add3A_672 = arith.addf %add3A_665, %add3A_671 : vector<128x128xf32>
      %add3A_673 = arith.constant 320 : i32
      %add3A_674 = arith.addi %add3A_673, %scan3A_629 : i32
      %get3A_675 = arith.index_cast %arg0 : i32 to index
      %get3A_676 = arith.index_cast %add3A_674 : i32 to index
      %get3A_677 = memref.load %arg1[%get3A_675, %get3A_676] : memref<8x768xf32, #tpu.memory_space<smem>>
      %mul3A_678 = vector.broadcast %get3A_677 : f32 to vector<128x128xf32>
      %mul3A_679 = arith.mulf %add3A_672, %mul3A_678 : vector<128x128xf32>
      %tanh3A_680 = math.tanh %add3A_672 : vector<128x128xf32>
      %add3A_681 = arith.constant 384 : i32
      %add3A_682 = arith.addi %add3A_681, %scan3A_629 : i32
      %get3A_683 = arith.index_cast %arg0 : i32 to index
      %get3A_684 = arith.index_cast %add3A_682 : i32 to index
      %get3A_685 = memref.load %arg1[%get3A_683, %get3A_684] : memref<8x768xf32, #tpu.memory_space<smem>>
      %mul3A_686 = vector.broadcast %get3A_685 : f32 to vector<128x128xf32>
      %mul3A_687 = arith.mulf %tanh3A_680, %mul3A_686 : vector<128x128xf32>
      %add3A_688 = arith.addf %mul3A_679, %mul3A_687 : vector<128x128xf32>
      %add3A_689 = arith.constant 448 : i32
      %add3A_690 = arith.addi %add3A_689, %scan3A_629 : i32
      %get3A_691 = arith.index_cast %arg0 : i32 to index
      %get3A_692 = arith.index_cast %add3A_690 : i32 to index
      %get3A_693 = memref.load %arg1[%get3A_691, %get3A_692] : memref<8x768xf32, #tpu.memory_space<smem>>
      %add3A_694 = vector.broadcast %get3A_693 : f32 to vector<128x128xf32>
      %add3A_695 = arith.addf %add3A_688, %add3A_694 : vector<128x128xf32>
      %add3A_696 = arith.constant 512 : i32
      %add3A_697 = arith.addi %add3A_696, %scan3A_629 : i32
      %get3A_698 = arith.index_cast %arg0 : i32 to index
      %get3A_699 = arith.index_cast %add3A_697 : i32 to index
      %get3A_700 = memref.load %arg1[%get3A_698, %get3A_699] : memref<8x768xf32, #tpu.memory_space<smem>>
      %mul3A_701 = vector.broadcast %get3A_700 : f32 to vector<128x128xf32>
      %mul3A_702 = arith.mulf %add3A_695, %mul3A_701 : vector<128x128xf32>
      %tanh3A_703 = math.tanh %add3A_695 : vector<128x128xf32>
      %add3A_704 = arith.constant 576 : i32
      %add3A_705 = arith.addi %add3A_704, %scan3A_629 : i32
      %get3A_706 = arith.index_cast %arg0 : i32 to index
      %get3A_707 = arith.index_cast %add3A_705 : i32 to index
      %get3A_708 = memref.load %arg1[%get3A_706, %get3A_707] : memref<8x768xf32, #tpu.memory_space<smem>>
      %mul3A_709 = vector.broadcast %get3A_708 : f32 to vector<128x128xf32>
      %mul3A_710 = arith.mulf %tanh3A_703, %mul3A_709 : vector<128x128xf32>
      %add3A_711 = arith.addf %mul3A_702, %mul3A_710 : vector<128x128xf32>
      %add3A_712 = arith.constant 640 : i32
      %add3A_713 = arith.addi %add3A_712, %scan3A_629 : i32
      %get3A_714 = arith.index_cast %arg0 : i32 to index
      %get3A_715 = arith.index_cast %add3A_713 : i32 to index
      %get3A_716 = memref.load %arg1[%get3A_714, %get3A_715] : memref<8x768xf32, #tpu.memory_space<smem>>
      %add3A_717 = vector.broadcast %get3A_716 : f32 to vector<128x128xf32>
      %add3A_718 = arith.addf %add3A_711, %add3A_717 : vector<128x128xf32>
      %tanh3A_719 = math.tanh %add3A_718 : vector<128x128xf32>
      %mul3A_720 = arith.constant 5.000000e-01 : f32
      %mul3A_721 = vector.broadcast %mul3A_720 : f32 to vector<128x128xf32>
      %mul3A_722 = arith.mulf %mul3A_721, %tanh3A_719 : vector<128x128xf32>
      %add3A_723 = arith.constant 5.000000e-01 : f32
      %add3A_724 = vector.broadcast %add3A_723 : f32 to vector<128x128xf32>
      %add3A_725 = arith.addf %mul3A_722, %add3A_724 : vector<128x128xf32>
      %swap3A_726 = arith.constant 0 : index
      %swap3A_727 = arith.index_cast %scan3A_629 : i32 to index
      %swap3A_728 = arith.constant 0 : index
      %swap3A_729 = arith.constant 0 : index
      %swap3A_730 = vector.load %arg3[%swap3A_726, %swap3A_727, %swap3A_728, %swap3A_729] : memref<1x64x128x128xf32, #tpu.memory_space<vmem>>, vector<1x1x128x128xf32>
      %swap3A_731 = vector.shape_cast %swap3A_730 : vector<1x1x128x128xf32> to vector<128x128xf32>
      %swap3A_732 = vector.shape_cast %add3A_725 : vector<128x128xf32> to vector<1x1x128x128xf32>
      tpu.vector_store %arg3[%swap3A_726, %swap3A_727, %swap3A_728, %swap3A_729], %swap3A_732 {strides = array<i32>} : memref<1x64x128x128xf32, #tpu.memory_space<vmem>>, vector<1x1x128x128xf32>,
      %scan3A_733 = arith.constant 7 : i32
      %scan3A_734 = arith.addi %scan3A_4, %scan3A_733 : i32
      %get3A_735 = arith.constant 0 : index
      %get3A_736 = arith.index_cast %scan3A_734 : i32 to index
      %get3A_737 = arith.constant 0 : index
      %get3A_738 = arith.constant 0 : index
      %get3A_739 = vector.load %arg2[%get3A_735, %get3A_736, %get3A_737, %get3A_738] : memref<1x64x128x128xf32, #tpu.memory_space<vmem>>, vector<1x1x128x128xf32>
      %get3A_740 = vector.shape_cast %get3A_739 : vector<1x1x128x128xf32> to vector<128x128xf32>
      %add3A_741 = arith.constant 0 : i32
      %add3A_742 = arith.addi %add3A_741, %scan3A_734 : i32
      %get3A_743 = arith.index_cast %arg0 : i32 to index
      %get3A_744 = arith.index_cast %add3A_742 : i32 to index
      %get3A_745 = memref.load %arg1[%get3A_743, %get3A_744] : memref<8x768xf32, #tpu.memory_space<smem>>
      %mul3A_746 = vector.broadcast %get3A_745 : f32 to vector<128x128xf32>
      %mul3A_747 = arith.mulf %get3A_740, %mul3A_746 : vector<128x128xf32>
      %add3A_748 = arith.constant 64 : i32
      %add3A_749 = arith.addi %add3A_748, %scan3A_734 : i32
      %get3A_750 = arith.index_cast %arg0 : i32 to index
      %get3A_751 = arith.index_cast %add3A_749 : i32 to index
      %get3A_752 = memref.load %arg1[%get3A_750, %get3A_751] : memref<8x768xf32, #tpu.memory_space<smem>>
      %add3A_753 = vector.broadcast %get3A_752 : f32 to vector<128x128xf32>
      %add3A_754 = arith.addf %mul3A_747, %add3A_753 : vector<128x128xf32>
      %add3A_755 = arith.constant 128 : i32
      %add3A_756 = arith.addi %add3A_755, %scan3A_734 : i32
      %get3A_757 = arith.index_cast %arg0 : i32 to index
      %get3A_758 = arith.index_cast %add3A_756 : i32 to index
      %get3A_759 = memref.load %arg1[%get3A_757, %get3A_758] : memref<8x768xf32, #tpu.memory_space<smem>>
      %mul3A_760 = vector.broadcast %get3A_759 : f32 to vector<128x128xf32>
      %mul3A_761 = arith.mulf %add3A_754, %mul3A_760 : vector<128x128xf32>
      %tanh3A_762 = math.tanh %add3A_754 : vector<128x128xf32>
      %add3A_763 = arith.constant 192 : i32
      %add3A_764 = arith.addi %add3A_763, %scan3A_734 : i32
      %get3A_765 = arith.index_cast %arg0 : i32 to index
      %get3A_766 = arith.index_cast %add3A_764 : i32 to index
      %get3A_767 = memref.load %arg1[%get3A_765, %get3A_766] : memref<8x768xf32, #tpu.memory_space<smem>>
      %mul3A_768 = vector.broadcast %get3A_767 : f32 to vector<128x128xf32>
      %mul3A_769 = arith.mulf %tanh3A_762, %mul3A_768 : vector<128x128xf32>
      %add3A_770 = arith.addf %mul3A_761, %mul3A_769 : vector<128x128xf32>
      %add3A_771 = arith.constant 256 : i32
      %add3A_772 = arith.addi %add3A_771, %scan3A_734 : i32
      %get3A_773 = arith.index_cast %arg0 : i32 to index
      %get3A_774 = arith.index_cast %add3A_772 : i32 to index
      %get3A_775 = memref.load %arg1[%get3A_773, %get3A_774] : memref<8x768xf32, #tpu.memory_space<smem>>
      %add3A_776 = vector.broadcast %get3A_775 : f32 to vector<128x128xf32>
      %add3A_777 = arith.addf %add3A_770, %add3A_776 : vector<128x128xf32>
      %add3A_778 = arith.constant 320 : i32
      %add3A_779 = arith.addi %add3A_778, %scan3A_734 : i32
      %get3A_780 = arith.index_cast %arg0 : i32 to index
      %get3A_781 = arith.index_cast %add3A_779 : i32 to index
      %get3A_782 = memref.load %arg1[%get3A_780, %get3A_781] : memref<8x768xf32, #tpu.memory_space<smem>>
      %mul3A_783 = vector.broadcast %get3A_782 : f32 to vector<128x128xf32>
      %mul3A_784 = arith.mulf %add3A_777, %mul3A_783 : vector<128x128xf32>
      %tanh3A_785 = math.tanh %add3A_777 : vector<128x128xf32>
      %add3A_786 = arith.constant 384 : i32
      %add3A_787 = arith.addi %add3A_786, %scan3A_734 : i32
      %get3A_788 = arith.index_cast %arg0 : i32 to index
      %get3A_789 = arith.index_cast %add3A_787 : i32 to index
      %get3A_790 = memref.load %arg1[%get3A_788, %get3A_789] : memref<8x768xf32, #tpu.memory_space<smem>>
      %mul3A_791 = vector.broadcast %get3A_790 : f32 to vector<128x128xf32>
      %mul3A_792 = arith.mulf %tanh3A_785, %mul3A_791 : vector<128x128xf32>
      %add3A_793 = arith.addf %mul3A_784, %mul3A_792 : vector<128x128xf32>
      %add3A_794 = arith.constant 448 : i32
      %add3A_795 = arith.addi %add3A_794, %scan3A_734 : i32
      %get3A_796 = arith.index_cast %arg0 : i32 to index
      %get3A_797 = arith.index_cast %add3A_795 : i32 to index
      %get3A_798 = memref.load %arg1[%get3A_796, %get3A_797] : memref<8x768xf32, #tpu.memory_space<smem>>
      %add3A_799 = vector.broadcast %get3A_798 : f32 to vector<128x128xf32>
      %add3A_800 = arith.addf %add3A_793, %add3A_799 : vector<128x128xf32>
      %add3A_801 = arith.constant 512 : i32
      %add3A_802 = arith.addi %add3A_801, %scan3A_734 : i32
      %get3A_803 = arith.index_cast %arg0 : i32 to index
      %get3A_804 = arith.index_cast %add3A_802 : i32 to index
      %get3A_805 = memref.load %arg1[%get3A_803, %get3A_804] : memref<8x768xf32, #tpu.memory_space<smem>>
      %mul3A_806 = vector.broadcast %get3A_805 : f32 to vector<128x128xf32>
      %mul3A_807 = arith.mulf %add3A_800, %mul3A_806 : vector<128x128xf32>
      %tanh3A_808 = math.tanh %add3A_800 : vector<128x128xf32>
      %add3A_809 = arith.constant 576 : i32
      %add3A_810 = arith.addi %add3A_809, %scan3A_734 : i32
      %get3A_811 = arith.index_cast %arg0 : i32 to index
      %get3A_812 = arith.index_cast %add3A_810 : i32 to index
      %get3A_813 = memref.load %arg1[%get3A_811, %get3A_812] : memref<8x768xf32, #tpu.memory_space<smem>>
      %mul3A_814 = vector.broadcast %get3A_813 : f32 to vector<128x128xf32>
      %mul3A_815 = arith.mulf %tanh3A_808, %mul3A_814 : vector<128x128xf32>
      %add3A_816 = arith.addf %mul3A_807, %mul3A_815 : vector<128x128xf32>
      %add3A_817 = arith.constant 640 : i32
      %add3A_818 = arith.addi %add3A_817, %scan3A_734 : i32
      %get3A_819 = arith.index_cast %arg0 : i32 to index
      %get3A_820 = arith.index_cast %add3A_818 : i32 to index
      %get3A_821 = memref.load %arg1[%get3A_819, %get3A_820] : memref<8x768xf32, #tpu.memory_space<smem>>
      %add3A_822 = vector.broadcast %get3A_821 : f32 to vector<128x128xf32>
      %add3A_823 = arith.addf %add3A_816, %add3A_822 : vector<128x128xf32>
      %tanh3A_824 = math.tanh %add3A_823 : vector<128x128xf32>
      %mul3A_825 = arith.constant 5.000000e-01 : f32
      %mul3A_826 = vector.broadcast %mul3A_825 : f32 to vector<128x128xf32>
      %mul3A_827 = arith.mulf %mul3A_826, %tanh3A_824 : vector<128x128xf32>
      %add3A_828 = arith.constant 5.000000e-01 : f32
      %add3A_829 = vector.broadcast %add3A_828 : f32 to vector<128x128xf32>
      %add3A_830 = arith.addf %mul3A_827, %add3A_829 : vector<128x128xf32>
      %swap3A_831 = arith.constant 0 : index
      %swap3A_832 = arith.index_cast %scan3A_734 : i32 to index
      %swap3A_833 = arith.constant 0 : index
      %swap3A_834 = arith.constant 0 : index
      %swap3A_835 = vector.load %arg3[%swap3A_831, %swap3A_832, %swap3A_833, %swap3A_834] : memref<1x64x128x128xf32, #tpu.memory_space<vmem>>, vector<1x1x128x128xf32>
      %swap3A_836 = vector.shape_cast %swap3A_835 : vector<1x1x128x128xf32> to vector<128x128xf32>
      %swap3A_837 = vector.shape_cast %add3A_830 : vector<128x128xf32> to vector<1x1x128x128xf32>
      tpu.vector_store %arg3[%swap3A_831, %swap3A_832, %swap3A_833, %swap3A_834], %swap3A_837 {strides = array<i32>} : memref<1x64x128x128xf32, #tpu.memory_space<vmem>>, vector<1x1x128x128xf32>,
      %scan3A_838 = arith.constant 8 : i32
      %scan3A_839 = arith.addi %scan3A_4, %scan3A_838 : i32
      %get3A_840 = arith.constant 0 : index
      %get3A_841 = arith.index_cast %scan3A_839 : i32 to index
      %get3A_842 = arith.constant 0 : index
      %get3A_843 = arith.constant 0 : index
      %get3A_844 = vector.load %arg2[%get3A_840, %get3A_841, %get3A_842, %get3A_843] : memref<1x64x128x128xf32, #tpu.memory_space<vmem>>, vector<1x1x128x128xf32>
      %get3A_845 = vector.shape_cast %get3A_844 : vector<1x1x128x128xf32> to vector<128x128xf32>
      %add3A_846 = arith.constant 0 : i32
      %add3A_847 = arith.addi %add3A_846, %scan3A_839 : i32
      %get3A_848 = arith.index_cast %arg0 : i32 to index
      %get3A_849 = arith.index_cast %add3A_847 : i32 to index
      %get3A_850 = memref.load %arg1[%get3A_848, %get3A_849] : memref<8x768xf32, #tpu.memory_space<smem>>
      %mul3A_851 = vector.broadcast %get3A_850 : f32 to vector<128x128xf32>
      %mul3A_852 = arith.mulf %get3A_845, %mul3A_851 : vector<128x128xf32>
      %add3A_853 = arith.constant 64 : i32
      %add3A_854 = arith.addi %add3A_853, %scan3A_839 : i32
      %get3A_855 = arith.index_cast %arg0 : i32 to index
      %get3A_856 = arith.index_cast %add3A_854 : i32 to index
      %get3A_857 = memref.load %arg1[%get3A_855, %get3A_856] : memref<8x768xf32, #tpu.memory_space<smem>>
      %add3A_858 = vector.broadcast %get3A_857 : f32 to vector<128x128xf32>
      %add3A_859 = arith.addf %mul3A_852, %add3A_858 : vector<128x128xf32>
      %add3A_860 = arith.constant 128 : i32
      %add3A_861 = arith.addi %add3A_860, %scan3A_839 : i32
      %get3A_862 = arith.index_cast %arg0 : i32 to index
      %get3A_863 = arith.index_cast %add3A_861 : i32 to index
      %get3A_864 = memref.load %arg1[%get3A_862, %get3A_863] : memref<8x768xf32, #tpu.memory_space<smem>>
      %mul3A_865 = vector.broadcast %get3A_864 : f32 to vector<128x128xf32>
      %mul3A_866 = arith.mulf %add3A_859, %mul3A_865 : vector<128x128xf32>
      %tanh3A_867 = math.tanh %add3A_859 : vector<128x128xf32>
      %add3A_868 = arith.constant 192 : i32
      %add3A_869 = arith.addi %add3A_868, %scan3A_839 : i32
      %get3A_870 = arith.index_cast %arg0 : i32 to index
      %get3A_871 = arith.index_cast %add3A_869 : i32 to index
      %get3A_872 = memref.load %arg1[%get3A_870, %get3A_871] : memref<8x768xf32, #tpu.memory_space<smem>>
      %mul3A_873 = vector.broadcast %get3A_872 : f32 to vector<128x128xf32>
      %mul3A_874 = arith.mulf %tanh3A_867, %mul3A_873 : vector<128x128xf32>
      %add3A_875 = arith.addf %mul3A_866, %mul3A_874 : vector<128x128xf32>
      %add3A_876 = arith.constant 256 : i32
      %add3A_877 = arith.addi %add3A_876, %scan3A_839 : i32
      %get3A_878 = arith.index_cast %arg0 : i32 to index
      %get3A_879 = arith.index_cast %add3A_877 : i32 to index
      %get3A_880 = memref.load %arg1[%get3A_878, %get3A_879] : memref<8x768xf32, #tpu.memory_space<smem>>
      %add3A_881 = vector.broadcast %get3A_880 : f32 to vector<128x128xf32>
      %add3A_882 = arith.addf %add3A_875, %add3A_881 : vector<128x128xf32>
      %add3A_883 = arith.constant 320 : i32
      %add3A_884 = arith.addi %add3A_883, %scan3A_839 : i32
      %get3A_885 = arith.index_cast %arg0 : i32 to index
      %get3A_886 = arith.index_cast %add3A_884 : i32 to index
      %get3A_887 = memref.load %arg1[%get3A_885, %get3A_886] : memref<8x768xf32, #tpu.memory_space<smem>>
      %mul3A_888 = vector.broadcast %get3A_887 : f32 to vector<128x128xf32>
      %mul3A_889 = arith.mulf %add3A_882, %mul3A_888 : vector<128x128xf32>
      %tanh3A_890 = math.tanh %add3A_882 : vector<128x128xf32>
      %add3A_891 = arith.constant 384 : i32
      %add3A_892 = arith.addi %add3A_891, %scan3A_839 : i32
      %get3A_893 = arith.index_cast %arg0 : i32 to index
      %get3A_894 = arith.index_cast %add3A_892 : i32 to index
      %get3A_895 = memref.load %arg1[%get3A_893, %get3A_894] : memref<8x768xf32, #tpu.memory_space<smem>>
      %mul3A_896 = vector.broadcast %get3A_895 : f32 to vector<128x128xf32>
      %mul3A_897 = arith.mulf %tanh3A_890, %mul3A_896 : vector<128x128xf32>
      %add3A_898 = arith.addf %mul3A_889, %mul3A_897 : vector<128x128xf32>
      %add3A_899 = arith.constant 448 : i32
      %add3A_900 = arith.addi %add3A_899, %scan3A_839 : i32
      %get3A_901 = arith.index_cast %arg0 : i32 to index
      %get3A_902 = arith.index_cast %add3A_900 : i32 to index
      %get3A_903 = memref.load %arg1[%get3A_901, %get3A_902] : memref<8x768xf32, #tpu.memory_space<smem>>
      %add3A_904 = vector.broadcast %get3A_903 : f32 to vector<128x128xf32>
      %add3A_905 = arith.addf %add3A_898, %add3A_904 : vector<128x128xf32>
      %add3A_906 = arith.constant 512 : i32
      %add3A_907 = arith.addi %add3A_906, %scan3A_839 : i32
      %get3A_908 = arith.index_cast %arg0 : i32 to index
      %get3A_909 = arith.index_cast %add3A_907 : i32 to index
      %get3A_910 = memref.load %arg1[%get3A_908, %get3A_909] : memref<8x768xf32, #tpu.memory_space<smem>>
      %mul3A_911 = vector.broadcast %get3A_910 : f32 to vector<128x128xf32>
      %mul3A_912 = arith.mulf %add3A_905, %mul3A_911 : vector<128x128xf32>
      %tanh3A_913 = math.tanh %add3A_905 : vector<128x128xf32>
      %add3A_914 = arith.constant 576 : i32
      %add3A_915 = arith.addi %add3A_914, %scan3A_839 : i32
      %get3A_916 = arith.index_cast %arg0 : i32 to index
      %get3A_917 = arith.index_cast %add3A_915 : i32 to index
      %get3A_918 = memref.load %arg1[%get3A_916, %get3A_917] : memref<8x768xf32, #tpu.memory_space<smem>>
      %mul3A_919 = vector.broadcast %get3A_918 : f32 to vector<128x128xf32>
      %mul3A_920 = arith.mulf %tanh3A_913, %mul3A_919 : vector<128x128xf32>
      %add3A_921 = arith.addf %mul3A_912, %mul3A_920 : vector<128x128xf32>
      %add3A_922 = arith.constant 640 : i32
      %add3A_923 = arith.addi %add3A_922, %scan3A_839 : i32
      %get3A_924 = arith.index_cast %arg0 : i32 to index
      %get3A_925 = arith.index_cast %add3A_923 : i32 to index
      %get3A_926 = memref.load %arg1[%get3A_924, %get3A_925] : memref<8x768xf32, #tpu.memory_space<smem>>
      %add3A_927 = vector.broadcast %get3A_926 : f32 to vector<128x128xf32>
      %add3A_928 = arith.addf %add3A_921, %add3A_927 : vector<128x128xf32>
      %tanh3A_929 = math.tanh %add3A_928 : vector<128x128xf32>
      %mul3A_930 = arith.constant 5.000000e-01 : f32
      %mul3A_931 = vector.broadcast %mul3A_930 : f32 to vector<128x128xf32>
      %mul3A_932 = arith.mulf %mul3A_931, %tanh3A_929 : vector<128x128xf32>
      %add3A_933 = arith.constant 5.000000e-01 : f32
      %add3A_934 = vector.broadcast %add3A_933 : f32 to vector<128x128xf32>
      %add3A_935 = arith.addf %mul3A_932, %add3A_934 : vector<128x128xf32>
      %swap3A_936 = arith.constant 0 : index
      %swap3A_937 = arith.index_cast %scan3A_839 : i32 to index
      %swap3A_938 = arith.constant 0 : index
      %swap3A_939 = arith.constant 0 : index
      %swap3A_940 = vector.load %arg3[%swap3A_936, %swap3A_937, %swap3A_938, %swap3A_939] : memref<1x64x128x128xf32, #tpu.memory_space<vmem>>, vector<1x1x128x128xf32>
      %swap3A_941 = vector.shape_cast %swap3A_940 : vector<1x1x128x128xf32> to vector<128x128xf32>
      %swap3A_942 = vector.shape_cast %add3A_935 : vector<128x128xf32> to vector<1x1x128x128xf32>
      tpu.vector_store %arg3[%swap3A_936, %swap3A_937, %swap3A_938, %swap3A_939], %swap3A_942 {strides = array<i32>} : memref<1x64x128x128xf32, #tpu.memory_space<vmem>>, vector<1x1x128x128xf32>,
      %scan3A_943 = arith.constant 9 : i32
      %scan3A_944 = arith.addi %scan3A_4, %scan3A_943 : i32
      %get3A_945 = arith.constant 0 : index
      %get3A_946 = arith.index_cast %scan3A_944 : i32 to index
      %get3A_947 = arith.constant 0 : index
      %get3A_948 = arith.constant 0 : index
      %get3A_949 = vector.load %arg2[%get3A_945, %get3A_946, %get3A_947, %get3A_948] : memref<1x64x128x128xf32, #tpu.memory_space<vmem>>, vector<1x1x128x128xf32>
      %get3A_950 = vector.shape_cast %get3A_949 : vector<1x1x128x128xf32> to vector<128x128xf32>
      %add3A_951 = arith.constant 0 : i32
      %add3A_952 = arith.addi %add3A_951, %scan3A_944 : i32
      %get3A_953 = arith.index_cast %arg0 : i32 to index
      %get3A_954 = arith.index_cast %add3A_952 : i32 to index
      %get3A_955 = memref.load %arg1[%get3A_953, %get3A_954] : memref<8x768xf32, #tpu.memory_space<smem>>
      %mul3A_956 = vector.broadcast %get3A_955 : f32 to vector<128x128xf32>
      %mul3A_957 = arith.mulf %get3A_950, %mul3A_956 : vector<128x128xf32>
      %add3A_958 = arith.constant 64 : i32
      %add3A_959 = arith.addi %add3A_958, %scan3A_944 : i32
      %get3A_960 = arith.index_cast %arg0 : i32 to index
      %get3A_961 = arith.index_cast %add3A_959 : i32 to index
      %get3A_962 = memref.load %arg1[%get3A_960, %get3A_961] : memref<8x768xf32, #tpu.memory_space<smem>>
      %add3A_963 = vector.broadcast %get3A_962 : f32 to vector<128x128xf32>
      %add3A_964 = arith.addf %mul3A_957, %add3A_963 : vector<128x128xf32>
      %add3A_965 = arith.constant 128 : i32
      %add3A_966 = arith.addi %add3A_965, %scan3A_944 : i32
      %get3A_967 = arith.index_cast %arg0 : i32 to index
      %get3A_968 = arith.index_cast %add3A_966 : i32 to index
      %get3A_969 = memref.load %arg1[%get3A_967, %get3A_968] : memref<8x768xf32, #tpu.memory_space<smem>>
      %mul3A_970 = vector.broadcast %get3A_969 : f32 to vector<128x128xf32>
      %mul3A_971 = arith.mulf %add3A_964, %mul3A_970 : vector<128x128xf32>
      %tanh3A_972 = math.tanh %add3A_964 : vector<128x128xf32>
      %add3A_973 = arith.constant 192 : i32
      %add3A_974 = arith.addi %add3A_973, %scan3A_944 : i32
      %get3A_975 = arith.index_cast %arg0 : i32 to index
      %get3A_976 = arith.index_cast %add3A_974 : i32 to index
      %get3A_977 = memref.load %arg1[%get3A_975, %get3A_976] : memref<8x768xf32, #tpu.memory_space<smem>>
      %mul3A_978 = vector.broadcast %get3A_977 : f32 to vector<128x128xf32>
      %mul3A_979 = arith.mulf %tanh3A_972, %mul3A_978 : vector<128x128xf32>
      %add3A_980 = arith.addf %mul3A_971, %mul3A_979 : vector<128x128xf32>
      %add3A_981 = arith.constant 256 : i32
      %add3A_982 = arith.addi %add3A_981, %scan3A_944 : i32
      %get3A_983 = arith.index_cast %arg0 : i32 to index
      %get3A_984 = arith.index_cast %add3A_982 : i32 to index
      %get3A_985 = memref.load %arg1[%get3A_983, %get3A_984] : memref<8x768xf32, #tpu.memory_space<smem>>
      %add3A_986 = vector.broadcast %get3A_985 : f32 to vector<128x128xf32>
      %add3A_987 = arith.addf %add3A_980, %add3A_986 : vector<128x128xf32>
      %add3A_988 = arith.constant 320 : i32
      %add3A_989 = arith.addi %add3A_988, %scan3A_944 : i32
      %get3A_990 = arith.index_cast %arg0 : i32 to index
      %get3A_991 = arith.index_cast %add3A_989 : i32 to index
      %get3A_992 = memref.load %arg1[%get3A_990, %get3A_991] : memref<8x768xf32, #tpu.memory_space<smem>>
      %mul3A_993 = vector.broadcast %get3A_992 : f32 to vector<128x128xf32>
      %mul3A_994 = arith.mulf %add3A_987, %mul3A_993 : vector<128x128xf32>
      %tanh3A_995 = math.tanh %add3A_987 : vector<128x128xf32>
      %add3A_996 = arith.constant 384 : i32
      %add3A_997 = arith.addi %add3A_996, %scan3A_944 : i32
      %get3A_998 = arith.index_cast %arg0 : i32 to index
      %get3A_999 = arith.index_cast %add3A_997 : i32 to index
      %get3A_1000 = memref.load %arg1[%get3A_998, %get3A_999] : memref<8x768xf32, #tpu.memory_space<smem>>
      %mul3A_1001 = vector.broadcast %get3A_1000 : f32 to vector<128x128xf32>
      %mul3A_1002 = arith.mulf %tanh3A_995, %mul3A_1001 : vector<128x128xf32>
      %add3A_1003 = arith.addf %mul3A_994, %mul3A_1002 : vector<128x128xf32>
      %add3A_1004 = arith.constant 448 : i32
      %add3A_1005 = arith.addi %add3A_1004, %scan3A_944 : i32
      %get3A_1006 = arith.index_cast %arg0 : i32 to index
      %get3A_1007 = arith.index_cast %add3A_1005 : i32 to index
      %get3A_1008 = memref.load %arg1[%get3A_1006, %get3A_1007] : memref<8x768xf32, #tpu.memory_space<smem>>
      %add3A_1009 = vector.broadcast %get3A_1008 : f32 to vector<128x128xf32>
      %add3A_1010 = arith.addf %add3A_1003, %add3A_1009 : vector<128x128xf32>
      %add3A_1011 = arith.constant 512 : i32
      %add3A_1012 = arith.addi %add3A_1011, %scan3A_944 : i32
      %get3A_1013 = arith.index_cast %arg0 : i32 to index
      %get3A_1014 = arith.index_cast %add3A_1012 : i32 to index
      %get3A_1015 = memref.load %arg1[%get3A_1013, %get3A_1014] : memref<8x768xf32, #tpu.memory_space<smem>>
      %mul3A_1016 = vector.broadcast %get3A_1015 : f32 to vector<128x128xf32>
      %mul3A_1017 = arith.mulf %add3A_1010, %mul3A_1016 : vector<128x128xf32>
      %tanh3A_1018 = math.tanh %add3A_1010 : vector<128x128xf32>
      %add3A_1019 = arith.constant 576 : i32
      %add3A_1020 = arith.addi %add3A_1019, %scan3A_944 : i32
      %get3A_1021 = arith.index_cast %arg0 : i32 to index
      %get3A_1022 = arith.index_cast %add3A_1020 : i32 to index
      %get3A_1023 = memref.load %arg1[%get3A_1021, %get3A_1022] : memref<8x768xf32, #tpu.memory_space<smem>>
      %mul3A_1024 = vector.broadcast %get3A_1023 : f32 to vector<128x128xf32>
      %mul3A_1025 = arith.mulf %tanh3A_1018, %mul3A_1024 : vector<128x128xf32>
      %add3A_1026 = arith.addf %mul3A_1017, %mul3A_1025 : vector<128x128xf32>
      %add3A_1027 = arith.constant 640 : i32
      %add3A_1028 = arith.addi %add3A_1027, %scan3A_944 : i32
      %get3A_1029 = arith.index_cast %arg0 : i32 to index
      %get3A_1030 = arith.index_cast %add3A_1028 : i32 to index
      %get3A_1031 = memref.load %arg1[%get3A_1029, %get3A_1030] : memref<8x768xf32, #tpu.memory_space<smem>>
      %add3A_1032 = vector.broadcast %get3A_1031 : f32 to vector<128x128xf32>
      %add3A_1033 = arith.addf %add3A_1026, %add3A_1032 : vector<128x128xf32>
      %tanh3A_1034 = math.tanh %add3A_1033 : vector<128x128xf32>
      %mul3A_1035 = arith.constant 5.000000e-01 : f32
      %mul3A_1036 = vector.broadcast %mul3A_1035 : f32 to vector<128x128xf32>
      %mul3A_1037 = arith.mulf %mul3A_1036, %tanh3A_1034 : vector<128x128xf32>
      %add3A_1038 = arith.constant 5.000000e-01 : f32
      %add3A_1039 = vector.broadcast %add3A_1038 : f32 to vector<128x128xf32>
      %add3A_1040 = arith.addf %mul3A_1037, %add3A_1039 : vector<128x128xf32>
      %swap3A_1041 = arith.constant 0 : index
      %swap3A_1042 = arith.index_cast %scan3A_944 : i32 to index
      %swap3A_1043 = arith.constant 0 : index
      %swap3A_1044 = arith.constant 0 : index
      %swap3A_1045 = vector.load %arg3[%swap3A_1041, %swap3A_1042, %swap3A_1043, %swap3A_1044] : memref<1x64x128x128xf32, #tpu.memory_space<vmem>>, vector<1x1x128x128xf32>
      %swap3A_1046 = vector.shape_cast %swap3A_1045 : vector<1x1x128x128xf32> to vector<128x128xf32>
      %swap3A_1047 = vector.shape_cast %add3A_1040 : vector<128x128xf32> to vector<1x1x128x128xf32>
      tpu.vector_store %arg3[%swap3A_1041, %swap3A_1042, %swap3A_1043, %swap3A_1044], %swap3A_1047 {strides = array<i32>} : memref<1x64x128x128xf32, #tpu.memory_space<vmem>>, vector<1x1x128x128xf32>,
      %scan3A_1048 = arith.constant 10 : i32
      %scan3A_1049 = arith.addi %scan3A_4, %scan3A_1048 : i32
      %get3A_1050 = arith.constant 0 : index
      %get3A_1051 = arith.index_cast %scan3A_1049 : i32 to index
      %get3A_1052 = arith.constant 0 : index
      %get3A_1053 = arith.constant 0 : index
      %get3A_1054 = vector.load %arg2[%get3A_1050, %get3A_1051, %get3A_1052, %get3A_1053] : memref<1x64x128x128xf32, #tpu.memory_space<vmem>>, vector<1x1x128x128xf32>
      %get3A_1055 = vector.shape_cast %get3A_1054 : vector<1x1x128x128xf32> to vector<128x128xf32>
      %add3A_1056 = arith.constant 0 : i32
      %add3A_1057 = arith.addi %add3A_1056, %scan3A_1049 : i32
      %get3A_1058 = arith.index_cast %arg0 : i32 to index
      %get3A_1059 = arith.index_cast %add3A_1057 : i32 to index
      %get3A_1060 = memref.load %arg1[%get3A_1058, %get3A_1059] : memref<8x768xf32, #tpu.memory_space<smem>>
      %mul3A_1061 = vector.broadcast %get3A_1060 : f32 to vector<128x128xf32>
      %mul3A_1062 = arith.mulf %get3A_1055, %mul3A_1061 : vector<128x128xf32>
      %add3A_1063 = arith.constant 64 : i32
      %add3A_1064 = arith.addi %add3A_1063, %scan3A_1049 : i32
      %get3A_1065 = arith.index_cast %arg0 : i32 to index
      %get3A_1066 = arith.index_cast %add3A_1064 : i32 to index
      %get3A_1067 = memref.load %arg1[%get3A_1065, %get3A_1066] : memref<8x768xf32, #tpu.memory_space<smem>>
      %add3A_1068 = vector.broadcast %get3A_1067 : f32 to vector<128x128xf32>
      %add3A_1069 = arith.addf %mul3A_1062, %add3A_1068 : vector<128x128xf32>
      %add3A_1070 = arith.constant 128 : i32
      %add3A_1071 = arith.addi %add3A_1070, %scan3A_1049 : i32
      %get3A_1072 = arith.index_cast %arg0 : i32 to index
      %get3A_1073 = arith.index_cast %add3A_1071 : i32 to index
      %get3A_1074 = memref.load %arg1[%get3A_1072, %get3A_1073] : memref<8x768xf32, #tpu.memory_space<smem>>
      %mul3A_1075 = vector.broadcast %get3A_1074 : f32 to vector<128x128xf32>
      %mul3A_1076 = arith.mulf %add3A_1069, %mul3A_1075 : vector<128x128xf32>
      %tanh3A_1077 = math.tanh %add3A_1069 : vector<128x128xf32>
      %add3A_1078 = arith.constant 192 : i32
      %add3A_1079 = arith.addi %add3A_1078, %scan3A_1049 : i32
      %get3A_1080 = arith.index_cast %arg0 : i32 to index
      %get3A_1081 = arith.index_cast %add3A_1079 : i32 to index
      %get3A_1082 = memref.load %arg1[%get3A_1080, %get3A_1081] : memref<8x768xf32, #tpu.memory_space<smem>>
      %mul3A_1083 = vector.broadcast %get3A_1082 : f32 to vector<128x128xf32>
      %mul3A_1084 = arith.mulf %tanh3A_1077, %mul3A_1083 : vector<128x128xf32>
      %add3A_1085 = arith.addf %mul3A_1076, %mul3A_1084 : vector<128x128xf32>
      %add3A_1086 = arith.constant 256 : i32
      %add3A_1087 = arith.addi %add3A_1086, %scan3A_1049 : i32
      %get3A_1088 = arith.index_cast %arg0 : i32 to index
      %get3A_1089 = arith.index_cast %add3A_1087 : i32 to index
      %get3A_1090 = memref.load %arg1[%get3A_1088, %get3A_1089] : memref<8x768xf32, #tpu.memory_space<smem>>
      %add3A_1091 = vector.broadcast %get3A_1090 : f32 to vector<128x128xf32>
      %add3A_1092 = arith.addf %add3A_1085, %add3A_1091 : vector<128x128xf32>
      %add3A_1093 = arith.constant 320 : i32
      %add3A_1094 = arith.addi %add3A_1093, %scan3A_1049 : i32
      %get3A_1095 = arith.index_cast %arg0 : i32 to index
      %get3A_1096 = arith.index_cast %add3A_1094 : i32 to index
      %get3A_1097 = memref.load %arg1[%get3A_1095, %get3A_1096] : memref<8x768xf32, #tpu.memory_space<smem>>
      %mul3A_1098 = vector.broadcast %get3A_1097 : f32 to vector<128x128xf32>
      %mul3A_1099 = arith.mulf %add3A_1092, %mul3A_1098 : vector<128x128xf32>
      %tanh3A_1100 = math.tanh %add3A_1092 : vector<128x128xf32>
      %add3A_1101 = arith.constant 384 : i32
      %add3A_1102 = arith.addi %add3A_1101, %scan3A_1049 : i32
      %get3A_1103 = arith.index_cast %arg0 : i32 to index
      %get3A_1104 = arith.index_cast %add3A_1102 : i32 to index
      %get3A_1105 = memref.load %arg1[%get3A_1103, %get3A_1104] : memref<8x768xf32, #tpu.memory_space<smem>>
      %mul3A_1106 = vector.broadcast %get3A_1105 : f32 to vector<128x128xf32>
      %mul3A_1107 = arith.mulf %tanh3A_1100, %mul3A_1106 : vector<128x128xf32>
      %add3A_1108 = arith.addf %mul3A_1099, %mul3A_1107 : vector<128x128xf32>
      %add3A_1109 = arith.constant 448 : i32
      %add3A_1110 = arith.addi %add3A_1109, %scan3A_1049 : i32
      %get3A_1111 = arith.index_cast %arg0 : i32 to index
      %get3A_1112 = arith.index_cast %add3A_1110 : i32 to index
      %get3A_1113 = memref.load %arg1[%get3A_1111, %get3A_1112] : memref<8x768xf32, #tpu.memory_space<smem>>
      %add3A_1114 = vector.broadcast %get3A_1113 : f32 to vector<128x128xf32>
      %add3A_1115 = arith.addf %add3A_1108, %add3A_1114 : vector<128x128xf32>
      %add3A_1116 = arith.constant 512 : i32
      %add3A_1117 = arith.addi %add3A_1116, %scan3A_1049 : i32
      %get3A_1118 = arith.index_cast %arg0 : i32 to index
      %get3A_1119 = arith.index_cast %add3A_1117 : i32 to index
      %get3A_1120 = memref.load %arg1[%get3A_1118, %get3A_1119] : memref<8x768xf32, #tpu.memory_space<smem>>
      %mul3A_1121 = vector.broadcast %get3A_1120 : f32 to vector<128x128xf32>
      %mul3A_1122 = arith.mulf %add3A_1115, %mul3A_1121 : vector<128x128xf32>
      %tanh3A_1123 = math.tanh %add3A_1115 : vector<128x128xf32>
      %add3A_1124 = arith.constant 576 : i32
      %add3A_1125 = arith.addi %add3A_1124, %scan3A_1049 : i32
      %get3A_1126 = arith.index_cast %arg0 : i32 to index
      %get3A_1127 = arith.index_cast %add3A_1125 : i32 to index
      %get3A_1128 = memref.load %arg1[%get3A_1126, %get3A_1127] : memref<8x768xf32, #tpu.memory_space<smem>>
      %mul3A_1129 = vector.broadcast %get3A_1128 : f32 to vector<128x128xf32>
      %mul3A_1130 = arith.mulf %tanh3A_1123, %mul3A_1129 : vector<128x128xf32>
      %add3A_1131 = arith.addf %mul3A_1122, %mul3A_1130 : vector<128x128xf32>
      %add3A_1132 = arith.constant 640 : i32
      %add3A_1133 = arith.addi %add3A_1132, %scan3A_1049 : i32
      %get3A_1134 = arith.index_cast %arg0 : i32 to index
      %get3A_1135 = arith.index_cast %add3A_1133 : i32 to index
      %get3A_1136 = memref.load %arg1[%get3A_1134, %get3A_1135] : memref<8x768xf32, #tpu.memory_space<smem>>
      %add3A_1137 = vector.broadcast %get3A_1136 : f32 to vector<128x128xf32>
      %add3A_1138 = arith.addf %add3A_1131, %add3A_1137 : vector<128x128xf32>
      %tanh3A_1139 = math.tanh %add3A_1138 : vector<128x128xf32>
      %mul3A_1140 = arith.constant 5.000000e-01 : f32
      %mul3A_1141 = vector.broadcast %mul3A_1140 : f32 to vector<128x128xf32>
      %mul3A_1142 = arith.mulf %mul3A_1141, %tanh3A_1139 : vector<128x128xf32>
      %add3A_1143 = arith.constant 5.000000e-01 : f32
      %add3A_1144 = vector.broadcast %add3A_1143 : f32 to vector<128x128xf32>
      %add3A_1145 = arith.addf %mul3A_1142, %add3A_1144 : vector<128x128xf32>
      %swap3A_1146 = arith.constant 0 : index
      %swap3A_1147 = arith.index_cast %scan3A_1049 : i32 to index
      %swap3A_1148 = arith.constant 0 : index
      %swap3A_1149 = arith.constant 0 : index
      %swap3A_1150 = vector.load %arg3[%swap3A_1146, %swap3A_1147, %swap3A_1148, %swap3A_1149] : memref<1x64x128x128xf32, #tpu.memory_space<vmem>>, vector<1x1x128x128xf32>
      %swap3A_1151 = vector.shape_cast %swap3A_1150 : vector<1x1x128x128xf32> to vector<128x128xf32>
      %swap3A_1152 = vector.shape_cast %add3A_1145 : vector<128x128xf32> to vector<1x1x128x128xf32>
      tpu.vector_store %arg3[%swap3A_1146, %swap3A_1147, %swap3A_1148, %swap3A_1149], %swap3A_1152 {strides = array<i32>} : memref<1x64x128x128xf32, #tpu.memory_space<vmem>>, vector<1x1x128x128xf32>,
      %scan3A_1153 = arith.constant 11 : i32
      %scan3A_1154 = arith.addi %scan3A_4, %scan3A_1153 : i32
      %get3A_1155 = arith.constant 0 : index
      %get3A_1156 = arith.index_cast %scan3A_1154 : i32 to index
      %get3A_1157 = arith.constant 0 : index
      %get3A_1158 = arith.constant 0 : index
      %get3A_1159 = vector.load %arg2[%get3A_1155, %get3A_1156, %get3A_1157, %get3A_1158] : memref<1x64x128x128xf32, #tpu.memory_space<vmem>>, vector<1x1x128x128xf32>
      %get3A_1160 = vector.shape_cast %get3A_1159 : vector<1x1x128x128xf32> to vector<128x128xf32>
      %add3A_1161 = arith.constant 0 : i32
      %add3A_1162 = arith.addi %add3A_1161, %scan3A_1154 : i32
      %get3A_1163 = arith.index_cast %arg0 : i32 to index
      %get3A_1164 = arith.index_cast %add3A_1162 : i32 to index
      %get3A_1165 = memref.load %arg1[%get3A_1163, %get3A_1164] : memref<8x768xf32, #tpu.memory_space<smem>>
      %mul3A_1166 = vector.broadcast %get3A_1165 : f32 to vector<128x128xf32>
      %mul3A_1167 = arith.mulf %get3A_1160, %mul3A_1166 : vector<128x128xf32>
      %add3A_1168 = arith.constant 64 : i32
      %add3A_1169 = arith.addi %add3A_1168, %scan3A_1154 : i32
      %get3A_1170 = arith.index_cast %arg0 : i32 to index
      %get3A_1171 = arith.index_cast %add3A_1169 : i32 to index
      %get3A_1172 = memref.load %arg1[%get3A_1170, %get3A_1171] : memref<8x768xf32, #tpu.memory_space<smem>>
      %add3A_1173 = vector.broadcast %get3A_1172 : f32 to vector<128x128xf32>
      %add3A_1174 = arith.addf %mul3A_1167, %add3A_1173 : vector<128x128xf32>
      %add3A_1175 = arith.constant 128 : i32
      %add3A_1176 = arith.addi %add3A_1175, %scan3A_1154 : i32
      %get3A_1177 = arith.index_cast %arg0 : i32 to index
      %get3A_1178 = arith.index_cast %add3A_1176 : i32 to index
      %get3A_1179 = memref.load %arg1[%get3A_1177, %get3A_1178] : memref<8x768xf32, #tpu.memory_space<smem>>
      %mul3A_1180 = vector.broadcast %get3A_1179 : f32 to vector<128x128xf32>
      %mul3A_1181 = arith.mulf %add3A_1174, %mul3A_1180 : vector<128x128xf32>
      %tanh3A_1182 = math.tanh %add3A_1174 : vector<128x128xf32>
      %add3A_1183 = arith.constant 192 : i32
      %add3A_1184 = arith.addi %add3A_1183, %scan3A_1154 : i32
      %get3A_1185 = arith.index_cast %arg0 : i32 to index
      %get3A_1186 = arith.index_cast %add3A_1184 : i32 to index
      %get3A_1187 = memref.load %arg1[%get3A_1185, %get3A_1186] : memref<8x768xf32, #tpu.memory_space<smem>>
      %mul3A_1188 = vector.broadcast %get3A_1187 : f32 to vector<128x128xf32>
      %mul3A_1189 = arith.mulf %tanh3A_1182, %mul3A_1188 : vector<128x128xf32>
      %add3A_1190 = arith.addf %mul3A_1181, %mul3A_1189 : vector<128x128xf32>
      %add3A_1191 = arith.constant 256 : i32
      %add3A_1192 = arith.addi %add3A_1191, %scan3A_1154 : i32
      %get3A_1193 = arith.index_cast %arg0 : i32 to index
      %get3A_1194 = arith.index_cast %add3A_1192 : i32 to index
      %get3A_1195 = memref.load %arg1[%get3A_1193, %get3A_1194] : memref<8x768xf32, #tpu.memory_space<smem>>
      %add3A_1196 = vector.broadcast %get3A_1195 : f32 to vector<128x128xf32>
      %add3A_1197 = arith.addf %add3A_1190, %add3A_1196 : vector<128x128xf32>
      %add3A_1198 = arith.constant 320 : i32
      %add3A_1199 = arith.addi %add3A_1198, %scan3A_1154 : i32
      %get3A_1200 = arith.index_cast %arg0 : i32 to index
      %get3A_1201 = arith.index_cast %add3A_1199 : i32 to index
      %get3A_1202 = memref.load %arg1[%get3A_1200, %get3A_1201] : memref<8x768xf32, #tpu.memory_space<smem>>
      %mul3A_1203 = vector.broadcast %get3A_1202 : f32 to vector<128x128xf32>
      %mul3A_1204 = arith.mulf %add3A_1197, %mul3A_1203 : vector<128x128xf32>
      %tanh3A_1205 = math.tanh %add3A_1197 : vector<128x128xf32>
      %add3A_1206 = arith.constant 384 : i32
      %add3A_1207 = arith.addi %add3A_1206, %scan3A_1154 : i32
      %get3A_1208 = arith.index_cast %arg0 : i32 to index
      %get3A_1209 = arith.index_cast %add3A_1207 : i32 to index
      %get3A_1210 = memref.load %arg1[%get3A_1208, %get3A_1209] : memref<8x768xf32, #tpu.memory_space<smem>>
      %mul3A_1211 = vector.broadcast %get3A_1210 : f32 to vector<128x128xf32>
      %mul3A_1212 = arith.mulf %tanh3A_1205, %mul3A_1211 : vector<128x128xf32>
      %add3A_1213 = arith.addf %mul3A_1204, %mul3A_1212 : vector<128x128xf32>
      %add3A_1214 = arith.constant 448 : i32
      %add3A_1215 = arith.addi %add3A_1214, %scan3A_1154 : i32
      %get3A_1216 = arith.index_cast %arg0 : i32 to index
      %get3A_1217 = arith.index_cast %add3A_1215 : i32 to index
      %get3A_1218 = memref.load %arg1[%get3A_1216, %get3A_1217] : memref<8x768xf32, #tpu.memory_space<smem>>
      %add3A_1219 = vector.broadcast %get3A_1218 : f32 to vector<128x128xf32>
      %add3A_1220 = arith.addf %add3A_1213, %add3A_1219 : vector<128x128xf32>
      %add3A_1221 = arith.constant 512 : i32
      %add3A_1222 = arith.addi %add3A_1221, %scan3A_1154 : i32
      %get3A_1223 = arith.index_cast %arg0 : i32 to index
      %get3A_1224 = arith.index_cast %add3A_1222 : i32 to index
      %get3A_1225 = memref.load %arg1[%get3A_1223, %get3A_1224] : memref<8x768xf32, #tpu.memory_space<smem>>
      %mul3A_1226 = vector.broadcast %get3A_1225 : f32 to vector<128x128xf32>
      %mul3A_1227 = arith.mulf %add3A_1220, %mul3A_1226 : vector<128x128xf32>
      %tanh3A_1228 = math.tanh %add3A_1220 : vector<128x128xf32>
      %add3A_1229 = arith.constant 576 : i32
      %add3A_1230 = arith.addi %add3A_1229, %scan3A_1154 : i32
      %get3A_1231 = arith.index_cast %arg0 : i32 to index
      %get3A_1232 = arith.index_cast %add3A_1230 : i32 to index
      %get3A_1233 = memref.load %arg1[%get3A_1231, %get3A_1232] : memref<8x768xf32, #tpu.memory_space<smem>>
      %mul3A_1234 = vector.broadcast %get3A_1233 : f32 to vector<128x128xf32>
      %mul3A_1235 = arith.mulf %tanh3A_1228, %mul3A_1234 : vector<128x128xf32>
      %add3A_1236 = arith.addf %mul3A_1227, %mul3A_1235 : vector<128x128xf32>
      %add3A_1237 = arith.constant 640 : i32
      %add3A_1238 = arith.addi %add3A_1237, %scan3A_1154 : i32
      %get3A_1239 = arith.index_cast %arg0 : i32 to index
      %get3A_1240 = arith.index_cast %add3A_1238 : i32 to index
      %get3A_1241 = memref.load %arg1[%get3A_1239, %get3A_1240] : memref<8x768xf32, #tpu.memory_space<smem>>
      %add3A_1242 = vector.broadcast %get3A_1241 : f32 to vector<128x128xf32>
      %add3A_1243 = arith.addf %add3A_1236, %add3A_1242 : vector<128x128xf32>
      %tanh3A_1244 = math.tanh %add3A_1243 : vector<128x128xf32>
      %mul3A_1245 = arith.constant 5.000000e-01 : f32
      %mul3A_1246 = vector.broadcast %mul3A_1245 : f32 to vector<128x128xf32>
      %mul3A_1247 = arith.mulf %mul3A_1246, %tanh3A_1244 : vector<128x128xf32>
      %add3A_1248 = arith.constant 5.000000e-01 : f32
      %add3A_1249 = vector.broadcast %add3A_1248 : f32 to vector<128x128xf32>
      %add3A_1250 = arith.addf %mul3A_1247, %add3A_1249 : vector<128x128xf32>
      %swap3A_1251 = arith.constant 0 : index
      %swap3A_1252 = arith.index_cast %scan3A_1154 : i32 to index
      %swap3A_1253 = arith.constant 0 : index
      %swap3A_1254 = arith.constant 0 : index
      %swap3A_1255 = vector.load %arg3[%swap3A_1251, %swap3A_1252, %swap3A_1253, %swap3A_1254] : memref<1x64x128x128xf32, #tpu.memory_space<vmem>>, vector<1x1x128x128xf32>
      %swap3A_1256 = vector.shape_cast %swap3A_1255 : vector<1x1x128x128xf32> to vector<128x128xf32>
      %swap3A_1257 = vector.shape_cast %add3A_1250 : vector<128x128xf32> to vector<1x1x128x128xf32>
      tpu.vector_store %arg3[%swap3A_1251, %swap3A_1252, %swap3A_1253, %swap3A_1254], %swap3A_1257 {strides = array<i32>} : memref<1x64x128x128xf32, #tpu.memory_space<vmem>>, vector<1x1x128x128xf32>,
      %scan3A_1258 = arith.constant 12 : i32
      %scan3A_1259 = arith.addi %scan3A_4, %scan3A_1258 : i32
      %get3A_1260 = arith.constant 0 : index
      %get3A_1261 = arith.index_cast %scan3A_1259 : i32 to index
      %get3A_1262 = arith.constant 0 : index
      %get3A_1263 = arith.constant 0 : index
      %get3A_1264 = vector.load %arg2[%get3A_1260, %get3A_1261, %get3A_1262, %get3A_1263] : memref<1x64x128x128xf32, #tpu.memory_space<vmem>>, vector<1x1x128x128xf32>
      %get3A_1265 = vector.shape_cast %get3A_1264 : vector<1x1x128x128xf32> to vector<128x128xf32>
      %add3A_1266 = arith.constant 0 : i32
      %add3A_1267 = arith.addi %add3A_1266, %scan3A_1259 : i32
      %get3A_1268 = arith.index_cast %arg0 : i32 to index
      %get3A_1269 = arith.index_cast %add3A_1267 : i32 to index
      %get3A_1270 = memref.load %arg1[%get3A_1268, %get3A_1269] : memref<8x768xf32, #tpu.memory_space<smem>>
      %mul3A_1271 = vector.broadcast %get3A_1270 : f32 to vector<128x128xf32>
      %mul3A_1272 = arith.mulf %get3A_1265, %mul3A_1271 : vector<128x128xf32>
      %add3A_1273 = arith.constant 64 : i32
      %add3A_1274 = arith.addi %add3A_1273, %scan3A_1259 : i32
      %get3A_1275 = arith.index_cast %arg0 : i32 to index
      %get3A_1276 = arith.index_cast %add3A_1274 : i32 to index
      %get3A_1277 = memref.load %arg1[%get3A_1275, %get3A_1276] : memref<8x768xf32, #tpu.memory_space<smem>>
      %add3A_1278 = vector.broadcast %get3A_1277 : f32 to vector<128x128xf32>
      %add3A_1279 = arith.addf %mul3A_1272, %add3A_1278 : vector<128x128xf32>
      %add3A_1280 = arith.constant 128 : i32
      %add3A_1281 = arith.addi %add3A_1280, %scan3A_1259 : i32
      %get3A_1282 = arith.index_cast %arg0 : i32 to index
      %get3A_1283 = arith.index_cast %add3A_1281 : i32 to index
      %get3A_1284 = memref.load %arg1[%get3A_1282, %get3A_1283] : memref<8x768xf32, #tpu.memory_space<smem>>
      %mul3A_1285 = vector.broadcast %get3A_1284 : f32 to vector<128x128xf32>
      %mul3A_1286 = arith.mulf %add3A_1279, %mul3A_1285 : vector<128x128xf32>
      %tanh3A_1287 = math.tanh %add3A_1279 : vector<128x128xf32>
      %add3A_1288 = arith.constant 192 : i32
      %add3A_1289 = arith.addi %add3A_1288, %scan3A_1259 : i32
      %get3A_1290 = arith.index_cast %arg0 : i32 to index
      %get3A_1291 = arith.index_cast %add3A_1289 : i32 to index
      %get3A_1292 = memref.load %arg1[%get3A_1290, %get3A_1291] : memref<8x768xf32, #tpu.memory_space<smem>>
      %mul3A_1293 = vector.broadcast %get3A_1292 : f32 to vector<128x128xf32>
      %mul3A_1294 = arith.mulf %tanh3A_1287, %mul3A_1293 : vector<128x128xf32>
      %add3A_1295 = arith.addf %mul3A_1286, %mul3A_1294 : vector<128x128xf32>
      %add3A_1296 = arith.constant 256 : i32
      %add3A_1297 = arith.addi %add3A_1296, %scan3A_1259 : i32
      %get3A_1298 = arith.index_cast %arg0 : i32 to index
      %get3A_1299 = arith.index_cast %add3A_1297 : i32 to index
      %get3A_1300 = memref.load %arg1[%get3A_1298, %get3A_1299] : memref<8x768xf32, #tpu.memory_space<smem>>
      %add3A_1301 = vector.broadcast %get3A_1300 : f32 to vector<128x128xf32>
      %add3A_1302 = arith.addf %add3A_1295, %add3A_1301 : vector<128x128xf32>
      %add3A_1303 = arith.constant 320 : i32
      %add3A_1304 = arith.addi %add3A_1303, %scan3A_1259 : i32
      %get3A_1305 = arith.index_cast %arg0 : i32 to index
      %get3A_1306 = arith.index_cast %add3A_1304 : i32 to index
      %get3A_1307 = memref.load %arg1[%get3A_1305, %get3A_1306] : memref<8x768xf32, #tpu.memory_space<smem>>
      %mul3A_1308 = vector.broadcast %get3A_1307 : f32 to vector<128x128xf32>
      %mul3A_1309 = arith.mulf %add3A_1302, %mul3A_1308 : vector<128x128xf32>
      %tanh3A_1310 = math.tanh %add3A_1302 : vector<128x128xf32>
      %add3A_1311 = arith.constant 384 : i32
      %add3A_1312 = arith.addi %add3A_1311, %scan3A_1259 : i32
      %get3A_1313 = arith.index_cast %arg0 : i32 to index
      %get3A_1314 = arith.index_cast %add3A_1312 : i32 to index
      %get3A_1315 = memref.load %arg1[%get3A_1313, %get3A_1314] : memref<8x768xf32, #tpu.memory_space<smem>>
      %mul3A_1316 = vector.broadcast %get3A_1315 : f32 to vector<128x128xf32>
      %mul3A_1317 = arith.mulf %tanh3A_1310, %mul3A_1316 : vector<128x128xf32>
      %add3A_1318 = arith.addf %mul3A_1309, %mul3A_1317 : vector<128x128xf32>
      %add3A_1319 = arith.constant 448 : i32
      %add3A_1320 = arith.addi %add3A_1319, %scan3A_1259 : i32
      %get3A_1321 = arith.index_cast %arg0 : i32 to index
      %get3A_1322 = arith.index_cast %add3A_1320 : i32 to index
      %get3A_1323 = memref.load %arg1[%get3A_1321, %get3A_1322] : memref<8x768xf32, #tpu.memory_space<smem>>
      %add3A_1324 = vector.broadcast %get3A_1323 : f32 to vector<128x128xf32>
      %add3A_1325 = arith.addf %add3A_1318, %add3A_1324 : vector<128x128xf32>
      %add3A_1326 = arith.constant 512 : i32
      %add3A_1327 = arith.addi %add3A_1326, %scan3A_1259 : i32
      %get3A_1328 = arith.index_cast %arg0 : i32 to index
      %get3A_1329 = arith.index_cast %add3A_1327 : i32 to index
      %get3A_1330 = memref.load %arg1[%get3A_1328, %get3A_1329] : memref<8x768xf32, #tpu.memory_space<smem>>
      %mul3A_1331 = vector.broadcast %get3A_1330 : f32 to vector<128x128xf32>
      %mul3A_1332 = arith.mulf %add3A_1325, %mul3A_1331 : vector<128x128xf32>
      %tanh3A_1333 = math.tanh %add3A_1325 : vector<128x128xf32>
      %add3A_1334 = arith.constant 576 : i32
      %add3A_1335 = arith.addi %add3A_1334, %scan3A_1259 : i32
      %get3A_1336 = arith.index_cast %arg0 : i32 to index
      %get3A_1337 = arith.index_cast %add3A_1335 : i32 to index
      %get3A_1338 = memref.load %arg1[%get3A_1336, %get3A_1337] : memref<8x768xf32, #tpu.memory_space<smem>>
      %mul3A_1339 = vector.broadcast %get3A_1338 : f32 to vector<128x128xf32>
      %mul3A_1340 = arith.mulf %tanh3A_1333, %mul3A_1339 : vector<128x128xf32>
      %add3A_1341 = arith.addf %mul3A_1332, %mul3A_1340 : vector<128x128xf32>
      %add3A_1342 = arith.constant 640 : i32
      %add3A_1343 = arith.addi %add3A_1342, %scan3A_1259 : i32
      %get3A_1344 = arith.index_cast %arg0 : i32 to index
      %get3A_1345 = arith.index_cast %add3A_1343 : i32 to index
      %get3A_1346 = memref.load %arg1[%get3A_1344, %get3A_1345] : memref<8x768xf32, #tpu.memory_space<smem>>
      %add3A_1347 = vector.broadcast %get3A_1346 : f32 to vector<128x128xf32>
      %add3A_1348 = arith.addf %add3A_1341, %add3A_1347 : vector<128x128xf32>
      %tanh3A_1349 = math.tanh %add3A_1348 : vector<128x128xf32>
      %mul3A_1350 = arith.constant 5.000000e-01 : f32
      %mul3A_1351 = vector.broadcast %mul3A_1350 : f32 to vector<128x128xf32>
      %mul3A_1352 = arith.mulf %mul3A_1351, %tanh3A_1349 : vector<128x128xf32>
      %add3A_1353 = arith.constant 5.000000e-01 : f32
      %add3A_1354 = vector.broadcast %add3A_1353 : f32 to vector<128x128xf32>
      %add3A_1355 = arith.addf %mul3A_1352, %add3A_1354 : vector<128x128xf32>
      %swap3A_1356 = arith.constant 0 : index
      %swap3A_1357 = arith.index_cast %scan3A_1259 : i32 to index
      %swap3A_1358 = arith.constant 0 : index
      %swap3A_1359 = arith.constant 0 : index
      %swap3A_1360 = vector.load %arg3[%swap3A_1356, %swap3A_1357, %swap3A_1358, %swap3A_1359] : memref<1x64x128x128xf32, #tpu.memory_space<vmem>>, vector<1x1x128x128xf32>
      %swap3A_1361 = vector.shape_cast %swap3A_1360 : vector<1x1x128x128xf32> to vector<128x128xf32>
      %swap3A_1362 = vector.shape_cast %add3A_1355 : vector<128x128xf32> to vector<1x1x128x128xf32>
      tpu.vector_store %arg3[%swap3A_1356, %swap3A_1357, %swap3A_1358, %swap3A_1359], %swap3A_1362 {strides = array<i32>} : memref<1x64x128x128xf32, #tpu.memory_space<vmem>>, vector<1x1x128x128xf32>,
      %scan3A_1363 = arith.constant 13 : i32
      %scan3A_1364 = arith.addi %scan3A_4, %scan3A_1363 : i32
      %get3A_1365 = arith.constant 0 : index
      %get3A_1366 = arith.index_cast %scan3A_1364 : i32 to index
      %get3A_1367 = arith.constant 0 : index
      %get3A_1368 = arith.constant 0 : index
      %get3A_1369 = vector.load %arg2[%get3A_1365, %get3A_1366, %get3A_1367, %get3A_1368] : memref<1x64x128x128xf32, #tpu.memory_space<vmem>>, vector<1x1x128x128xf32>
      %get3A_1370 = vector.shape_cast %get3A_1369 : vector<1x1x128x128xf32> to vector<128x128xf32>
      %add3A_1371 = arith.constant 0 : i32
      %add3A_1372 = arith.addi %add3A_1371, %scan3A_1364 : i32
      %get3A_1373 = arith.index_cast %arg0 : i32 to index
      %get3A_1374 = arith.index_cast %add3A_1372 : i32 to index
      %get3A_1375 = memref.load %arg1[%get3A_1373, %get3A_1374] : memref<8x768xf32, #tpu.memory_space<smem>>
      %mul3A_1376 = vector.broadcast %get3A_1375 : f32 to vector<128x128xf32>
      %mul3A_1377 = arith.mulf %get3A_1370, %mul3A_1376 : vector<128x128xf32>
      %add3A_1378 = arith.constant 64 : i32
      %add3A_1379 = arith.addi %add3A_1378, %scan3A_1364 : i32
      %get3A_1380 = arith.index_cast %arg0 : i32 to index
      %get3A_1381 = arith.index_cast %add3A_1379 : i32 to index
      %get3A_1382 = memref.load %arg1[%get3A_1380, %get3A_1381] : memref<8x768xf32, #tpu.memory_space<smem>>
      %add3A_1383 = vector.broadcast %get3A_1382 : f32 to vector<128x128xf32>
      %add3A_1384 = arith.addf %mul3A_1377, %add3A_1383 : vector<128x128xf32>
      %add3A_1385 = arith.constant 128 : i32
      %add3A_1386 = arith.addi %add3A_1385, %scan3A_1364 : i32
      %get3A_1387 = arith.index_cast %arg0 : i32 to index
      %get3A_1388 = arith.index_cast %add3A_1386 : i32 to index
      %get3A_1389 = memref.load %arg1[%get3A_1387, %get3A_1388] : memref<8x768xf32, #tpu.memory_space<smem>>
      %mul3A_1390 = vector.broadcast %get3A_1389 : f32 to vector<128x128xf32>
      %mul3A_1391 = arith.mulf %add3A_1384, %mul3A_1390 : vector<128x128xf32>
      %tanh3A_1392 = math.tanh %add3A_1384 : vector<128x128xf32>
      %add3A_1393 = arith.constant 192 : i32
      %add3A_1394 = arith.addi %add3A_1393, %scan3A_1364 : i32
      %get3A_1395 = arith.index_cast %arg0 : i32 to index
      %get3A_1396 = arith.index_cast %add3A_1394 : i32 to index
      %get3A_1397 = memref.load %arg1[%get3A_1395, %get3A_1396] : memref<8x768xf32, #tpu.memory_space<smem>>
      %mul3A_1398 = vector.broadcast %get3A_1397 : f32 to vector<128x128xf32>
      %mul3A_1399 = arith.mulf %tanh3A_1392, %mul3A_1398 : vector<128x128xf32>
      %add3A_1400 = arith.addf %mul3A_1391, %mul3A_1399 : vector<128x128xf32>
      %add3A_1401 = arith.constant 256 : i32
      %add3A_1402 = arith.addi %add3A_1401, %scan3A_1364 : i32
      %get3A_1403 = arith.index_cast %arg0 : i32 to index
      %get3A_1404 = arith.index_cast %add3A_1402 : i32 to index
      %get3A_1405 = memref.load %arg1[%get3A_1403, %get3A_1404] : memref<8x768xf32, #tpu.memory_space<smem>>
      %add3A_1406 = vector.broadcast %get3A_1405 : f32 to vector<128x128xf32>
      %add3A_1407 = arith.addf %add3A_1400, %add3A_1406 : vector<128x128xf32>
      %add3A_1408 = arith.constant 320 : i32
      %add3A_1409 = arith.addi %add3A_1408, %scan3A_1364 : i32
      %get3A_1410 = arith.index_cast %arg0 : i32 to index
      %get3A_1411 = arith.index_cast %add3A_1409 : i32 to index
      %get3A_1412 = memref.load %arg1[%get3A_1410, %get3A_1411] : memref<8x768xf32, #tpu.memory_space<smem>>
      %mul3A_1413 = vector.broadcast %get3A_1412 : f32 to vector<128x128xf32>
      %mul3A_1414 = arith.mulf %add3A_1407, %mul3A_1413 : vector<128x128xf32>
      %tanh3A_1415 = math.tanh %add3A_1407 : vector<128x128xf32>
      %add3A_1416 = arith.constant 384 : i32
      %add3A_1417 = arith.addi %add3A_1416, %scan3A_1364 : i32
      %get3A_1418 = arith.index_cast %arg0 : i32 to index
      %get3A_1419 = arith.index_cast %add3A_1417 : i32 to index
      %get3A_1420 = memref.load %arg1[%get3A_1418, %get3A_1419] : memref<8x768xf32, #tpu.memory_space<smem>>
      %mul3A_1421 = vector.broadcast %get3A_1420 : f32 to vector<128x128xf32>
      %mul3A_1422 = arith.mulf %tanh3A_1415, %mul3A_1421 : vector<128x128xf32>
      %add3A_1423 = arith.addf %mul3A_1414, %mul3A_1422 : vector<128x128xf32>
      %add3A_1424 = arith.constant 448 : i32
      %add3A_1425 = arith.addi %add3A_1424, %scan3A_1364 : i32
      %get3A_1426 = arith.index_cast %arg0 : i32 to index
      %get3A_1427 = arith.index_cast %add3A_1425 : i32 to index
      %get3A_1428 = memref.load %arg1[%get3A_1426, %get3A_1427] : memref<8x768xf32, #tpu.memory_space<smem>>
      %add3A_1429 = vector.broadcast %get3A_1428 : f32 to vector<128x128xf32>
      %add3A_1430 = arith.addf %add3A_1423, %add3A_1429 : vector<128x128xf32>
      %add3A_1431 = arith.constant 512 : i32
      %add3A_1432 = arith.addi %add3A_1431, %scan3A_1364 : i32
      %get3A_1433 = arith.index_cast %arg0 : i32 to index
      %get3A_1434 = arith.index_cast %add3A_1432 : i32 to index
      %get3A_1435 = memref.load %arg1[%get3A_1433, %get3A_1434] : memref<8x768xf32, #tpu.memory_space<smem>>
      %mul3A_1436 = vector.broadcast %get3A_1435 : f32 to vector<128x128xf32>
      %mul3A_1437 = arith.mulf %add3A_1430, %mul3A_1436 : vector<128x128xf32>
      %tanh3A_1438 = math.tanh %add3A_1430 : vector<128x128xf32>
      %add3A_1439 = arith.constant 576 : i32
      %add3A_1440 = arith.addi %add3A_1439, %scan3A_1364 : i32
      %get3A_1441 = arith.index_cast %arg0 : i32 to index
      %get3A_1442 = arith.index_cast %add3A_1440 : i32 to index
      %get3A_1443 = memref.load %arg1[%get3A_1441, %get3A_1442] : memref<8x768xf32, #tpu.memory_space<smem>>
      %mul3A_1444 = vector.broadcast %get3A_1443 : f32 to vector<128x128xf32>
      %mul3A_1445 = arith.mulf %tanh3A_1438, %mul3A_1444 : vector<128x128xf32>
      %add3A_1446 = arith.addf %mul3A_1437, %mul3A_1445 : vector<128x128xf32>
      %add3A_1447 = arith.constant 640 : i32
      %add3A_1448 = arith.addi %add3A_1447, %scan3A_1364 : i32
      %get3A_1449 = arith.index_cast %arg0 : i32 to index
      %get3A_1450 = arith.index_cast %add3A_1448 : i32 to index
      %get3A_1451 = memref.load %arg1[%get3A_1449, %get3A_1450] : memref<8x768xf32, #tpu.memory_space<smem>>
      %add3A_1452 = vector.broadcast %get3A_1451 : f32 to vector<128x128xf32>
      %add3A_1453 = arith.addf %add3A_1446, %add3A_1452 : vector<128x128xf32>
      %tanh3A_1454 = math.tanh %add3A_1453 : vector<128x128xf32>
      %mul3A_1455 = arith.constant 5.000000e-01 : f32
      %mul3A_1456 = vector.broadcast %mul3A_1455 : f32 to vector<128x128xf32>
      %mul3A_1457 = arith.mulf %mul3A_1456, %tanh3A_1454 : vector<128x128xf32>
      %add3A_1458 = arith.constant 5.000000e-01 : f32
      %add3A_1459 = vector.broadcast %add3A_1458 : f32 to vector<128x128xf32>
      %add3A_1460 = arith.addf %mul3A_1457, %add3A_1459 : vector<128x128xf32>
      %swap3A_1461 = arith.constant 0 : index
      %swap3A_1462 = arith.index_cast %scan3A_1364 : i32 to index
      %swap3A_1463 = arith.constant 0 : index
      %swap3A_1464 = arith.constant 0 : index
      %swap3A_1465 = vector.load %arg3[%swap3A_1461, %swap3A_1462, %swap3A_1463, %swap3A_1464] : memref<1x64x128x128xf32, #tpu.memory_space<vmem>>, vector<1x1x128x128xf32>
      %swap3A_1466 = vector.shape_cast %swap3A_1465 : vector<1x1x128x128xf32> to vector<128x128xf32>
      %swap3A_1467 = vector.shape_cast %add3A_1460 : vector<128x128xf32> to vector<1x1x128x128xf32>
      tpu.vector_store %arg3[%swap3A_1461, %swap3A_1462, %swap3A_1463, %swap3A_1464], %swap3A_1467 {strides = array<i32>} : memref<1x64x128x128xf32, #tpu.memory_space<vmem>>, vector<1x1x128x128xf32>,
      %scan3A_1468 = arith.constant 14 : i32
      %scan3A_1469 = arith.addi %scan3A_4, %scan3A_1468 : i32
      %get3A_1470 = arith.constant 0 : index
      %get3A_1471 = arith.index_cast %scan3A_1469 : i32 to index
      %get3A_1472 = arith.constant 0 : index
      %get3A_1473 = arith.constant 0 : index
      %get3A_1474 = vector.load %arg2[%get3A_1470, %get3A_1471, %get3A_1472, %get3A_1473] : memref<1x64x128x128xf32, #tpu.memory_space<vmem>>, vector<1x1x128x128xf32>
      %get3A_1475 = vector.shape_cast %get3A_1474 : vector<1x1x128x128xf32> to vector<128x128xf32>
      %add3A_1476 = arith.constant 0 : i32
      %add3A_1477 = arith.addi %add3A_1476, %scan3A_1469 : i32
      %get3A_1478 = arith.index_cast %arg0 : i32 to index
      %get3A_1479 = arith.index_cast %add3A_1477 : i32 to index
      %get3A_1480 = memref.load %arg1[%get3A_1478, %get3A_1479] : memref<8x768xf32, #tpu.memory_space<smem>>
      %mul3A_1481 = vector.broadcast %get3A_1480 : f32 to vector<128x128xf32>
      %mul3A_1482 = arith.mulf %get3A_1475, %mul3A_1481 : vector<128x128xf32>
      %add3A_1483 = arith.constant 64 : i32
      %add3A_1484 = arith.addi %add3A_1483, %scan3A_1469 : i32
      %get3A_1485 = arith.index_cast %arg0 : i32 to index
      %get3A_1486 = arith.index_cast %add3A_1484 : i32 to index
      %get3A_1487 = memref.load %arg1[%get3A_1485, %get3A_1486] : memref<8x768xf32, #tpu.memory_space<smem>>
      %add3A_1488 = vector.broadcast %get3A_1487 : f32 to vector<128x128xf32>
      %add3A_1489 = arith.addf %mul3A_1482, %add3A_1488 : vector<128x128xf32>
      %add3A_1490 = arith.constant 128 : i32
      %add3A_1491 = arith.addi %add3A_1490, %scan3A_1469 : i32
      %get3A_1492 = arith.index_cast %arg0 : i32 to index
      %get3A_1493 = arith.index_cast %add3A_1491 : i32 to index
      %get3A_1494 = memref.load %arg1[%get3A_1492, %get3A_1493] : memref<8x768xf32, #tpu.memory_space<smem>>
      %mul3A_1495 = vector.broadcast %get3A_1494 : f32 to vector<128x128xf32>
      %mul3A_1496 = arith.mulf %add3A_1489, %mul3A_1495 : vector<128x128xf32>
      %tanh3A_1497 = math.tanh %add3A_1489 : vector<128x128xf32>
      %add3A_1498 = arith.constant 192 : i32
      %add3A_1499 = arith.addi %add3A_1498, %scan3A_1469 : i32
      %get3A_1500 = arith.index_cast %arg0 : i32 to index
      %get3A_1501 = arith.index_cast %add3A_1499 : i32 to index
      %get3A_1502 = memref.load %arg1[%get3A_1500, %get3A_1501] : memref<8x768xf32, #tpu.memory_space<smem>>
      %mul3A_1503 = vector.broadcast %get3A_1502 : f32 to vector<128x128xf32>
      %mul3A_1504 = arith.mulf %tanh3A_1497, %mul3A_1503 : vector<128x128xf32>
      %add3A_1505 = arith.addf %mul3A_1496, %mul3A_1504 : vector<128x128xf32>
      %add3A_1506 = arith.constant 256 : i32
      %add3A_1507 = arith.addi %add3A_1506, %scan3A_1469 : i32
      %get3A_1508 = arith.index_cast %arg0 : i32 to index
      %get3A_1509 = arith.index_cast %add3A_1507 : i32 to index
      %get3A_1510 = memref.load %arg1[%get3A_1508, %get3A_1509] : memref<8x768xf32, #tpu.memory_space<smem>>
      %add3A_1511 = vector.broadcast %get3A_1510 : f32 to vector<128x128xf32>
      %add3A_1512 = arith.addf %add3A_1505, %add3A_1511 : vector<128x128xf32>
      %add3A_1513 = arith.constant 320 : i32
      %add3A_1514 = arith.addi %add3A_1513, %scan3A_1469 : i32
      %get3A_1515 = arith.index_cast %arg0 : i32 to index
      %get3A_1516 = arith.index_cast %add3A_1514 : i32 to index
      %get3A_1517 = memref.load %arg1[%get3A_1515, %get3A_1516] : memref<8x768xf32, #tpu.memory_space<smem>>
      %mul3A_1518 = vector.broadcast %get3A_1517 : f32 to vector<128x128xf32>
      %mul3A_1519 = arith.mulf %add3A_1512, %mul3A_1518 : vector<128x128xf32>
      %tanh3A_1520 = math.tanh %add3A_1512 : vector<128x128xf32>
      %add3A_1521 = arith.constant 384 : i32
      %add3A_1522 = arith.addi %add3A_1521, %scan3A_1469 : i32
      %get3A_1523 = arith.index_cast %arg0 : i32 to index
      %get3A_1524 = arith.index_cast %add3A_1522 : i32 to index
      %get3A_1525 = memref.load %arg1[%get3A_1523, %get3A_1524] : memref<8x768xf32, #tpu.memory_space<smem>>
      %mul3A_1526 = vector.broadcast %get3A_1525 : f32 to vector<128x128xf32>
      %mul3A_1527 = arith.mulf %tanh3A_1520, %mul3A_1526 : vector<128x128xf32>
      %add3A_1528 = arith.addf %mul3A_1519, %mul3A_1527 : vector<128x128xf32>
      %add3A_1529 = arith.constant 448 : i32
      %add3A_1530 = arith.addi %add3A_1529, %scan3A_1469 : i32
      %get3A_1531 = arith.index_cast %arg0 : i32 to index
      %get3A_1532 = arith.index_cast %add3A_1530 : i32 to index
      %get3A_1533 = memref.load %arg1[%get3A_1531, %get3A_1532] : memref<8x768xf32, #tpu.memory_space<smem>>
      %add3A_1534 = vector.broadcast %get3A_1533 : f32 to vector<128x128xf32>
      %add3A_1535 = arith.addf %add3A_1528, %add3A_1534 : vector<128x128xf32>
      %add3A_1536 = arith.constant 512 : i32
      %add3A_1537 = arith.addi %add3A_1536, %scan3A_1469 : i32
      %get3A_1538 = arith.index_cast %arg0 : i32 to index
      %get3A_1539 = arith.index_cast %add3A_1537 : i32 to index
      %get3A_1540 = memref.load %arg1[%get3A_1538, %get3A_1539] : memref<8x768xf32, #tpu.memory_space<smem>>
      %mul3A_1541 = vector.broadcast %get3A_1540 : f32 to vector<128x128xf32>
      %mul3A_1542 = arith.mulf %add3A_1535, %mul3A_1541 : vector<128x128xf32>
      %tanh3A_1543 = math.tanh %add3A_1535 : vector<128x128xf32>
      %add3A_1544 = arith.constant 576 : i32
      %add3A_1545 = arith.addi %add3A_1544, %scan3A_1469 : i32
      %get3A_1546 = arith.index_cast %arg0 : i32 to index
      %get3A_1547 = arith.index_cast %add3A_1545 : i32 to index
      %get3A_1548 = memref.load %arg1[%get3A_1546, %get3A_1547] : memref<8x768xf32, #tpu.memory_space<smem>>
      %mul3A_1549 = vector.broadcast %get3A_1548 : f32 to vector<128x128xf32>
      %mul3A_1550 = arith.mulf %tanh3A_1543, %mul3A_1549 : vector<128x128xf32>
      %add3A_1551 = arith.addf %mul3A_1542, %mul3A_1550 : vector<128x128xf32>
      %add3A_1552 = arith.constant 640 : i32
      %add3A_1553 = arith.addi %add3A_1552, %scan3A_1469 : i32
      %get3A_1554 = arith.index_cast %arg0 : i32 to index
      %get3A_1555 = arith.index_cast %add3A_1553 : i32 to index
      %get3A_1556 = memref.load %arg1[%get3A_1554, %get3A_1555] : memref<8x768xf32, #tpu.memory_space<smem>>
      %add3A_1557 = vector.broadcast %get3A_1556 : f32 to vector<128x128xf32>
      %add3A_1558 = arith.addf %add3A_1551, %add3A_1557 : vector<128x128xf32>
      %tanh3A_1559 = math.tanh %add3A_1558 : vector<128x128xf32>
      %mul3A_1560 = arith.constant 5.000000e-01 : f32
      %mul3A_1561 = vector.broadcast %mul3A_1560 : f32 to vector<128x128xf32>
      %mul3A_1562 = arith.mulf %mul3A_1561, %tanh3A_1559 : vector<128x128xf32>
      %add3A_1563 = arith.constant 5.000000e-01 : f32
      %add3A_1564 = vector.broadcast %add3A_1563 : f32 to vector<128x128xf32>
      %add3A_1565 = arith.addf %mul3A_1562, %add3A_1564 : vector<128x128xf32>
      %swap3A_1566 = arith.constant 0 : index
      %swap3A_1567 = arith.index_cast %scan3A_1469 : i32 to index
      %swap3A_1568 = arith.constant 0 : index
      %swap3A_1569 = arith.constant 0 : index
      %swap3A_1570 = vector.load %arg3[%swap3A_1566, %swap3A_1567, %swap3A_1568, %swap3A_1569] : memref<1x64x128x128xf32, #tpu.memory_space<vmem>>, vector<1x1x128x128xf32>
      %swap3A_1571 = vector.shape_cast %swap3A_1570 : vector<1x1x128x128xf32> to vector<128x128xf32>
      %swap3A_1572 = vector.shape_cast %add3A_1565 : vector<128x128xf32> to vector<1x1x128x128xf32>
      tpu.vector_store %arg3[%swap3A_1566, %swap3A_1567, %swap3A_1568, %swap3A_1569], %swap3A_1572 {strides = array<i32>} : memref<1x64x128x128xf32, #tpu.memory_space<vmem>>, vector<1x1x128x128xf32>,
      %scan3A_1573 = arith.constant 15 : i32
      %scan3A_1574 = arith.addi %scan3A_4, %scan3A_1573 : i32
      %get3A_1575 = arith.constant 0 : index
      %get3A_1576 = arith.index_cast %scan3A_1574 : i32 to index
      %get3A_1577 = arith.constant 0 : index
      %get3A_1578 = arith.constant 0 : index
      %get3A_1579 = vector.load %arg2[%get3A_1575, %get3A_1576, %get3A_1577, %get3A_1578] : memref<1x64x128x128xf32, #tpu.memory_space<vmem>>, vector<1x1x128x128xf32>
      %get3A_1580 = vector.shape_cast %get3A_1579 : vector<1x1x128x128xf32> to vector<128x128xf32>
      %add3A_1581 = arith.constant 0 : i32
      %add3A_1582 = arith.addi %add3A_1581, %scan3A_1574 : i32
      %get3A_1583 = arith.index_cast %arg0 : i32 to index
      %get3A_1584 = arith.index_cast %add3A_1582 : i32 to index
      %get3A_1585 = memref.load %arg1[%get3A_1583, %get3A_1584] : memref<8x768xf32, #tpu.memory_space<smem>>
      %mul3A_1586 = vector.broadcast %get3A_1585 : f32 to vector<128x128xf32>
      %mul3A_1587 = arith.mulf %get3A_1580, %mul3A_1586 : vector<128x128xf32>
      %add3A_1588 = arith.constant 64 : i32
      %add3A_1589 = arith.addi %add3A_1588, %scan3A_1574 : i32
      %get3A_1590 = arith.index_cast %arg0 : i32 to index
      %get3A_1591 = arith.index_cast %add3A_1589 : i32 to index
      %get3A_1592 = memref.load %arg1[%get3A_1590, %get3A_1591] : memref<8x768xf32, #tpu.memory_space<smem>>
      %add3A_1593 = vector.broadcast %get3A_1592 : f32 to vector<128x128xf32>
      %add3A_1594 = arith.addf %mul3A_1587, %add3A_1593 : vector<128x128xf32>
      %add3A_1595 = arith.constant 128 : i32
      %add3A_1596 = arith.addi %add3A_1595, %scan3A_1574 : i32
      %get3A_1597 = arith.index_cast %arg0 : i32 to index
      %get3A_1598 = arith.index_cast %add3A_1596 : i32 to index
      %get3A_1599 = memref.load %arg1[%get3A_1597, %get3A_1598] : memref<8x768xf32, #tpu.memory_space<smem>>
      %mul3A_1600 = vector.broadcast %get3A_1599 : f32 to vector<128x128xf32>
      %mul3A_1601 = arith.mulf %add3A_1594, %mul3A_1600 : vector<128x128xf32>
      %tanh3A_1602 = math.tanh %add3A_1594 : vector<128x128xf32>
      %add3A_1603 = arith.constant 192 : i32
      %add3A_1604 = arith.addi %add3A_1603, %scan3A_1574 : i32
      %get3A_1605 = arith.index_cast %arg0 : i32 to index
      %get3A_1606 = arith.index_cast %add3A_1604 : i32 to index
      %get3A_1607 = memref.load %arg1[%get3A_1605, %get3A_1606] : memref<8x768xf32, #tpu.memory_space<smem>>
      %mul3A_1608 = vector.broadcast %get3A_1607 : f32 to vector<128x128xf32>
      %mul3A_1609 = arith.mulf %tanh3A_1602, %mul3A_1608 : vector<128x128xf32>
      %add3A_1610 = arith.addf %mul3A_1601, %mul3A_1609 : vector<128x128xf32>
      %add3A_1611 = arith.constant 256 : i32
      %add3A_1612 = arith.addi %add3A_1611, %scan3A_1574 : i32
      %get3A_1613 = arith.index_cast %arg0 : i32 to index
      %get3A_1614 = arith.index_cast %add3A_1612 : i32 to index
      %get3A_1615 = memref.load %arg1[%get3A_1613, %get3A_1614] : memref<8x768xf32, #tpu.memory_space<smem>>
      %add3A_1616 = vector.broadcast %get3A_1615 : f32 to vector<128x128xf32>
      %add3A_1617 = arith.addf %add3A_1610, %add3A_1616 : vector<128x128xf32>
      %add3A_1618 = arith.constant 320 : i32
      %add3A_1619 = arith.addi %add3A_1618, %scan3A_1574 : i32
      %get3A_1620 = arith.index_cast %arg0 : i32 to index
      %get3A_1621 = arith.index_cast %add3A_1619 : i32 to index
      %get3A_1622 = memref.load %arg1[%get3A_1620, %get3A_1621] : memref<8x768xf32, #tpu.memory_space<smem>>
      %mul3A_1623 = vector.broadcast %get3A_1622 : f32 to vector<128x128xf32>
      %mul3A_1624 = arith.mulf %add3A_1617, %mul3A_1623 : vector<128x128xf32>
      %tanh3A_1625 = math.tanh %add3A_1617 : vector<128x128xf32>
      %add3A_1626 = arith.constant 384 : i32
      %add3A_1627 = arith.addi %add3A_1626, %scan3A_1574 : i32
      %get3A_1628 = arith.index_cast %arg0 : i32 to index
      %get3A_1629 = arith.index_cast %add3A_1627 : i32 to index
      %get3A_1630 = memref.load %arg1[%get3A_1628, %get3A_1629] : memref<8x768xf32, #tpu.memory_space<smem>>
      %mul3A_1631 = vector.broadcast %get3A_1630 : f32 to vector<128x128xf32>
      %mul3A_1632 = arith.mulf %tanh3A_1625, %mul3A_1631 : vector<128x128xf32>
      %add3A_1633 = arith.addf %mul3A_1624, %mul3A_1632 : vector<128x128xf32>
      %add3A_1634 = arith.constant 448 : i32
      %add3A_1635 = arith.addi %add3A_1634, %scan3A_1574 : i32
      %get3A_1636 = arith.index_cast %arg0 : i32 to index
      %get3A_1637 = arith.index_cast %add3A_1635 : i32 to index
      %get3A_1638 = memref.load %arg1[%get3A_1636, %get3A_1637] : memref<8x768xf32, #tpu.memory_space<smem>>
      %add3A_1639 = vector.broadcast %get3A_1638 : f32 to vector<128x128xf32>
      %add3A_1640 = arith.addf %add3A_1633, %add3A_1639 : vector<128x128xf32>
      %add3A_1641 = arith.constant 512 : i32
      %add3A_1642 = arith.addi %add3A_1641, %scan3A_1574 : i32
      %get3A_1643 = arith.index_cast %arg0 : i32 to index
      %get3A_1644 = arith.index_cast %add3A_1642 : i32 to index
      %get3A_1645 = memref.load %arg1[%get3A_1643, %get3A_1644] : memref<8x768xf32, #tpu.memory_space<smem>>
      %mul3A_1646 = vector.broadcast %get3A_1645 : f32 to vector<128x128xf32>
      %mul3A_1647 = arith.mulf %add3A_1640, %mul3A_1646 : vector<128x128xf32>
      %tanh3A_1648 = math.tanh %add3A_1640 : vector<128x128xf32>
      %add3A_1649 = arith.constant 576 : i32
      %add3A_1650 = arith.addi %add3A_1649, %scan3A_1574 : i32
      %get3A_1651 = arith.index_cast %arg0 : i32 to index
      %get3A_1652 = arith.index_cast %add3A_1650 : i32 to index
      %get3A_1653 = memref.load %arg1[%get3A_1651, %get3A_1652] : memref<8x768xf32, #tpu.memory_space<smem>>
      %mul3A_1654 = vector.broadcast %get3A_1653 : f32 to vector<128x128xf32>
      %mul3A_1655 = arith.mulf %tanh3A_1648, %mul3A_1654 : vector<128x128xf32>
      %add3A_1656 = arith.addf %mul3A_1647, %mul3A_1655 : vector<128x128xf32>
      %add3A_1657 = arith.constant 640 : i32
      %add3A_1658 = arith.addi %add3A_1657, %scan3A_1574 : i32
      %get3A_1659 = arith.index_cast %arg0 : i32 to index
      %get3A_1660 = arith.index_cast %add3A_1658 : i32 to index
      %get3A_1661 = memref.load %arg1[%get3A_1659, %get3A_1660] : memref<8x768xf32, #tpu.memory_space<smem>>
      %add3A_1662 = vector.broadcast %get3A_1661 : f32 to vector<128x128xf32>
      %add3A_1663 = arith.addf %add3A_1656, %add3A_1662 : vector<128x128xf32>
      %tanh3A_1664 = math.tanh %add3A_1663 : vector<128x128xf32>
      %mul3A_1665 = arith.constant 5.000000e-01 : f32
      %mul3A_1666 = vector.broadcast %mul3A_1665 : f32 to vector<128x128xf32>
      %mul3A_1667 = arith.mulf %mul3A_1666, %tanh3A_1664 : vector<128x128xf32>
      %add3A_1668 = arith.constant 5.000000e-01 : f32
      %add3A_1669 = vector.broadcast %add3A_1668 : f32 to vector<128x128xf32>
      %add3A_1670 = arith.addf %mul3A_1667, %add3A_1669 : vector<128x128xf32>
      %swap3A_1671 = arith.constant 0 : index
      %swap3A_1672 = arith.index_cast %scan3A_1574 : i32 to index
      %swap3A_1673 = arith.constant 0 : index
      %swap3A_1674 = arith.constant 0 : index
      %swap3A_1675 = vector.load %arg3[%swap3A_1671, %swap3A_1672, %swap3A_1673, %swap3A_1674] : memref<1x64x128x128xf32, #tpu.memory_space<vmem>>, vector<1x1x128x128xf32>
      %swap3A_1676 = vector.shape_cast %swap3A_1675 : vector<1x1x128x128xf32> to vector<128x128xf32>
      %swap3A_1677 = vector.shape_cast %add3A_1670 : vector<128x128xf32> to vector<1x1x128x128xf32>
      tpu.vector_store %arg3[%swap3A_1671, %swap3A_1672, %swap3A_1673, %swap3A_1674], %swap3A_1677 {strides = array<i32>} : memref<1x64x128x128xf32, #tpu.memory_space<vmem>>, vector<1x1x128x128xf32>,
      %scan3A_1678 = arith.constant 16 : i32
      %scan3A_1679 = arith.addi %scan3A_4, %scan3A_1678 : i32
      %get3A_1680 = arith.constant 0 : index
      %get3A_1681 = arith.index_cast %scan3A_1679 : i32 to index
      %get3A_1682 = arith.constant 0 : index
      %get3A_1683 = arith.constant 0 : index
      %get3A_1684 = vector.load %arg2[%get3A_1680, %get3A_1681, %get3A_1682, %get3A_1683] : memref<1x64x128x128xf32, #tpu.memory_space<vmem>>, vector<1x1x128x128xf32>
      %get3A_1685 = vector.shape_cast %get3A_1684 : vector<1x1x128x128xf32> to vector<128x128xf32>
      %add3A_1686 = arith.constant 0 : i32
      %add3A_1687 = arith.addi %add3A_1686, %scan3A_1679 : i32
      %get3A_1688 = arith.index_cast %arg0 : i32 to index
      %get3A_1689 = arith.index_cast %add3A_1687 : i32 to index
      %get3A_1690 = memref.load %arg1[%get3A_1688, %get3A_1689] : memref<8x768xf32, #tpu.memory_space<smem>>
      %mul3A_1691 = vector.broadcast %get3A_1690 : f32 to vector<128x128xf32>
      %mul3A_1692 = arith.mulf %get3A_1685, %mul3A_1691 : vector<128x128xf32>
      %add3A_1693 = arith.constant 64 : i32
      %add3A_1694 = arith.addi %add3A_1693, %scan3A_1679 : i32
      %get3A_1695 = arith.index_cast %arg0 : i32 to index
      %get3A_1696 = arith.index_cast %add3A_1694 : i32 to index
      %get3A_1697 = memref.load %arg1[%get3A_1695, %get3A_1696] : memref<8x768xf32, #tpu.memory_space<smem>>
      %add3A_1698 = vector.broadcast %get3A_1697 : f32 to vector<128x128xf32>
      %add3A_1699 = arith.addf %mul3A_1692, %add3A_1698 : vector<128x128xf32>
      %add3A_1700 = arith.constant 128 : i32
      %add3A_1701 = arith.addi %add3A_1700, %scan3A_1679 : i32
      %get3A_1702 = arith.index_cast %arg0 : i32 to index
      %get3A_1703 = arith.index_cast %add3A_1701 : i32 to index
      %get3A_1704 = memref.load %arg1[%get3A_1702, %get3A_1703] : memref<8x768xf32, #tpu.memory_space<smem>>
      %mul3A_1705 = vector.broadcast %get3A_1704 : f32 to vector<128x128xf32>
      %mul3A_1706 = arith.mulf %add3A_1699, %mul3A_1705 : vector<128x128xf32>
      %tanh3A_1707 = math.tanh %add3A_1699 : vector<128x128xf32>
      %add3A_1708 = arith.constant 192 : i32
      %add3A_1709 = arith.addi %add3A_1708, %scan3A_1679 : i32
      %get3A_1710 = arith.index_cast %arg0 : i32 to index
      %get3A_1711 = arith.index_cast %add3A_1709 : i32 to index
      %get3A_1712 = memref.load %arg1[%get3A_1710, %get3A_1711] : memref<8x768xf32, #tpu.memory_space<smem>>
      %mul3A_1713 = vector.broadcast %get3A_1712 : f32 to vector<128x128xf32>
      %mul3A_1714 = arith.mulf %tanh3A_1707, %mul3A_1713 : vector<128x128xf32>
      %add3A_1715 = arith.addf %mul3A_1706, %mul3A_1714 : vector<128x128xf32>
      %add3A_1716 = arith.constant 256 : i32
      %add3A_1717 = arith.addi %add3A_1716, %scan3A_1679 : i32
      %get3A_1718 = arith.index_cast %arg0 : i32 to index
      %get3A_1719 = arith.index_cast %add3A_1717 : i32 to index
      %get3A_1720 = memref.load %arg1[%get3A_1718, %get3A_1719] : memref<8x768xf32, #tpu.memory_space<smem>>
      %add3A_1721 = vector.broadcast %get3A_1720 : f32 to vector<128x128xf32>
      %add3A_1722 = arith.addf %add3A_1715, %add3A_1721 : vector<128x128xf32>
      %add3A_1723 = arith.constant 320 : i32
      %add3A_1724 = arith.addi %add3A_1723, %scan3A_1679 : i32
      %get3A_1725 = arith.index_cast %arg0 : i32 to index
      %get3A_1726 = arith.index_cast %add3A_1724 : i32 to index
      %get3A_1727 = memref.load %arg1[%get3A_1725, %get3A_1726] : memref<8x768xf32, #tpu.memory_space<smem>>
      %mul3A_1728 = vector.broadcast %get3A_1727 : f32 to vector<128x128xf32>
      %mul3A_1729 = arith.mulf %add3A_1722, %mul3A_1728 : vector<128x128xf32>
      %tanh3A_1730 = math.tanh %add3A_1722 : vector<128x128xf32>
      %add3A_1731 = arith.constant 384 : i32
      %add3A_1732 = arith.addi %add3A_1731, %scan3A_1679 : i32
      %get3A_1733 = arith.index_cast %arg0 : i32 to index
      %get3A_1734 = arith.index_cast %add3A_1732 : i32 to index
      %get3A_1735 = memref.load %arg1[%get3A_1733, %get3A_1734] : memref<8x768xf32, #tpu.memory_space<smem>>
      %mul3A_1736 = vector.broadcast %get3A_1735 : f32 to vector<128x128xf32>
      %mul3A_1737 = arith.mulf %tanh3A_1730, %mul3A_1736 : vector<128x128xf32>
      %add3A_1738 = arith.addf %mul3A_1729, %mul3A_1737 : vector<128x128xf32>
      %add3A_1739 = arith.constant 448 : i32
      %add3A_1740 = arith.addi %add3A_1739, %scan3A_1679 : i32
      %get3A_1741 = arith.index_cast %arg0 : i32 to index
      %get3A_1742 = arith.index_cast %add3A_1740 : i32 to index
      %get3A_1743 = memref.load %arg1[%get3A_1741, %get3A_1742] : memref<8x768xf32, #tpu.memory_space<smem>>
      %add3A_1744 = vector.broadcast %get3A_1743 : f32 to vector<128x128xf32>
      %add3A_1745 = arith.addf %add3A_1738, %add3A_1744 : vector<128x128xf32>
      %add3A_1746 = arith.constant 512 : i32
      %add3A_1747 = arith.addi %add3A_1746, %scan3A_1679 : i32
      %get3A_1748 = arith.index_cast %arg0 : i32 to index
      %get3A_1749 = arith.index_cast %add3A_1747 : i32 to index
      %get3A_1750 = memref.load %arg1[%get3A_1748, %get3A_1749] : memref<8x768xf32, #tpu.memory_space<smem>>
      %mul3A_1751 = vector.broadcast %get3A_1750 : f32 to vector<128x128xf32>
      %mul3A_1752 = arith.mulf %add3A_1745, %mul3A_1751 : vector<128x128xf32>
      %tanh3A_1753 = math.tanh %add3A_1745 : vector<128x128xf32>
      %add3A_1754 = arith.constant 576 : i32
      %add3A_1755 = arith.addi %add3A_1754, %scan3A_1679 : i32
      %get3A_1756 = arith.index_cast %arg0 : i32 to index
      %get3A_1757 = arith.index_cast %add3A_1755 : i32 to index
      %get3A_1758 = memref.load %arg1[%get3A_1756, %get3A_1757] : memref<8x768xf32, #tpu.memory_space<smem>>
      %mul3A_1759 = vector.broadcast %get3A_1758 : f32 to vector<128x128xf32>
      %mul3A_1760 = arith.mulf %tanh3A_1753, %mul3A_1759 : vector<128x128xf32>
      %add3A_1761 = arith.addf %mul3A_1752, %mul3A_1760 : vector<128x128xf32>
      %add3A_1762 = arith.constant 640 : i32
      %add3A_1763 = arith.addi %add3A_1762, %scan3A_1679 : i32
      %get3A_1764 = arith.index_cast %arg0 : i32 to index
      %get3A_1765 = arith.index_cast %add3A_1763 : i32 to index
      %get3A_1766 = memref.load %arg1[%get3A_1764, %get3A_1765] : memref<8x768xf32, #tpu.memory_space<smem>>
      %add3A_1767 = vector.broadcast %get3A_1766 : f32 to vector<128x128xf32>
      %add3A_1768 = arith.addf %add3A_1761, %add3A_1767 : vector<128x128xf32>
      %tanh3A_1769 = math.tanh %add3A_1768 : vector<128x128xf32>
      %mul3A_1770 = arith.constant 5.000000e-01 : f32
      %mul3A_1771 = vector.broadcast %mul3A_1770 : f32 to vector<128x128xf32>
      %mul3A_1772 = arith.mulf %mul3A_1771, %tanh3A_1769 : vector<128x128xf32>
      %add3A_1773 = arith.constant 5.000000e-01 : f32
      %add3A_1774 = vector.broadcast %add3A_1773 : f32 to vector<128x128xf32>
      %add3A_1775 = arith.addf %mul3A_1772, %add3A_1774 : vector<128x128xf32>
      %swap3A_1776 = arith.constant 0 : index
      %swap3A_1777 = arith.index_cast %scan3A_1679 : i32 to index
      %swap3A_1778 = arith.constant 0 : index
      %swap3A_1779 = arith.constant 0 : index
      %swap3A_1780 = vector.load %arg3[%swap3A_1776, %swap3A_1777, %swap3A_1778, %swap3A_1779] : memref<1x64x128x128xf32, #tpu.memory_space<vmem>>, vector<1x1x128x128xf32>
      %swap3A_1781 = vector.shape_cast %swap3A_1780 : vector<1x1x128x128xf32> to vector<128x128xf32>
      %swap3A_1782 = vector.shape_cast %add3A_1775 : vector<128x128xf32> to vector<1x1x128x128xf32>
      tpu.vector_store %arg3[%swap3A_1776, %swap3A_1777, %swap3A_1778, %swap3A_1779], %swap3A_1782 {strides = array<i32>} : memref<1x64x128x128xf32, #tpu.memory_space<vmem>>, vector<1x1x128x128xf32>,
      %scan3A_1783 = arith.constant 17 : i32
      %scan3A_1784 = arith.addi %scan3A_4, %scan3A_1783 : i32
      %get3A_1785 = arith.constant 0 : index
      %get3A_1786 = arith.index_cast %scan3A_1784 : i32 to index
      %get3A_1787 = arith.constant 0 : index
      %get3A_1788 = arith.constant 0 : index
      %get3A_1789 = vector.load %arg2[%get3A_1785, %get3A_1786, %get3A_1787, %get3A_1788] : memref<1x64x128x128xf32, #tpu.memory_space<vmem>>, vector<1x1x128x128xf32>
      %get3A_1790 = vector.shape_cast %get3A_1789 : vector<1x1x128x128xf32> to vector<128x128xf32>
      %add3A_1791 = arith.constant 0 : i32
      %add3A_1792 = arith.addi %add3A_1791, %scan3A_1784 : i32
      %get3A_1793 = arith.index_cast %arg0 : i32 to index
      %get3A_1794 = arith.index_cast %add3A_1792 : i32 to index
      %get3A_1795 = memref.load %arg1[%get3A_1793, %get3A_1794] : memref<8x768xf32, #tpu.memory_space<smem>>
      %mul3A_1796 = vector.broadcast %get3A_1795 : f32 to vector<128x128xf32>
      %mul3A_1797 = arith.mulf %get3A_1790, %mul3A_1796 : vector<128x128xf32>
      %add3A_1798 = arith.constant 64 : i32
      %add3A_1799 = arith.addi %add3A_1798, %scan3A_1784 : i32
      %get3A_1800 = arith.index_cast %arg0 : i32 to index
      %get3A_1801 = arith.index_cast %add3A_1799 : i32 to index
      %get3A_1802 = memref.load %arg1[%get3A_1800, %get3A_1801] : memref<8x768xf32, #tpu.memory_space<smem>>
      %add3A_1803 = vector.broadcast %get3A_1802 : f32 to vector<128x128xf32>
      %add3A_1804 = arith.addf %mul3A_1797, %add3A_1803 : vector<128x128xf32>
      %add3A_1805 = arith.constant 128 : i32
      %add3A_1806 = arith.addi %add3A_1805, %scan3A_1784 : i32
      %get3A_1807 = arith.index_cast %arg0 : i32 to index
      %get3A_1808 = arith.index_cast %add3A_1806 : i32 to index
      %get3A_1809 = memref.load %arg1[%get3A_1807, %get3A_1808] : memref<8x768xf32, #tpu.memory_space<smem>>
      %mul3A_1810 = vector.broadcast %get3A_1809 : f32 to vector<128x128xf32>
      %mul3A_1811 = arith.mulf %add3A_1804, %mul3A_1810 : vector<128x128xf32>
      %tanh3A_1812 = math.tanh %add3A_1804 : vector<128x128xf32>
      %add3A_1813 = arith.constant 192 : i32
      %add3A_1814 = arith.addi %add3A_1813, %scan3A_1784 : i32
      %get3A_1815 = arith.index_cast %arg0 : i32 to index
      %get3A_1816 = arith.index_cast %add3A_1814 : i32 to index
      %get3A_1817 = memref.load %arg1[%get3A_1815, %get3A_1816] : memref<8x768xf32, #tpu.memory_space<smem>>
      %mul3A_1818 = vector.broadcast %get3A_1817 : f32 to vector<128x128xf32>
      %mul3A_1819 = arith.mulf %tanh3A_1812, %mul3A_1818 : vector<128x128xf32>
      %add3A_1820 = arith.addf %mul3A_1811, %mul3A_1819 : vector<128x128xf32>
      %add3A_1821 = arith.constant 256 : i32
      %add3A_1822 = arith.addi %add3A_1821, %scan3A_1784 : i32
      %get3A_1823 = arith.index_cast %arg0 : i32 to index
      %get3A_1824 = arith.index_cast %add3A_1822 : i32 to index
      %get3A_1825 = memref.load %arg1[%get3A_1823, %get3A_1824] : memref<8x768xf32, #tpu.memory_space<smem>>
      %add3A_1826 = vector.broadcast %get3A_1825 : f32 to vector<128x128xf32>
      %add3A_1827 = arith.addf %add3A_1820, %add3A_1826 : vector<128x128xf32>
      %add3A_1828 = arith.constant 320 : i32
      %add3A_1829 = arith.addi %add3A_1828, %scan3A_1784 : i32
      %get3A_1830 = arith.index_cast %arg0 : i32 to index
      %get3A_1831 = arith.index_cast %add3A_1829 : i32 to index
      %get3A_1832 = memref.load %arg1[%get3A_1830, %get3A_1831] : memref<8x768xf32, #tpu.memory_space<smem>>
      %mul3A_1833 = vector.broadcast %get3A_1832 : f32 to vector<128x128xf32>
      %mul3A_1834 = arith.mulf %add3A_1827, %mul3A_1833 : vector<128x128xf32>
      %tanh3A_1835 = math.tanh %add3A_1827 : vector<128x128xf32>
      %add3A_1836 = arith.constant 384 : i32
      %add3A_1837 = arith.addi %add3A_1836, %scan3A_1784 : i32
      %get3A_1838 = arith.index_cast %arg0 : i32 to index
      %get3A_1839 = arith.index_cast %add3A_1837 : i32 to index
      %get3A_1840 = memref.load %arg1[%get3A_1838, %get3A_1839] : memref<8x768xf32, #tpu.memory_space<smem>>
      %mul3A_1841 = vector.broadcast %get3A_1840 : f32 to vector<128x128xf32>
      %mul3A_1842 = arith.mulf %tanh3A_1835, %mul3A_1841 : vector<128x128xf32>
      %add3A_1843 = arith.addf %mul3A_1834, %mul3A_1842 : vector<128x128xf32>
      %add3A_1844 = arith.constant 448 : i32
      %add3A_1845 = arith.addi %add3A_1844, %scan3A_1784 : i32
      %get3A_1846 = arith.index_cast %arg0 : i32 to index
      %get3A_1847 = arith.index_cast %add3A_1845 : i32 to index
      %get3A_1848 = memref.load %arg1[%get3A_1846, %get3A_1847] : memref<8x768xf32, #tpu.memory_space<smem>>
      %add3A_1849 = vector.broadcast %get3A_1848 : f32 to vector<128x128xf32>
      %add3A_1850 = arith.addf %add3A_1843, %add3A_1849 : vector<128x128xf32>
      %add3A_1851 = arith.constant 512 : i32
      %add3A_1852 = arith.addi %add3A_1851, %scan3A_1784 : i32
      %get3A_1853 = arith.index_cast %arg0 : i32 to index
      %get3A_1854 = arith.index_cast %add3A_1852 : i32 to index
      %get3A_1855 = memref.load %arg1[%get3A_1853, %get3A_1854] : memref<8x768xf32, #tpu.memory_space<smem>>
      %mul3A_1856 = vector.broadcast %get3A_1855 : f32 to vector<128x128xf32>
      %mul3A_1857 = arith.mulf %add3A_1850, %mul3A_1856 : vector<128x128xf32>
      %tanh3A_1858 = math.tanh %add3A_1850 : vector<128x128xf32>
      %add3A_1859 = arith.constant 576 : i32
      %add3A_1860 = arith.addi %add3A_1859, %scan3A_1784 : i32
      %get3A_1861 = arith.index_cast %arg0 : i32 to index
      %get3A_1862 = arith.index_cast %add3A_1860 : i32 to index
      %get3A_1863 = memref.load %arg1[%get3A_1861, %get3A_1862] : memref<8x768xf32, #tpu.memory_space<smem>>
      %mul3A_1864 = vector.broadcast %get3A_1863 : f32 to vector<128x128xf32>
      %mul3A_1865 = arith.mulf %tanh3A_1858, %mul3A_1864 : vector<128x128xf32>
      %add3A_1866 = arith.addf %mul3A_1857, %mul3A_1865 : vector<128x128xf32>
      %add3A_1867 = arith.constant 640 : i32
      %add3A_1868 = arith.addi %add3A_1867, %scan3A_1784 : i32
      %get3A_1869 = arith.index_cast %arg0 : i32 to index
      %get3A_1870 = arith.index_cast %add3A_1868 : i32 to index
      %get3A_1871 = memref.load %arg1[%get3A_1869, %get3A_1870] : memref<8x768xf32, #tpu.memory_space<smem>>
      %add3A_1872 = vector.broadcast %get3A_1871 : f32 to vector<128x128xf32>
      %add3A_1873 = arith.addf %add3A_1866, %add3A_1872 : vector<128x128xf32>
      %tanh3A_1874 = math.tanh %add3A_1873 : vector<128x128xf32>
      %mul3A_1875 = arith.constant 5.000000e-01 : f32
      %mul3A_1876 = vector.broadcast %mul3A_1875 : f32 to vector<128x128xf32>
      %mul3A_1877 = arith.mulf %mul3A_1876, %tanh3A_1874 : vector<128x128xf32>
      %add3A_1878 = arith.constant 5.000000e-01 : f32
      %add3A_1879 = vector.broadcast %add3A_1878 : f32 to vector<128x128xf32>
      %add3A_1880 = arith.addf %mul3A_1877, %add3A_1879 : vector<128x128xf32>
      %swap3A_1881 = arith.constant 0 : index
      %swap3A_1882 = arith.index_cast %scan3A_1784 : i32 to index
      %swap3A_1883 = arith.constant 0 : index
      %swap3A_1884 = arith.constant 0 : index
      %swap3A_1885 = vector.load %arg3[%swap3A_1881, %swap3A_1882, %swap3A_1883, %swap3A_1884] : memref<1x64x128x128xf32, #tpu.memory_space<vmem>>, vector<1x1x128x128xf32>
      %swap3A_1886 = vector.shape_cast %swap3A_1885 : vector<1x1x128x128xf32> to vector<128x128xf32>
      %swap3A_1887 = vector.shape_cast %add3A_1880 : vector<128x128xf32> to vector<1x1x128x128xf32>
      tpu.vector_store %arg3[%swap3A_1881, %swap3A_1882, %swap3A_1883, %swap3A_1884], %swap3A_1887 {strides = array<i32>} : memref<1x64x128x128xf32, #tpu.memory_space<vmem>>, vector<1x1x128x128xf32>,
      %scan3A_1888 = arith.constant 18 : i32
      %scan3A_1889 = arith.addi %scan3A_4, %scan3A_1888 : i32
      %get3A_1890 = arith.constant 0 : index
      %get3A_1891 = arith.index_cast %scan3A_1889 : i32 to index
      %get3A_1892 = arith.constant 0 : index
      %get3A_1893 = arith.constant 0 : index
      %get3A_1894 = vector.load %arg2[%get3A_1890, %get3A_1891, %get3A_1892, %get3A_1893] : memref<1x64x128x128xf32, #tpu.memory_space<vmem>>, vector<1x1x128x128xf32>
      %get3A_1895 = vector.shape_cast %get3A_1894 : vector<1x1x128x128xf32> to vector<128x128xf32>
      %add3A_1896 = arith.constant 0 : i32
      %add3A_1897 = arith.addi %add3A_1896, %scan3A_1889 : i32
      %get3A_1898 = arith.index_cast %arg0 : i32 to index
      %get3A_1899 = arith.index_cast %add3A_1897 : i32 to index
      %get3A_1900 = memref.load %arg1[%get3A_1898, %get3A_1899] : memref<8x768xf32, #tpu.memory_space<smem>>
      %mul3A_1901 = vector.broadcast %get3A_1900 : f32 to vector<128x128xf32>
      %mul3A_1902 = arith.mulf %get3A_1895, %mul3A_1901 : vector<128x128xf32>
      %add3A_1903 = arith.constant 64 : i32
      %add3A_1904 = arith.addi %add3A_1903, %scan3A_1889 : i32
      %get3A_1905 = arith.index_cast %arg0 : i32 to index
      %get3A_1906 = arith.index_cast %add3A_1904 : i32 to index
      %get3A_1907 = memref.load %arg1[%get3A_1905, %get3A_1906] : memref<8x768xf32, #tpu.memory_space<smem>>
      %add3A_1908 = vector.broadcast %get3A_1907 : f32 to vector<128x128xf32>
      %add3A_1909 = arith.addf %mul3A_1902, %add3A_1908 : vector<128x128xf32>
      %add3A_1910 = arith.constant 128 : i32
      %add3A_1911 = arith.addi %add3A_1910, %scan3A_1889 : i32
      %get3A_1912 = arith.index_cast %arg0 : i32 to index
      %get3A_1913 = arith.index_cast %add3A_1911 : i32 to index
      %get3A_1914 = memref.load %arg1[%get3A_1912, %get3A_1913] : memref<8x768xf32, #tpu.memory_space<smem>>
      %mul3A_1915 = vector.broadcast %get3A_1914 : f32 to vector<128x128xf32>
      %mul3A_1916 = arith.mulf %add3A_1909, %mul3A_1915 : vector<128x128xf32>
      %tanh3A_1917 = math.tanh %add3A_1909 : vector<128x128xf32>
      %add3A_1918 = arith.constant 192 : i32
      %add3A_1919 = arith.addi %add3A_1918, %scan3A_1889 : i32
      %get3A_1920 = arith.index_cast %arg0 : i32 to index
      %get3A_1921 = arith.index_cast %add3A_1919 : i32 to index
      %get3A_1922 = memref.load %arg1[%get3A_1920, %get3A_1921] : memref<8x768xf32, #tpu.memory_space<smem>>
      %mul3A_1923 = vector.broadcast %get3A_1922 : f32 to vector<128x128xf32>
      %mul3A_1924 = arith.mulf %tanh3A_1917, %mul3A_1923 : vector<128x128xf32>
      %add3A_1925 = arith.addf %mul3A_1916, %mul3A_1924 : vector<128x128xf32>
      %add3A_1926 = arith.constant 256 : i32
      %add3A_1927 = arith.addi %add3A_1926, %scan3A_1889 : i32
      %get3A_1928 = arith.index_cast %arg0 : i32 to index
      %get3A_1929 = arith.index_cast %add3A_1927 : i32 to index
      %get3A_1930 = memref.load %arg1[%get3A_1928, %get3A_1929] : memref<8x768xf32, #tpu.memory_space<smem>>
      %add3A_1931 = vector.broadcast %get3A_1930 : f32 to vector<128x128xf32>
      %add3A_1932 = arith.addf %add3A_1925, %add3A_1931 : vector<128x128xf32>
      %add3A_1933 = arith.constant 320 : i32
      %add3A_1934 = arith.addi %add3A_1933, %scan3A_1889 : i32
      %get3A_1935 = arith.index_cast %arg0 : i32 to index
      %get3A_1936 = arith.index_cast %add3A_1934 : i32 to index
      %get3A_1937 = memref.load %arg1[%get3A_1935, %get3A_1936] : memref<8x768xf32, #tpu.memory_space<smem>>
      %mul3A_1938 = vector.broadcast %get3A_1937 : f32 to vector<128x128xf32>
      %mul3A_1939 = arith.mulf %add3A_1932, %mul3A_1938 : vector<128x128xf32>
      %tanh3A_1940 = math.tanh %add3A_1932 : vector<128x128xf32>
      %add3A_1941 = arith.constant 384 : i32
      %add3A_1942 = arith.addi %add3A_1941, %scan3A_1889 : i32
      %get3A_1943 = arith.index_cast %arg0 : i32 to index
      %get3A_1944 = arith.index_cast %add3A_1942 : i32 to index
      %get3A_1945 = memref.load %arg1[%get3A_1943, %get3A_1944] : memref<8x768xf32, #tpu.memory_space<smem>>
      %mul3A_1946 = vector.broadcast %get3A_1945 : f32 to vector<128x128xf32>
      %mul3A_1947 = arith.mulf %tanh3A_1940, %mul3A_1946 : vector<128x128xf32>
      %add3A_1948 = arith.addf %mul3A_1939, %mul3A_1947 : vector<128x128xf32>
      %add3A_1949 = arith.constant 448 : i32
      %add3A_1950 = arith.addi %add3A_1949, %scan3A_1889 : i32
      %get3A_1951 = arith.index_cast %arg0 : i32 to index
      %get3A_1952 = arith.index_cast %add3A_1950 : i32 to index
      %get3A_1953 = memref.load %arg1[%get3A_1951, %get3A_1952] : memref<8x768xf32, #tpu.memory_space<smem>>
      %add3A_1954 = vector.broadcast %get3A_1953 : f32 to vector<128x128xf32>
      %add3A_1955 = arith.addf %add3A_1948, %add3A_1954 : vector<128x128xf32>
      %add3A_1956 = arith.constant 512 : i32
      %add3A_1957 = arith.addi %add3A_1956, %scan3A_1889 : i32
      %get3A_1958 = arith.index_cast %arg0 : i32 to index
      %get3A_1959 = arith.index_cast %add3A_1957 : i32 to index
      %get3A_1960 = memref.load %arg1[%get3A_1958, %get3A_1959] : memref<8x768xf32, #tpu.memory_space<smem>>
      %mul3A_1961 = vector.broadcast %get3A_1960 : f32 to vector<128x128xf32>
      %mul3A_1962 = arith.mulf %add3A_1955, %mul3A_1961 : vector<128x128xf32>
      %tanh3A_1963 = math.tanh %add3A_1955 : vector<128x128xf32>
      %add3A_1964 = arith.constant 576 : i32
      %add3A_1965 = arith.addi %add3A_1964, %scan3A_1889 : i32
      %get3A_1966 = arith.index_cast %arg0 : i32 to index
      %get3A_1967 = arith.index_cast %add3A_1965 : i32 to index
      %get3A_1968 = memref.load %arg1[%get3A_1966, %get3A_1967] : memref<8x768xf32, #tpu.memory_space<smem>>
      %mul3A_1969 = vector.broadcast %get3A_1968 : f32 to vector<128x128xf32>
      %mul3A_1970 = arith.mulf %tanh3A_1963, %mul3A_1969 : vector<128x128xf32>
      %add3A_1971 = arith.addf %mul3A_1962, %mul3A_1970 : vector<128x128xf32>
      %add3A_1972 = arith.constant 640 : i32
      %add3A_1973 = arith.addi %add3A_1972, %scan3A_1889 : i32
      %get3A_1974 = arith.index_cast %arg0 : i32 to index
      %get3A_1975 = arith.index_cast %add3A_1973 : i32 to index
      %get3A_1976 = memref.load %arg1[%get3A_1974, %get3A_1975] : memref<8x768xf32, #tpu.memory_space<smem>>
      %add3A_1977 = vector.broadcast %get3A_1976 : f32 to vector<128x128xf32>
      %add3A_1978 = arith.addf %add3A_1971, %add3A_1977 : vector<128x128xf32>
      %tanh3A_1979 = math.tanh %add3A_1978 : vector<128x128xf32>
      %mul3A_1980 = arith.constant 5.000000e-01 : f32
      %mul3A_1981 = vector.broadcast %mul3A_1980 : f32 to vector<128x128xf32>
      %mul3A_1982 = arith.mulf %mul3A_1981, %tanh3A_1979 : vector<128x128xf32>
      %add3A_1983 = arith.constant 5.000000e-01 : f32
      %add3A_1984 = vector.broadcast %add3A_1983 : f32 to vector<128x128xf32>
      %add3A_1985 = arith.addf %mul3A_1982, %add3A_1984 : vector<128x128xf32>
      %swap3A_1986 = arith.constant 0 : index
      %swap3A_1987 = arith.index_cast %scan3A_1889 : i32 to index
      %swap3A_1988 = arith.constant 0 : index
      %swap3A_1989 = arith.constant 0 : index
      %swap3A_1990 = vector.load %arg3[%swap3A_1986, %swap3A_1987, %swap3A_1988, %swap3A_1989] : memref<1x64x128x128xf32, #tpu.memory_space<vmem>>, vector<1x1x128x128xf32>
      %swap3A_1991 = vector.shape_cast %swap3A_1990 : vector<1x1x128x128xf32> to vector<128x128xf32>
      %swap3A_1992 = vector.shape_cast %add3A_1985 : vector<128x128xf32> to vector<1x1x128x128xf32>
      tpu.vector_store %arg3[%swap3A_1986, %swap3A_1987, %swap3A_1988, %swap3A_1989], %swap3A_1992 {strides = array<i32>} : memref<1x64x128x128xf32, #tpu.memory_space<vmem>>, vector<1x1x128x128xf32>,
      %scan3A_1993 = arith.constant 19 : i32
      %scan3A_1994 = arith.addi %scan3A_4, %scan3A_1993 : i32
      %get3A_1995 = arith.constant 0 : index
      %get3A_1996 = arith.index_cast %scan3A_1994 : i32 to index
      %get3A_1997 = arith.constant 0 : index
      %get3A_1998 = arith.constant 0 : index
      %get3A_1999 = vector.load %arg2[%get3A_1995, %get3A_1996, %get3A_1997, %get3A_1998] : memref<1x64x128x128xf32, #tpu.memory_space<vmem>>, vector<1x1x128x128xf32>
      %get3A_2000 = vector.shape_cast %get3A_1999 : vector<1x1x128x128xf32> to vector<128x128xf32>
      %add3A_2001 = arith.constant 0 : i32
      %add3A_2002 = arith.addi %add3A_2001, %scan3A_1994 : i32
      %get3A_2003 = arith.index_cast %arg0 : i32 to index
      %get3A_2004 = arith.index_cast %add3A_2002 : i32 to index
      %get3A_2005 = memref.load %arg1[%get3A_2003, %get3A_2004] : memref<8x768xf32, #tpu.memory_space<smem>>
      %mul3A_2006 = vector.broadcast %get3A_2005 : f32 to vector<128x128xf32>
      %mul3A_2007 = arith.mulf %get3A_2000, %mul3A_2006 : vector<128x128xf32>
      %add3A_2008 = arith.constant 64 : i32
      %add3A_2009 = arith.addi %add3A_2008, %scan3A_1994 : i32
      %get3A_2010 = arith.index_cast %arg0 : i32 to index
      %get3A_2011 = arith.index_cast %add3A_2009 : i32 to index
      %get3A_2012 = memref.load %arg1[%get3A_2010, %get3A_2011] : memref<8x768xf32, #tpu.memory_space<smem>>
      %add3A_2013 = vector.broadcast %get3A_2012 : f32 to vector<128x128xf32>
      %add3A_2014 = arith.addf %mul3A_2007, %add3A_2013 : vector<128x128xf32>
      %add3A_2015 = arith.constant 128 : i32
      %add3A_2016 = arith.addi %add3A_2015, %scan3A_1994 : i32
      %get3A_2017 = arith.index_cast %arg0 : i32 to index
      %get3A_2018 = arith.index_cast %add3A_2016 : i32 to index
      %get3A_2019 = memref.load %arg1[%get3A_2017, %get3A_2018] : memref<8x768xf32, #tpu.memory_space<smem>>
      %mul3A_2020 = vector.broadcast %get3A_2019 : f32 to vector<128x128xf32>
      %mul3A_2021 = arith.mulf %add3A_2014, %mul3A_2020 : vector<128x128xf32>
      %tanh3A_2022 = math.tanh %add3A_2014 : vector<128x128xf32>
      %add3A_2023 = arith.constant 192 : i32
      %add3A_2024 = arith.addi %add3A_2023, %scan3A_1994 : i32
      %get3A_2025 = arith.index_cast %arg0 : i32 to index
      %get3A_2026 = arith.index_cast %add3A_2024 : i32 to index
      %get3A_2027 = memref.load %arg1[%get3A_2025, %get3A_2026] : memref<8x768xf32, #tpu.memory_space<smem>>
      %mul3A_2028 = vector.broadcast %get3A_2027 : f32 to vector<128x128xf32>
      %mul3A_2029 = arith.mulf %tanh3A_2022, %mul3A_2028 : vector<128x128xf32>
      %add3A_2030 = arith.addf %mul3A_2021, %mul3A_2029 : vector<128x128xf32>
      %add3A_2031 = arith.constant 256 : i32
      %add3A_2032 = arith.addi %add3A_2031, %scan3A_1994 : i32
      %get3A_2033 = arith.index_cast %arg0 : i32 to index
      %get3A_2034 = arith.index_cast %add3A_2032 : i32 to index
      %get3A_2035 = memref.load %arg1[%get3A_2033, %get3A_2034] : memref<8x768xf32, #tpu.memory_space<smem>>
      %add3A_2036 = vector.broadcast %get3A_2035 : f32 to vector<128x128xf32>
      %add3A_2037 = arith.addf %add3A_2030, %add3A_2036 : vector<128x128xf32>
      %add3A_2038 = arith.constant 320 : i32
      %add3A_2039 = arith.addi %add3A_2038, %scan3A_1994 : i32
      %get3A_2040 = arith.index_cast %arg0 : i32 to index
      %get3A_2041 = arith.index_cast %add3A_2039 : i32 to index
      %get3A_2042 = memref.load %arg1[%get3A_2040, %get3A_2041] : memref<8x768xf32, #tpu.memory_space<smem>>
      %mul3A_2043 = vector.broadcast %get3A_2042 : f32 to vector<128x128xf32>
      %mul3A_2044 = arith.mulf %add3A_2037, %mul3A_2043 : vector<128x128xf32>
      %tanh3A_2045 = math.tanh %add3A_2037 : vector<128x128xf32>
      %add3A_2046 = arith.constant 384 : i32
      %add3A_2047 = arith.addi %add3A_2046, %scan3A_1994 : i32
      %get3A_2048 = arith.index_cast %arg0 : i32 to index
      %get3A_2049 = arith.index_cast %add3A_2047 : i32 to index
      %get3A_2050 = memref.load %arg1[%get3A_2048, %get3A_2049] : memref<8x768xf32, #tpu.memory_space<smem>>
      %mul3A_2051 = vector.broadcast %get3A_2050 : f32 to vector<128x128xf32>
      %mul3A_2052 = arith.mulf %tanh3A_2045, %mul3A_2051 : vector<128x128xf32>
      %add3A_2053 = arith.addf %mul3A_2044, %mul3A_2052 : vector<128x128xf32>
      %add3A_2054 = arith.constant 448 : i32
      %add3A_2055 = arith.addi %add3A_2054, %scan3A_1994 : i32
      %get3A_2056 = arith.index_cast %arg0 : i32 to index
      %get3A_2057 = arith.index_cast %add3A_2055 : i32 to index
      %get3A_2058 = memref.load %arg1[%get3A_2056, %get3A_2057] : memref<8x768xf32, #tpu.memory_space<smem>>
      %add3A_2059 = vector.broadcast %get3A_2058 : f32 to vector<128x128xf32>
      %add3A_2060 = arith.addf %add3A_2053, %add3A_2059 : vector<128x128xf32>
      %add3A_2061 = arith.constant 512 : i32
      %add3A_2062 = arith.addi %add3A_2061, %scan3A_1994 : i32
      %get3A_2063 = arith.index_cast %arg0 : i32 to index
      %get3A_2064 = arith.index_cast %add3A_2062 : i32 to index
      %get3A_2065 = memref.load %arg1[%get3A_2063, %get3A_2064] : memref<8x768xf32, #tpu.memory_space<smem>>
      %mul3A_2066 = vector.broadcast %get3A_2065 : f32 to vector<128x128xf32>
      %mul3A_2067 = arith.mulf %add3A_2060, %mul3A_2066 : vector<128x128xf32>
      %tanh3A_2068 = math.tanh %add3A_2060 : vector<128x128xf32>
      %add3A_2069 = arith.constant 576 : i32
      %add3A_2070 = arith.addi %add3A_2069, %scan3A_1994 : i32
      %get3A_2071 = arith.index_cast %arg0 : i32 to index
      %get3A_2072 = arith.index_cast %add3A_2070 : i32 to index
      %get3A_2073 = memref.load %arg1[%get3A_2071, %get3A_2072] : memref<8x768xf32, #tpu.memory_space<smem>>
      %mul3A_2074 = vector.broadcast %get3A_2073 : f32 to vector<128x128xf32>
      %mul3A_2075 = arith.mulf %tanh3A_2068, %mul3A_2074 : vector<128x128xf32>
      %add3A_2076 = arith.addf %mul3A_2067, %mul3A_2075 : vector<128x128xf32>
      %add3A_2077 = arith.constant 640 : i32
      %add3A_2078 = arith.addi %add3A_2077, %scan3A_1994 : i32
      %get3A_2079 = arith.index_cast %arg0 : i32 to index
      %get3A_2080 = arith.index_cast %add3A_2078 : i32 to index
      %get3A_2081 = memref.load %arg1[%get3A_2079, %get3A_2080] : memref<8x768xf32, #tpu.memory_space<smem>>
      %add3A_2082 = vector.broadcast %get3A_2081 : f32 to vector<128x128xf32>
      %add3A_2083 = arith.addf %add3A_2076, %add3A_2082 : vector<128x128xf32>
      %tanh3A_2084 = math.tanh %add3A_2083 : vector<128x128xf32>
      %mul3A_2085 = arith.constant 5.000000e-01 : f32
      %mul3A_2086 = vector.broadcast %mul3A_2085 : f32 to vector<128x128xf32>
      %mul3A_2087 = arith.mulf %mul3A_2086, %tanh3A_2084 : vector<128x128xf32>
      %add3A_2088 = arith.constant 5.000000e-01 : f32
      %add3A_2089 = vector.broadcast %add3A_2088 : f32 to vector<128x128xf32>
      %add3A_2090 = arith.addf %mul3A_2087, %add3A_2089 : vector<128x128xf32>
      %swap3A_2091 = arith.constant 0 : index
      %swap3A_2092 = arith.index_cast %scan3A_1994 : i32 to index
      %swap3A_2093 = arith.constant 0 : index
      %swap3A_2094 = arith.constant 0 : index
      %swap3A_2095 = vector.load %arg3[%swap3A_2091, %swap3A_2092, %swap3A_2093, %swap3A_2094] : memref<1x64x128x128xf32, #tpu.memory_space<vmem>>, vector<1x1x128x128xf32>
      %swap3A_2096 = vector.shape_cast %swap3A_2095 : vector<1x1x128x128xf32> to vector<128x128xf32>
      %swap3A_2097 = vector.shape_cast %add3A_2090 : vector<128x128xf32> to vector<1x1x128x128xf32>
      tpu.vector_store %arg3[%swap3A_2091, %swap3A_2092, %swap3A_2093, %swap3A_2094], %swap3A_2097 {strides = array<i32>} : memref<1x64x128x128xf32, #tpu.memory_space<vmem>>, vector<1x1x128x128xf32>,
      %scan3A_2098 = arith.constant 20 : i32
      %scan3A_2099 = arith.addi %scan3A_4, %scan3A_2098 : i32
      %get3A_2100 = arith.constant 0 : index
      %get3A_2101 = arith.index_cast %scan3A_2099 : i32 to index
      %get3A_2102 = arith.constant 0 : index
      %get3A_2103 = arith.constant 0 : index
      %get3A_2104 = vector.load %arg2[%get3A_2100, %get3A_2101, %get3A_2102, %get3A_2103] : memref<1x64x128x128xf32, #tpu.memory_space<vmem>>, vector<1x1x128x128xf32>
      %get3A_2105 = vector.shape_cast %get3A_2104 : vector<1x1x128x128xf32> to vector<128x128xf32>
      %add3A_2106 = arith.constant 0 : i32
      %add3A_2107 = arith.addi %add3A_2106, %scan3A_2099 : i32
      %get3A_2108 = arith.index_cast %arg0 : i32 to index
      %get3A_2109 = arith.index_cast %add3A_2107 : i32 to index
      %get3A_2110 = memref.load %arg1[%get3A_2108, %get3A_2109] : memref<8x768xf32, #tpu.memory_space<smem>>
      %mul3A_2111 = vector.broadcast %get3A_2110 : f32 to vector<128x128xf32>
      %mul3A_2112 = arith.mulf %get3A_2105, %mul3A_2111 : vector<128x128xf32>
      %add3A_2113 = arith.constant 64 : i32
      %add3A_2114 = arith.addi %add3A_2113, %scan3A_2099 : i32
      %get3A_2115 = arith.index_cast %arg0 : i32 to index
      %get3A_2116 = arith.index_cast %add3A_2114 : i32 to index
      %get3A_2117 = memref.load %arg1[%get3A_2115, %get3A_2116] : memref<8x768xf32, #tpu.memory_space<smem>>
      %add3A_2118 = vector.broadcast %get3A_2117 : f32 to vector<128x128xf32>
      %add3A_2119 = arith.addf %mul3A_2112, %add3A_2118 : vector<128x128xf32>
      %add3A_2120 = arith.constant 128 : i32
      %add3A_2121 = arith.addi %add3A_2120, %scan3A_2099 : i32
      %get3A_2122 = arith.index_cast %arg0 : i32 to index
      %get3A_2123 = arith.index_cast %add3A_2121 : i32 to index
      %get3A_2124 = memref.load %arg1[%get3A_2122, %get3A_2123] : memref<8x768xf32, #tpu.memory_space<smem>>
      %mul3A_2125 = vector.broadcast %get3A_2124 : f32 to vector<128x128xf32>
      %mul3A_2126 = arith.mulf %add3A_2119, %mul3A_2125 : vector<128x128xf32>
      %tanh3A_2127 = math.tanh %add3A_2119 : vector<128x128xf32>
      %add3A_2128 = arith.constant 192 : i32
      %add3A_2129 = arith.addi %add3A_2128, %scan3A_2099 : i32
      %get3A_2130 = arith.index_cast %arg0 : i32 to index
      %get3A_2131 = arith.index_cast %add3A_2129 : i32 to index
      %get3A_2132 = memref.load %arg1[%get3A_2130, %get3A_2131] : memref<8x768xf32, #tpu.memory_space<smem>>
      %mul3A_2133 = vector.broadcast %get3A_2132 : f32 to vector<128x128xf32>
      %mul3A_2134 = arith.mulf %tanh3A_2127, %mul3A_2133 : vector<128x128xf32>
      %add3A_2135 = arith.addf %mul3A_2126, %mul3A_2134 : vector<128x128xf32>
      %add3A_2136 = arith.constant 256 : i32
      %add3A_2137 = arith.addi %add3A_2136, %scan3A_2099 : i32
      %get3A_2138 = arith.index_cast %arg0 : i32 to index
      %get3A_2139 = arith.index_cast %add3A_2137 : i32 to index
      %get3A_2140 = memref.load %arg1[%get3A_2138, %get3A_2139] : memref<8x768xf32, #tpu.memory_space<smem>>
      %add3A_2141 = vector.broadcast %get3A_2140 : f32 to vector<128x128xf32>
      %add3A_2142 = arith.addf %add3A_2135, %add3A_2141 : vector<128x128xf32>
      %add3A_2143 = arith.constant 320 : i32
      %add3A_2144 = arith.addi %add3A_2143, %scan3A_2099 : i32
      %get3A_2145 = arith.index_cast %arg0 : i32 to index
      %get3A_2146 = arith.index_cast %add3A_2144 : i32 to index
      %get3A_2147 = memref.load %arg1[%get3A_2145, %get3A_2146] : memref<8x768xf32, #tpu.memory_space<smem>>
      %mul3A_2148 = vector.broadcast %get3A_2147 : f32 to vector<128x128xf32>
      %mul3A_2149 = arith.mulf %add3A_2142, %mul3A_2148 : vector<128x128xf32>
      %tanh3A_2150 = math.tanh %add3A_2142 : vector<128x128xf32>
      %add3A_2151 = arith.constant 384 : i32
      %add3A_2152 = arith.addi %add3A_2151, %scan3A_2099 : i32
      %get3A_2153 = arith.index_cast %arg0 : i32 to index
      %get3A_2154 = arith.index_cast %add3A_2152 : i32 to index
      %get3A_2155 = memref.load %arg1[%get3A_2153, %get3A_2154] : memref<8x768xf32, #tpu.memory_space<smem>>
      %mul3A_2156 = vector.broadcast %get3A_2155 : f32 to vector<128x128xf32>
      %mul3A_2157 = arith.mulf %tanh3A_2150, %mul3A_2156 : vector<128x128xf32>
      %add3A_2158 = arith.addf %mul3A_2149, %mul3A_2157 : vector<128x128xf32>
      %add3A_2159 = arith.constant 448 : i32
      %add3A_2160 = arith.addi %add3A_2159, %scan3A_2099 : i32
      %get3A_2161 = arith.index_cast %arg0 : i32 to index
      %get3A_2162 = arith.index_cast %add3A_2160 : i32 to index
      %get3A_2163 = memref.load %arg1[%get3A_2161, %get3A_2162] : memref<8x768xf32, #tpu.memory_space<smem>>
      %add3A_2164 = vector.broadcast %get3A_2163 : f32 to vector<128x128xf32>
      %add3A_2165 = arith.addf %add3A_2158, %add3A_2164 : vector<128x128xf32>
      %add3A_2166 = arith.constant 512 : i32
      %add3A_2167 = arith.addi %add3A_2166, %scan3A_2099 : i32
      %get3A_2168 = arith.index_cast %arg0 : i32 to index
      %get3A_2169 = arith.index_cast %add3A_2167 : i32 to index
      %get3A_2170 = memref.load %arg1[%get3A_2168, %get3A_2169] : memref<8x768xf32, #tpu.memory_space<smem>>
      %mul3A_2171 = vector.broadcast %get3A_2170 : f32 to vector<128x128xf32>
      %mul3A_2172 = arith.mulf %add3A_2165, %mul3A_2171 : vector<128x128xf32>
      %tanh3A_2173 = math.tanh %add3A_2165 : vector<128x128xf32>
      %add3A_2174 = arith.constant 576 : i32
      %add3A_2175 = arith.addi %add3A_2174, %scan3A_2099 : i32
      %get3A_2176 = arith.index_cast %arg0 : i32 to index
      %get3A_2177 = arith.index_cast %add3A_2175 : i32 to index
      %get3A_2178 = memref.load %arg1[%get3A_2176, %get3A_2177] : memref<8x768xf32, #tpu.memory_space<smem>>
      %mul3A_2179 = vector.broadcast %get3A_2178 : f32 to vector<128x128xf32>
      %mul3A_2180 = arith.mulf %tanh3A_2173, %mul3A_2179 : vector<128x128xf32>
      %add3A_2181 = arith.addf %mul3A_2172, %mul3A_2180 : vector<128x128xf32>
      %add3A_2182 = arith.constant 640 : i32
      %add3A_2183 = arith.addi %add3A_2182, %scan3A_2099 : i32
      %get3A_2184 = arith.index_cast %arg0 : i32 to index
      %get3A_2185 = arith.index_cast %add3A_2183 : i32 to index
      %get3A_2186 = memref.load %arg1[%get3A_2184, %get3A_2185] : memref<8x768xf32, #tpu.memory_space<smem>>
      %add3A_2187 = vector.broadcast %get3A_2186 : f32 to vector<128x128xf32>
      %add3A_2188 = arith.addf %add3A_2181, %add3A_2187 : vector<128x128xf32>
      %tanh3A_2189 = math.tanh %add3A_2188 : vector<128x128xf32>
      %mul3A_2190 = arith.constant 5.000000e-01 : f32
      %mul3A_2191 = vector.broadcast %mul3A_2190 : f32 to vector<128x128xf32>
      %mul3A_2192 = arith.mulf %mul3A_2191, %tanh3A_2189 : vector<128x128xf32>
      %add3A_2193 = arith.constant 5.000000e-01 : f32
      %add3A_2194 = vector.broadcast %add3A_2193 : f32 to vector<128x128xf32>
      %add3A_2195 = arith.addf %mul3A_2192, %add3A_2194 : vector<128x128xf32>
      %swap3A_2196 = arith.constant 0 : index
      %swap3A_2197 = arith.index_cast %scan3A_2099 : i32 to index
      %swap3A_2198 = arith.constant 0 : index
      %swap3A_2199 = arith.constant 0 : index
      %swap3A_2200 = vector.load %arg3[%swap3A_2196, %swap3A_2197, %swap3A_2198, %swap3A_2199] : memref<1x64x128x128xf32, #tpu.memory_space<vmem>>, vector<1x1x128x128xf32>
      %swap3A_2201 = vector.shape_cast %swap3A_2200 : vector<1x1x128x128xf32> to vector<128x128xf32>
      %swap3A_2202 = vector.shape_cast %add3A_2195 : vector<128x128xf32> to vector<1x1x128x128xf32>
      tpu.vector_store %arg3[%swap3A_2196, %swap3A_2197, %swap3A_2198, %swap3A_2199], %swap3A_2202 {strides = array<i32>} : memref<1x64x128x128xf32, #tpu.memory_space<vmem>>, vector<1x1x128x128xf32>,
      %scan3A_2203 = arith.constant 21 : i32
      %scan3A_2204 = arith.addi %scan3A_4, %scan3A_2203 : i32
      %get3A_2205 = arith.constant 0 : index
      %get3A_2206 = arith.index_cast %scan3A_2204 : i32 to index
      %get3A_2207 = arith.constant 0 : index
      %get3A_2208 = arith.constant 0 : index
      %get3A_2209 = vector.load %arg2[%get3A_2205, %get3A_2206, %get3A_2207, %get3A_2208] : memref<1x64x128x128xf32, #tpu.memory_space<vmem>>, vector<1x1x128x128xf32>
      %get3A_2210 = vector.shape_cast %get3A_2209 : vector<1x1x128x128xf32> to vector<128x128xf32>
      %add3A_2211 = arith.constant 0 : i32
      %add3A_2212 = arith.addi %add3A_2211, %scan3A_2204 : i32
      %get3A_2213 = arith.index_cast %arg0 : i32 to index
      %get3A_2214 = arith.index_cast %add3A_2212 : i32 to index
      %get3A_2215 = memref.load %arg1[%get3A_2213, %get3A_2214] : memref<8x768xf32, #tpu.memory_space<smem>>
      %mul3A_2216 = vector.broadcast %get3A_2215 : f32 to vector<128x128xf32>
      %mul3A_2217 = arith.mulf %get3A_2210, %mul3A_2216 : vector<128x128xf32>
      %add3A_2218 = arith.constant 64 : i32
      %add3A_2219 = arith.addi %add3A_2218, %scan3A_2204 : i32
      %get3A_2220 = arith.index_cast %arg0 : i32 to index
      %get3A_2221 = arith.index_cast %add3A_2219 : i32 to index
      %get3A_2222 = memref.load %arg1[%get3A_2220, %get3A_2221] : memref<8x768xf32, #tpu.memory_space<smem>>
      %add3A_2223 = vector.broadcast %get3A_2222 : f32 to vector<128x128xf32>
      %add3A_2224 = arith.addf %mul3A_2217, %add3A_2223 : vector<128x128xf32>
      %add3A_2225 = arith.constant 128 : i32
      %add3A_2226 = arith.addi %add3A_2225, %scan3A_2204 : i32
      %get3A_2227 = arith.index_cast %arg0 : i32 to index
      %get3A_2228 = arith.index_cast %add3A_2226 : i32 to index
      %get3A_2229 = memref.load %arg1[%get3A_2227, %get3A_2228] : memref<8x768xf32, #tpu.memory_space<smem>>
      %mul3A_2230 = vector.broadcast %get3A_2229 : f32 to vector<128x128xf32>
      %mul3A_2231 = arith.mulf %add3A_2224, %mul3A_2230 : vector<128x128xf32>
      %tanh3A_2232 = math.tanh %add3A_2224 : vector<128x128xf32>
      %add3A_2233 = arith.constant 192 : i32
      %add3A_2234 = arith.addi %add3A_2233, %scan3A_2204 : i32
      %get3A_2235 = arith.index_cast %arg0 : i32 to index
      %get3A_2236 = arith.index_cast %add3A_2234 : i32 to index
      %get3A_2237 = memref.load %arg1[%get3A_2235, %get3A_2236] : memref<8x768xf32, #tpu.memory_space<smem>>
      %mul3A_2238 = vector.broadcast %get3A_2237 : f32 to vector<128x128xf32>
      %mul3A_2239 = arith.mulf %tanh3A_2232, %mul3A_2238 : vector<128x128xf32>
      %add3A_2240 = arith.addf %mul3A_2231, %mul3A_2239 : vector<128x128xf32>
      %add3A_2241 = arith.constant 256 : i32
      %add3A_2242 = arith.addi %add3A_2241, %scan3A_2204 : i32
      %get3A_2243 = arith.index_cast %arg0 : i32 to index
      %get3A_2244 = arith.index_cast %add3A_2242 : i32 to index
      %get3A_2245 = memref.load %arg1[%get3A_2243, %get3A_2244] : memref<8x768xf32, #tpu.memory_space<smem>>
      %add3A_2246 = vector.broadcast %get3A_2245 : f32 to vector<128x128xf32>
      %add3A_2247 = arith.addf %add3A_2240, %add3A_2246 : vector<128x128xf32>
      %add3A_2248 = arith.constant 320 : i32
      %add3A_2249 = arith.addi %add3A_2248, %scan3A_2204 : i32
      %get3A_2250 = arith.index_cast %arg0 : i32 to index
      %get3A_2251 = arith.index_cast %add3A_2249 : i32 to index
      %get3A_2252 = memref.load %arg1[%get3A_2250, %get3A_2251] : memref<8x768xf32, #tpu.memory_space<smem>>
      %mul3A_2253 = vector.broadcast %get3A_2252 : f32 to vector<128x128xf32>
      %mul3A_2254 = arith.mulf %add3A_2247, %mul3A_2253 : vector<128x128xf32>
      %tanh3A_2255 = math.tanh %add3A_2247 : vector<128x128xf32>
      %add3A_2256 = arith.constant 384 : i32
      %add3A_2257 = arith.addi %add3A_2256, %scan3A_2204 : i32
      %get3A_2258 = arith.index_cast %arg0 : i32 to index
      %get3A_2259 = arith.index_cast %add3A_2257 : i32 to index
      %get3A_2260 = memref.load %arg1[%get3A_2258, %get3A_2259] : memref<8x768xf32, #tpu.memory_space<smem>>
      %mul3A_2261 = vector.broadcast %get3A_2260 : f32 to vector<128x128xf32>
      %mul3A_2262 = arith.mulf %tanh3A_2255, %mul3A_2261 : vector<128x128xf32>
      %add3A_2263 = arith.addf %mul3A_2254, %mul3A_2262 : vector<128x128xf32>
      %add3A_2264 = arith.constant 448 : i32
      %add3A_2265 = arith.addi %add3A_2264, %scan3A_2204 : i32
      %get3A_2266 = arith.index_cast %arg0 : i32 to index
      %get3A_2267 = arith.index_cast %add3A_2265 : i32 to index
      %get3A_2268 = memref.load %arg1[%get3A_2266, %get3A_2267] : memref<8x768xf32, #tpu.memory_space<smem>>
      %add3A_2269 = vector.broadcast %get3A_2268 : f32 to vector<128x128xf32>
      %add3A_2270 = arith.addf %add3A_2263, %add3A_2269 : vector<128x128xf32>
      %add3A_2271 = arith.constant 512 : i32
      %add3A_2272 = arith.addi %add3A_2271, %scan3A_2204 : i32
      %get3A_2273 = arith.index_cast %arg0 : i32 to index
      %get3A_2274 = arith.index_cast %add3A_2272 : i32 to index
      %get3A_2275 = memref.load %arg1[%get3A_2273, %get3A_2274] : memref<8x768xf32, #tpu.memory_space<smem>>
      %mul3A_2276 = vector.broadcast %get3A_2275 : f32 to vector<128x128xf32>
      %mul3A_2277 = arith.mulf %add3A_2270, %mul3A_2276 : vector<128x128xf32>
      %tanh3A_2278 = math.tanh %add3A_2270 : vector<128x128xf32>
      %add3A_2279 = arith.constant 576 : i32
      %add3A_2280 = arith.addi %add3A_2279, %scan3A_2204 : i32
      %get3A_2281 = arith.index_cast %arg0 : i32 to index
      %get3A_2282 = arith.index_cast %add3A_2280 : i32 to index
      %get3A_2283 = memref.load %arg1[%get3A_2281, %get3A_2282] : memref<8x768xf32, #tpu.memory_space<smem>>
      %mul3A_2284 = vector.broadcast %get3A_2283 : f32 to vector<128x128xf32>
      %mul3A_2285 = arith.mulf %tanh3A_2278, %mul3A_2284 : vector<128x128xf32>
      %add3A_2286 = arith.addf %mul3A_2277, %mul3A_2285 : vector<128x128xf32>
      %add3A_2287 = arith.constant 640 : i32
      %add3A_2288 = arith.addi %add3A_2287, %scan3A_2204 : i32
      %get3A_2289 = arith.index_cast %arg0 : i32 to index
      %get3A_2290 = arith.index_cast %add3A_2288 : i32 to index
      %get3A_2291 = memref.load %arg1[%get3A_2289, %get3A_2290] : memref<8x768xf32, #tpu.memory_space<smem>>
      %add3A_2292 = vector.broadcast %get3A_2291 : f32 to vector<128x128xf32>
      %add3A_2293 = arith.addf %add3A_2286, %add3A_2292 : vector<128x128xf32>
      %tanh3A_2294 = math.tanh %add3A_2293 : vector<128x128xf32>
      %mul3A_2295 = arith.constant 5.000000e-01 : f32
      %mul3A_2296 = vector.broadcast %mul3A_2295 : f32 to vector<128x128xf32>
      %mul3A_2297 = arith.mulf %mul3A_2296, %tanh3A_2294 : vector<128x128xf32>
      %add3A_2298 = arith.constant 5.000000e-01 : f32
      %add3A_2299 = vector.broadcast %add3A_2298 : f32 to vector<128x128xf32>
      %add3A_2300 = arith.addf %mul3A_2297, %add3A_2299 : vector<128x128xf32>
      %swap3A_2301 = arith.constant 0 : index
      %swap3A_2302 = arith.index_cast %scan3A_2204 : i32 to index
      %swap3A_2303 = arith.constant 0 : index
      %swap3A_2304 = arith.constant 0 : index
      %swap3A_2305 = vector.load %arg3[%swap3A_2301, %swap3A_2302, %swap3A_2303, %swap3A_2304] : memref<1x64x128x128xf32, #tpu.memory_space<vmem>>, vector<1x1x128x128xf32>
      %swap3A_2306 = vector.shape_cast %swap3A_2305 : vector<1x1x128x128xf32> to vector<128x128xf32>
      %swap3A_2307 = vector.shape_cast %add3A_2300 : vector<128x128xf32> to vector<1x1x128x128xf32>
      tpu.vector_store %arg3[%swap3A_2301, %swap3A_2302, %swap3A_2303, %swap3A_2304], %swap3A_2307 {strides = array<i32>} : memref<1x64x128x128xf32, #tpu.memory_space<vmem>>, vector<1x1x128x128xf32>,
      %scan3A_2308 = arith.constant 22 : i32
      %scan3A_2309 = arith.addi %scan3A_4, %scan3A_2308 : i32
      %get3A_2310 = arith.constant 0 : index
      %get3A_2311 = arith.index_cast %scan3A_2309 : i32 to index
      %get3A_2312 = arith.constant 0 : index
      %get3A_2313 = arith.constant 0 : index
      %get3A_2314 = vector.load %arg2[%get3A_2310, %get3A_2311, %get3A_2312, %get3A_2313] : memref<1x64x128x128xf32, #tpu.memory_space<vmem>>, vector<1x1x128x128xf32>
      %get3A_2315 = vector.shape_cast %get3A_2314 : vector<1x1x128x128xf32> to vector<128x128xf32>
      %add3A_2316 = arith.constant 0 : i32
      %add3A_2317 = arith.addi %add3A_2316, %scan3A_2309 : i32
      %get3A_2318 = arith.index_cast %arg0 : i32 to index
      %get3A_2319 = arith.index_cast %add3A_2317 : i32 to index
      %get3A_2320 = memref.load %arg1[%get3A_2318, %get3A_2319] : memref<8x768xf32, #tpu.memory_space<smem>>
      %mul3A_2321 = vector.broadcast %get3A_2320 : f32 to vector<128x128xf32>
      %mul3A_2322 = arith.mulf %get3A_2315, %mul3A_2321 : vector<128x128xf32>
      %add3A_2323 = arith.constant 64 : i32
      %add3A_2324 = arith.addi %add3A_2323, %scan3A_2309 : i32
      %get3A_2325 = arith.index_cast %arg0 : i32 to index
      %get3A_2326 = arith.index_cast %add3A_2324 : i32 to index
      %get3A_2327 = memref.load %arg1[%get3A_2325, %get3A_2326] : memref<8x768xf32, #tpu.memory_space<smem>>
      %add3A_2328 = vector.broadcast %get3A_2327 : f32 to vector<128x128xf32>
      %add3A_2329 = arith.addf %mul3A_2322, %add3A_2328 : vector<128x128xf32>
      %add3A_2330 = arith.constant 128 : i32
      %add3A_2331 = arith.addi %add3A_2330, %scan3A_2309 : i32
      %get3A_2332 = arith.index_cast %arg0 : i32 to index
      %get3A_2333 = arith.index_cast %add3A_2331 : i32 to index
      %get3A_2334 = memref.load %arg1[%get3A_2332, %get3A_2333] : memref<8x768xf32, #tpu.memory_space<smem>>
      %mul3A_2335 = vector.broadcast %get3A_2334 : f32 to vector<128x128xf32>
      %mul3A_2336 = arith.mulf %add3A_2329, %mul3A_2335 : vector<128x128xf32>
      %tanh3A_2337 = math.tanh %add3A_2329 : vector<128x128xf32>
      %add3A_2338 = arith.constant 192 : i32
      %add3A_2339 = arith.addi %add3A_2338, %scan3A_2309 : i32
      %get3A_2340 = arith.index_cast %arg0 : i32 to index
      %get3A_2341 = arith.index_cast %add3A_2339 : i32 to index
      %get3A_2342 = memref.load %arg1[%get3A_2340, %get3A_2341] : memref<8x768xf32, #tpu.memory_space<smem>>
      %mul3A_2343 = vector.broadcast %get3A_2342 : f32 to vector<128x128xf32>
      %mul3A_2344 = arith.mulf %tanh3A_2337, %mul3A_2343 : vector<128x128xf32>
      %add3A_2345 = arith.addf %mul3A_2336, %mul3A_2344 : vector<128x128xf32>
      %add3A_2346 = arith.constant 256 : i32
      %add3A_2347 = arith.addi %add3A_2346, %scan3A_2309 : i32
      %get3A_2348 = arith.index_cast %arg0 : i32 to index
      %get3A_2349 = arith.index_cast %add3A_2347 : i32 to index
      %get3A_2350 = memref.load %arg1[%get3A_2348, %get3A_2349] : memref<8x768xf32, #tpu.memory_space<smem>>
      %add3A_2351 = vector.broadcast %get3A_2350 : f32 to vector<128x128xf32>
      %add3A_2352 = arith.addf %add3A_2345, %add3A_2351 : vector<128x128xf32>
      %add3A_2353 = arith.constant 320 : i32
      %add3A_2354 = arith.addi %add3A_2353, %scan3A_2309 : i32
      %get3A_2355 = arith.index_cast %arg0 : i32 to index
      %get3A_2356 = arith.index_cast %add3A_2354 : i32 to index
      %get3A_2357 = memref.load %arg1[%get3A_2355, %get3A_2356] : memref<8x768xf32, #tpu.memory_space<smem>>
      %mul3A_2358 = vector.broadcast %get3A_2357 : f32 to vector<128x128xf32>
      %mul3A_2359 = arith.mulf %add3A_2352, %mul3A_2358 : vector<128x128xf32>
      %tanh3A_2360 = math.tanh %add3A_2352 : vector<128x128xf32>
      %add3A_2361 = arith.constant 384 : i32
      %add3A_2362 = arith.addi %add3A_2361, %scan3A_2309 : i32
      %get3A_2363 = arith.index_cast %arg0 : i32 to index
      %get3A_2364 = arith.index_cast %add3A_2362 : i32 to index
      %get3A_2365 = memref.load %arg1[%get3A_2363, %get3A_2364] : memref<8x768xf32, #tpu.memory_space<smem>>
      %mul3A_2366 = vector.broadcast %get3A_2365 : f32 to vector<128x128xf32>
      %mul3A_2367 = arith.mulf %tanh3A_2360, %mul3A_2366 : vector<128x128xf32>
      %add3A_2368 = arith.addf %mul3A_2359, %mul3A_2367 : vector<128x128xf32>
      %add3A_2369 = arith.constant 448 : i32
      %add3A_2370 = arith.addi %add3A_2369, %scan3A_2309 : i32
      %get3A_2371 = arith.index_cast %arg0 : i32 to index
      %get3A_2372 = arith.index_cast %add3A_2370 : i32 to index
      %get3A_2373 = memref.load %arg1[%get3A_2371, %get3A_2372] : memref<8x768xf32, #tpu.memory_space<smem>>
      %add3A_2374 = vector.broadcast %get3A_2373 : f32 to vector<128x128xf32>
      %add3A_2375 = arith.addf %add3A_2368, %add3A_2374 : vector<128x128xf32>
      %add3A_2376 = arith.constant 512 : i32
      %add3A_2377 = arith.addi %add3A_2376, %scan3A_2309 : i32
      %get3A_2378 = arith.index_cast %arg0 : i32 to index
      %get3A_2379 = arith.index_cast %add3A_2377 : i32 to index
      %get3A_2380 = memref.load %arg1[%get3A_2378, %get3A_2379] : memref<8x768xf32, #tpu.memory_space<smem>>
      %mul3A_2381 = vector.broadcast %get3A_2380 : f32 to vector<128x128xf32>
      %mul3A_2382 = arith.mulf %add3A_2375, %mul3A_2381 : vector<128x128xf32>
      %tanh3A_2383 = math.tanh %add3A_2375 : vector<128x128xf32>
      %add3A_2384 = arith.constant 576 : i32
      %add3A_2385 = arith.addi %add3A_2384, %scan3A_2309 : i32
      %get3A_2386 = arith.index_cast %arg0 : i32 to index
      %get3A_2387 = arith.index_cast %add3A_2385 : i32 to index
      %get3A_2388 = memref.load %arg1[%get3A_2386, %get3A_2387] : memref<8x768xf32, #tpu.memory_space<smem>>
      %mul3A_2389 = vector.broadcast %get3A_2388 : f32 to vector<128x128xf32>
      %mul3A_2390 = arith.mulf %tanh3A_2383, %mul3A_2389 : vector<128x128xf32>
      %add3A_2391 = arith.addf %mul3A_2382, %mul3A_2390 : vector<128x128xf32>
      %add3A_2392 = arith.constant 640 : i32
      %add3A_2393 = arith.addi %add3A_2392, %scan3A_2309 : i32
      %get3A_2394 = arith.index_cast %arg0 : i32 to index
      %get3A_2395 = arith.index_cast %add3A_2393 : i32 to index
      %get3A_2396 = memref.load %arg1[%get3A_2394, %get3A_2395] : memref<8x768xf32, #tpu.memory_space<smem>>
      %add3A_2397 = vector.broadcast %get3A_2396 : f32 to vector<128x128xf32>
      %add3A_2398 = arith.addf %add3A_2391, %add3A_2397 : vector<128x128xf32>
      %tanh3A_2399 = math.tanh %add3A_2398 : vector<128x128xf32>
      %mul3A_2400 = arith.constant 5.000000e-01 : f32
      %mul3A_2401 = vector.broadcast %mul3A_2400 : f32 to vector<128x128xf32>
      %mul3A_2402 = arith.mulf %mul3A_2401, %tanh3A_2399 : vector<128x128xf32>
      %add3A_2403 = arith.constant 5.000000e-01 : f32
      %add3A_2404 = vector.broadcast %add3A_2403 : f32 to vector<128x128xf32>
      %add3A_2405 = arith.addf %mul3A_2402, %add3A_2404 : vector<128x128xf32>
      %swap3A_2406 = arith.constant 0 : index
      %swap3A_2407 = arith.index_cast %scan3A_2309 : i32 to index
      %swap3A_2408 = arith.constant 0 : index
      %swap3A_2409 = arith.constant 0 : index
      %swap3A_2410 = vector.load %arg3[%swap3A_2406, %swap3A_2407, %swap3A_2408, %swap3A_2409] : memref<1x64x128x128xf32, #tpu.memory_space<vmem>>, vector<1x1x128x128xf32>
      %swap3A_2411 = vector.shape_cast %swap3A_2410 : vector<1x1x128x128xf32> to vector<128x128xf32>
      %swap3A_2412 = vector.shape_cast %add3A_2405 : vector<128x128xf32> to vector<1x1x128x128xf32>
      tpu.vector_store %arg3[%swap3A_2406, %swap3A_2407, %swap3A_2408, %swap3A_2409], %swap3A_2412 {strides = array<i32>} : memref<1x64x128x128xf32, #tpu.memory_space<vmem>>, vector<1x1x128x128xf32>,
      %scan3A_2413 = arith.constant 23 : i32
      %scan3A_2414 = arith.addi %scan3A_4, %scan3A_2413 : i32
      %get3A_2415 = arith.constant 0 : index
      %get3A_2416 = arith.index_cast %scan3A_2414 : i32 to index
      %get3A_2417 = arith.constant 0 : index
      %get3A_2418 = arith.constant 0 : index
      %get3A_2419 = vector.load %arg2[%get3A_2415, %get3A_2416, %get3A_2417, %get3A_2418] : memref<1x64x128x128xf32, #tpu.memory_space<vmem>>, vector<1x1x128x128xf32>
      %get3A_2420 = vector.shape_cast %get3A_2419 : vector<1x1x128x128xf32> to vector<128x128xf32>
      %add3A_2421 = arith.constant 0 : i32
      %add3A_2422 = arith.addi %add3A_2421, %scan3A_2414 : i32
      %get3A_2423 = arith.index_cast %arg0 : i32 to index
      %get3A_2424 = arith.index_cast %add3A_2422 : i32 to index
      %get3A_2425 = memref.load %arg1[%get3A_2423, %get3A_2424] : memref<8x768xf32, #tpu.memory_space<smem>>
      %mul3A_2426 = vector.broadcast %get3A_2425 : f32 to vector<128x128xf32>
      %mul3A_2427 = arith.mulf %get3A_2420, %mul3A_2426 : vector<128x128xf32>
      %add3A_2428 = arith.constant 64 : i32
      %add3A_2429 = arith.addi %add3A_2428, %scan3A_2414 : i32
      %get3A_2430 = arith.index_cast %arg0 : i32 to index
      %get3A_2431 = arith.index_cast %add3A_2429 : i32 to index
      %get3A_2432 = memref.load %arg1[%get3A_2430, %get3A_2431] : memref<8x768xf32, #tpu.memory_space<smem>>
      %add3A_2433 = vector.broadcast %get3A_2432 : f32 to vector<128x128xf32>
      %add3A_2434 = arith.addf %mul3A_2427, %add3A_2433 : vector<128x128xf32>
      %add3A_2435 = arith.constant 128 : i32
      %add3A_2436 = arith.addi %add3A_2435, %scan3A_2414 : i32
      %get3A_2437 = arith.index_cast %arg0 : i32 to index
      %get3A_2438 = arith.index_cast %add3A_2436 : i32 to index
      %get3A_2439 = memref.load %arg1[%get3A_2437, %get3A_2438] : memref<8x768xf32, #tpu.memory_space<smem>>
      %mul3A_2440 = vector.broadcast %get3A_2439 : f32 to vector<128x128xf32>
      %mul3A_2441 = arith.mulf %add3A_2434, %mul3A_2440 : vector<128x128xf32>
      %tanh3A_2442 = math.tanh %add3A_2434 : vector<128x128xf32>
      %add3A_2443 = arith.constant 192 : i32
      %add3A_2444 = arith.addi %add3A_2443, %scan3A_2414 : i32
      %get3A_2445 = arith.index_cast %arg0 : i32 to index
      %get3A_2446 = arith.index_cast %add3A_2444 : i32 to index
      %get3A_2447 = memref.load %arg1[%get3A_2445, %get3A_2446] : memref<8x768xf32, #tpu.memory_space<smem>>
      %mul3A_2448 = vector.broadcast %get3A_2447 : f32 to vector<128x128xf32>
      %mul3A_2449 = arith.mulf %tanh3A_2442, %mul3A_2448 : vector<128x128xf32>
      %add3A_2450 = arith.addf %mul3A_2441, %mul3A_2449 : vector<128x128xf32>
      %add3A_2451 = arith.constant 256 : i32
      %add3A_2452 = arith.addi %add3A_2451, %scan3A_2414 : i32
      %get3A_2453 = arith.index_cast %arg0 : i32 to index
      %get3A_2454 = arith.index_cast %add3A_2452 : i32 to index
      %get3A_2455 = memref.load %arg1[%get3A_2453, %get3A_2454] : memref<8x768xf32, #tpu.memory_space<smem>>
      %add3A_2456 = vector.broadcast %get3A_2455 : f32 to vector<128x128xf32>
      %add3A_2457 = arith.addf %add3A_2450, %add3A_2456 : vector<128x128xf32>
      %add3A_2458 = arith.constant 320 : i32
      %add3A_2459 = arith.addi %add3A_2458, %scan3A_2414 : i32
      %get3A_2460 = arith.index_cast %arg0 : i32 to index
      %get3A_2461 = arith.index_cast %add3A_2459 : i32 to index
      %get3A_2462 = memref.load %arg1[%get3A_2460, %get3A_2461] : memref<8x768xf32, #tpu.memory_space<smem>>
      %mul3A_2463 = vector.broadcast %get3A_2462 : f32 to vector<128x128xf32>
      %mul3A_2464 = arith.mulf %add3A_2457, %mul3A_2463 : vector<128x128xf32>
      %tanh3A_2465 = math.tanh %add3A_2457 : vector<128x128xf32>
      %add3A_2466 = arith.constant 384 : i32
      %add3A_2467 = arith.addi %add3A_2466, %scan3A_2414 : i32
      %get3A_2468 = arith.index_cast %arg0 : i32 to index
      %get3A_2469 = arith.index_cast %add3A_2467 : i32 to index
      %get3A_2470 = memref.load %arg1[%get3A_2468, %get3A_2469] : memref<8x768xf32, #tpu.memory_space<smem>>
      %mul3A_2471 = vector.broadcast %get3A_2470 : f32 to vector<128x128xf32>
      %mul3A_2472 = arith.mulf %tanh3A_2465, %mul3A_2471 : vector<128x128xf32>
      %add3A_2473 = arith.addf %mul3A_2464, %mul3A_2472 : vector<128x128xf32>
      %add3A_2474 = arith.constant 448 : i32
      %add3A_2475 = arith.addi %add3A_2474, %scan3A_2414 : i32
      %get3A_2476 = arith.index_cast %arg0 : i32 to index
      %get3A_2477 = arith.index_cast %add3A_2475 : i32 to index
      %get3A_2478 = memref.load %arg1[%get3A_2476, %get3A_2477] : memref<8x768xf32, #tpu.memory_space<smem>>
      %add3A_2479 = vector.broadcast %get3A_2478 : f32 to vector<128x128xf32>
      %add3A_2480 = arith.addf %add3A_2473, %add3A_2479 : vector<128x128xf32>
      %add3A_2481 = arith.constant 512 : i32
      %add3A_2482 = arith.addi %add3A_2481, %scan3A_2414 : i32
      %get3A_2483 = arith.index_cast %arg0 : i32 to index
      %get3A_2484 = arith.index_cast %add3A_2482 : i32 to index
      %get3A_2485 = memref.load %arg1[%get3A_2483, %get3A_2484] : memref<8x768xf32, #tpu.memory_space<smem>>
      %mul3A_2486 = vector.broadcast %get3A_2485 : f32 to vector<128x128xf32>
      %mul3A_2487 = arith.mulf %add3A_2480, %mul3A_2486 : vector<128x128xf32>
      %tanh3A_2488 = math.tanh %add3A_2480 : vector<128x128xf32>
      %add3A_2489 = arith.constant 576 : i32
      %add3A_2490 = arith.addi %add3A_2489, %scan3A_2414 : i32
      %get3A_2491 = arith.index_cast %arg0 : i32 to index
      %get3A_2492 = arith.index_cast %add3A_2490 : i32 to index
      %get3A_2493 = memref.load %arg1[%get3A_2491, %get3A_2492] : memref<8x768xf32, #tpu.memory_space<smem>>
      %mul3A_2494 = vector.broadcast %get3A_2493 : f32 to vector<128x128xf32>
      %mul3A_2495 = arith.mulf %tanh3A_2488, %mul3A_2494 : vector<128x128xf32>
      %add3A_2496 = arith.addf %mul3A_2487, %mul3A_2495 : vector<128x128xf32>
      %add3A_2497 = arith.constant 640 : i32
      %add3A_2498 = arith.addi %add3A_2497, %scan3A_2414 : i32
      %get3A_2499 = arith.index_cast %arg0 : i32 to index
      %get3A_2500 = arith.index_cast %add3A_2498 : i32 to index
      %get3A_2501 = memref.load %arg1[%get3A_2499, %get3A_2500] : memref<8x768xf32, #tpu.memory_space<smem>>
      %add3A_2502 = vector.broadcast %get3A_2501 : f32 to vector<128x128xf32>
      %add3A_2503 = arith.addf %add3A_2496, %add3A_2502 : vector<128x128xf32>
      %tanh3A_2504 = math.tanh %add3A_2503 : vector<128x128xf32>
      %mul3A_2505 = arith.constant 5.000000e-01 : f32
      %mul3A_2506 = vector.broadcast %mul3A_2505 : f32 to vector<128x128xf32>
      %mul3A_2507 = arith.mulf %mul3A_2506, %tanh3A_2504 : vector<128x128xf32>
      %add3A_2508 = arith.constant 5.000000e-01 : f32
      %add3A_2509 = vector.broadcast %add3A_2508 : f32 to vector<128x128xf32>
      %add3A_2510 = arith.addf %mul3A_2507, %add3A_2509 : vector<128x128xf32>
      %swap3A_2511 = arith.constant 0 : index
      %swap3A_2512 = arith.index_cast %scan3A_2414 : i32 to index
      %swap3A_2513 = arith.constant 0 : index
      %swap3A_2514 = arith.constant 0 : index
      %swap3A_2515 = vector.load %arg3[%swap3A_2511, %swap3A_2512, %swap3A_2513, %swap3A_2514] : memref<1x64x128x128xf32, #tpu.memory_space<vmem>>, vector<1x1x128x128xf32>
      %swap3A_2516 = vector.shape_cast %swap3A_2515 : vector<1x1x128x128xf32> to vector<128x128xf32>
      %swap3A_2517 = vector.shape_cast %add3A_2510 : vector<128x128xf32> to vector<1x1x128x128xf32>
      tpu.vector_store %arg3[%swap3A_2511, %swap3A_2512, %swap3A_2513, %swap3A_2514], %swap3A_2517 {strides = array<i32>} : memref<1x64x128x128xf32, #tpu.memory_space<vmem>>, vector<1x1x128x128xf32>,
      %scan3A_2518 = arith.constant 24 : i32
      %scan3A_2519 = arith.addi %scan3A_4, %scan3A_2518 : i32
      %get3A_2520 = arith.constant 0 : index
      %get3A_2521 = arith.index_cast %scan3A_2519 : i32 to index
      %get3A_2522 = arith.constant 0 : index
      %get3A_2523 = arith.constant 0 : index
      %get3A_2524 = vector.load %arg2[%get3A_2520, %get3A_2521, %get3A_2522, %get3A_2523] : memref<1x64x128x128xf32, #tpu.memory_space<vmem>>, vector<1x1x128x128xf32>
      %get3A_2525 = vector.shape_cast %get3A_2524 : vector<1x1x128x128xf32> to vector<128x128xf32>
      %add3A_2526 = arith.constant 0 : i32
      %add3A_2527 = arith.addi %add3A_2526, %scan3A_2519 : i32
      %get3A_2528 = arith.index_cast %arg0 : i32 to index
      %get3A_2529 = arith.index_cast %add3A_2527 : i32 to index
      %get3A_2530 = memref.load %arg1[%get3A_2528, %get3A_2529] : memref<8x768xf32, #tpu.memory_space<smem>>
      %mul3A_2531 = vector.broadcast %get3A_2530 : f32 to vector<128x128xf32>
      %mul3A_2532 = arith.mulf %get3A_2525, %mul3A_2531 : vector<128x128xf32>
      %add3A_2533 = arith.constant 64 : i32
      %add3A_2534 = arith.addi %add3A_2533, %scan3A_2519 : i32
      %get3A_2535 = arith.index_cast %arg0 : i32 to index
      %get3A_2536 = arith.index_cast %add3A_2534 : i32 to index
      %get3A_2537 = memref.load %arg1[%get3A_2535, %get3A_2536] : memref<8x768xf32, #tpu.memory_space<smem>>
      %add3A_2538 = vector.broadcast %get3A_2537 : f32 to vector<128x128xf32>
      %add3A_2539 = arith.addf %mul3A_2532, %add3A_2538 : vector<128x128xf32>
      %add3A_2540 = arith.constant 128 : i32
      %add3A_2541 = arith.addi %add3A_2540, %scan3A_2519 : i32
      %get3A_2542 = arith.index_cast %arg0 : i32 to index
      %get3A_2543 = arith.index_cast %add3A_2541 : i32 to index
      %get3A_2544 = memref.load %arg1[%get3A_2542, %get3A_2543] : memref<8x768xf32, #tpu.memory_space<smem>>
      %mul3A_2545 = vector.broadcast %get3A_2544 : f32 to vector<128x128xf32>
      %mul3A_2546 = arith.mulf %add3A_2539, %mul3A_2545 : vector<128x128xf32>
      %tanh3A_2547 = math.tanh %add3A_2539 : vector<128x128xf32>
      %add3A_2548 = arith.constant 192 : i32
      %add3A_2549 = arith.addi %add3A_2548, %scan3A_2519 : i32
      %get3A_2550 = arith.index_cast %arg0 : i32 to index
      %get3A_2551 = arith.index_cast %add3A_2549 : i32 to index
      %get3A_2552 = memref.load %arg1[%get3A_2550, %get3A_2551] : memref<8x768xf32, #tpu.memory_space<smem>>
      %mul3A_2553 = vector.broadcast %get3A_2552 : f32 to vector<128x128xf32>
      %mul3A_2554 = arith.mulf %tanh3A_2547, %mul3A_2553 : vector<128x128xf32>
      %add3A_2555 = arith.addf %mul3A_2546, %mul3A_2554 : vector<128x128xf32>
      %add3A_2556 = arith.constant 256 : i32
      %add3A_2557 = arith.addi %add3A_2556, %scan3A_2519 : i32
      %get3A_2558 = arith.index_cast %arg0 : i32 to index
      %get3A_2559 = arith.index_cast %add3A_2557 : i32 to index
      %get3A_2560 = memref.load %arg1[%get3A_2558, %get3A_2559] : memref<8x768xf32, #tpu.memory_space<smem>>
      %add3A_2561 = vector.broadcast %get3A_2560 : f32 to vector<128x128xf32>
      %add3A_2562 = arith.addf %add3A_2555, %add3A_2561 : vector<128x128xf32>
      %add3A_2563 = arith.constant 320 : i32
      %add3A_2564 = arith.addi %add3A_2563, %scan3A_2519 : i32
      %get3A_2565 = arith.index_cast %arg0 : i32 to index
      %get3A_2566 = arith.index_cast %add3A_2564 : i32 to index
      %get3A_2567 = memref.load %arg1[%get3A_2565, %get3A_2566] : memref<8x768xf32, #tpu.memory_space<smem>>
      %mul3A_2568 = vector.broadcast %get3A_2567 : f32 to vector<128x128xf32>
      %mul3A_2569 = arith.mulf %add3A_2562, %mul3A_2568 : vector<128x128xf32>
      %tanh3A_2570 = math.tanh %add3A_2562 : vector<128x128xf32>
      %add3A_2571 = arith.constant 384 : i32
      %add3A_2572 = arith.addi %add3A_2571, %scan3A_2519 : i32
      %get3A_2573 = arith.index_cast %arg0 : i32 to index
      %get3A_2574 = arith.index_cast %add3A_2572 : i32 to index
      %get3A_2575 = memref.load %arg1[%get3A_2573, %get3A_2574] : memref<8x768xf32, #tpu.memory_space<smem>>
      %mul3A_2576 = vector.broadcast %get3A_2575 : f32 to vector<128x128xf32>
      %mul3A_2577 = arith.mulf %tanh3A_2570, %mul3A_2576 : vector<128x128xf32>
      %add3A_2578 = arith.addf %mul3A_2569, %mul3A_2577 : vector<128x128xf32>
      %add3A_2579 = arith.constant 448 : i32
      %add3A_2580 = arith.addi %add3A_2579, %scan3A_2519 : i32
      %get3A_2581 = arith.index_cast %arg0 : i32 to index
      %get3A_2582 = arith.index_cast %add3A_2580 : i32 to index
      %get3A_2583 = memref.load %arg1[%get3A_2581, %get3A_2582] : memref<8x768xf32, #tpu.memory_space<smem>>
      %add3A_2584 = vector.broadcast %get3A_2583 : f32 to vector<128x128xf32>
      %add3A_2585 = arith.addf %add3A_2578, %add3A_2584 : vector<128x128xf32>
      %add3A_2586 = arith.constant 512 : i32
      %add3A_2587 = arith.addi %add3A_2586, %scan3A_2519 : i32
      %get3A_2588 = arith.index_cast %arg0 : i32 to index
      %get3A_2589 = arith.index_cast %add3A_2587 : i32 to index
      %get3A_2590 = memref.load %arg1[%get3A_2588, %get3A_2589] : memref<8x768xf32, #tpu.memory_space<smem>>
      %mul3A_2591 = vector.broadcast %get3A_2590 : f32 to vector<128x128xf32>
      %mul3A_2592 = arith.mulf %add3A_2585, %mul3A_2591 : vector<128x128xf32>
      %tanh3A_2593 = math.tanh %add3A_2585 : vector<128x128xf32>
      %add3A_2594 = arith.constant 576 : i32
      %add3A_2595 = arith.addi %add3A_2594, %scan3A_2519 : i32
      %get3A_2596 = arith.index_cast %arg0 : i32 to index
      %get3A_2597 = arith.index_cast %add3A_2595 : i32 to index
      %get3A_2598 = memref.load %arg1[%get3A_2596, %get3A_2597] : memref<8x768xf32, #tpu.memory_space<smem>>
      %mul3A_2599 = vector.broadcast %get3A_2598 : f32 to vector<128x128xf32>
      %mul3A_2600 = arith.mulf %tanh3A_2593, %mul3A_2599 : vector<128x128xf32>
      %add3A_2601 = arith.addf %mul3A_2592, %mul3A_2600 : vector<128x128xf32>
      %add3A_2602 = arith.constant 640 : i32
      %add3A_2603 = arith.addi %add3A_2602, %scan3A_2519 : i32
      %get3A_2604 = arith.index_cast %arg0 : i32 to index
      %get3A_2605 = arith.index_cast %add3A_2603 : i32 to index
      %get3A_2606 = memref.load %arg1[%get3A_2604, %get3A_2605] : memref<8x768xf32, #tpu.memory_space<smem>>
      %add3A_2607 = vector.broadcast %get3A_2606 : f32 to vector<128x128xf32>
      %add3A_2608 = arith.addf %add3A_2601, %add3A_2607 : vector<128x128xf32>
      %tanh3A_2609 = math.tanh %add3A_2608 : vector<128x128xf32>
      %mul3A_2610 = arith.constant 5.000000e-01 : f32
      %mul3A_2611 = vector.broadcast %mul3A_2610 : f32 to vector<128x128xf32>
      %mul3A_2612 = arith.mulf %mul3A_2611, %tanh3A_2609 : vector<128x128xf32>
      %add3A_2613 = arith.constant 5.000000e-01 : f32
      %add3A_2614 = vector.broadcast %add3A_2613 : f32 to vector<128x128xf32>
      %add3A_2615 = arith.addf %mul3A_2612, %add3A_2614 : vector<128x128xf32>
      %swap3A_2616 = arith.constant 0 : index
      %swap3A_2617 = arith.index_cast %scan3A_2519 : i32 to index
      %swap3A_2618 = arith.constant 0 : index
      %swap3A_2619 = arith.constant 0 : index
      %swap3A_2620 = vector.load %arg3[%swap3A_2616, %swap3A_2617, %swap3A_2618, %swap3A_2619] : memref<1x64x128x128xf32, #tpu.memory_space<vmem>>, vector<1x1x128x128xf32>
      %swap3A_2621 = vector.shape_cast %swap3A_2620 : vector<1x1x128x128xf32> to vector<128x128xf32>
      %swap3A_2622 = vector.shape_cast %add3A_2615 : vector<128x128xf32> to vector<1x1x128x128xf32>
      tpu.vector_store %arg3[%swap3A_2616, %swap3A_2617, %swap3A_2618, %swap3A_2619], %swap3A_2622 {strides = array<i32>} : memref<1x64x128x128xf32, #tpu.memory_space<vmem>>, vector<1x1x128x128xf32>,
      %scan3A_2623 = arith.constant 25 : i32
      %scan3A_2624 = arith.addi %scan3A_4, %scan3A_2623 : i32
      %get3A_2625 = arith.constant 0 : index
      %get3A_2626 = arith.index_cast %scan3A_2624 : i32 to index
      %get3A_2627 = arith.constant 0 : index
      %get3A_2628 = arith.constant 0 : index
      %get3A_2629 = vector.load %arg2[%get3A_2625, %get3A_2626, %get3A_2627, %get3A_2628] : memref<1x64x128x128xf32, #tpu.memory_space<vmem>>, vector<1x1x128x128xf32>
      %get3A_2630 = vector.shape_cast %get3A_2629 : vector<1x1x128x128xf32> to vector<128x128xf32>
      %add3A_2631 = arith.constant 0 : i32
      %add3A_2632 = arith.addi %add3A_2631, %scan3A_2624 : i32
      %get3A_2633 = arith.index_cast %arg0 : i32 to index
      %get3A_2634 = arith.index_cast %add3A_2632 : i32 to index
      %get3A_2635 = memref.load %arg1[%get3A_2633, %get3A_2634] : memref<8x768xf32, #tpu.memory_space<smem>>
      %mul3A_2636 = vector.broadcast %get3A_2635 : f32 to vector<128x128xf32>
      %mul3A_2637 = arith.mulf %get3A_2630, %mul3A_2636 : vector<128x128xf32>
      %add3A_2638 = arith.constant 64 : i32
      %add3A_2639 = arith.addi %add3A_2638, %scan3A_2624 : i32
      %get3A_2640 = arith.index_cast %arg0 : i32 to index
      %get3A_2641 = arith.index_cast %add3A_2639 : i32 to index
      %get3A_2642 = memref.load %arg1[%get3A_2640, %get3A_2641] : memref<8x768xf32, #tpu.memory_space<smem>>
      %add3A_2643 = vector.broadcast %get3A_2642 : f32 to vector<128x128xf32>
      %add3A_2644 = arith.addf %mul3A_2637, %add3A_2643 : vector<128x128xf32>
      %add3A_2645 = arith.constant 128 : i32
      %add3A_2646 = arith.addi %add3A_2645, %scan3A_2624 : i32
      %get3A_2647 = arith.index_cast %arg0 : i32 to index
      %get3A_2648 = arith.index_cast %add3A_2646 : i32 to index
      %get3A_2649 = memref.load %arg1[%get3A_2647, %get3A_2648] : memref<8x768xf32, #tpu.memory_space<smem>>
      %mul3A_2650 = vector.broadcast %get3A_2649 : f32 to vector<128x128xf32>
      %mul3A_2651 = arith.mulf %add3A_2644, %mul3A_2650 : vector<128x128xf32>
      %tanh3A_2652 = math.tanh %add3A_2644 : vector<128x128xf32>
      %add3A_2653 = arith.constant 192 : i32
      %add3A_2654 = arith.addi %add3A_2653, %scan3A_2624 : i32
      %get3A_2655 = arith.index_cast %arg0 : i32 to index
      %get3A_2656 = arith.index_cast %add3A_2654 : i32 to index
      %get3A_2657 = memref.load %arg1[%get3A_2655, %get3A_2656] : memref<8x768xf32, #tpu.memory_space<smem>>
      %mul3A_2658 = vector.broadcast %get3A_2657 : f32 to vector<128x128xf32>
      %mul3A_2659 = arith.mulf %tanh3A_2652, %mul3A_2658 : vector<128x128xf32>
      %add3A_2660 = arith.addf %mul3A_2651, %mul3A_2659 : vector<128x128xf32>
      %add3A_2661 = arith.constant 256 : i32
      %add3A_2662 = arith.addi %add3A_2661, %scan3A_2624 : i32
      %get3A_2663 = arith.index_cast %arg0 : i32 to index
      %get3A_2664 = arith.index_cast %add3A_2662 : i32 to index
      %get3A_2665 = memref.load %arg1[%get3A_2663, %get3A_2664] : memref<8x768xf32, #tpu.memory_space<smem>>
      %add3A_2666 = vector.broadcast %get3A_2665 : f32 to vector<128x128xf32>
      %add3A_2667 = arith.addf %add3A_2660, %add3A_2666 : vector<128x128xf32>
      %add3A_2668 = arith.constant 320 : i32
      %add3A_2669 = arith.addi %add3A_2668, %scan3A_2624 : i32
      %get3A_2670 = arith.index_cast %arg0 : i32 to index
      %get3A_2671 = arith.index_cast %add3A_2669 : i32 to index
      %get3A_2672 = memref.load %arg1[%get3A_2670, %get3A_2671] : memref<8x768xf32, #tpu.memory_space<smem>>
      %mul3A_2673 = vector.broadcast %get3A_2672 : f32 to vector<128x128xf32>
      %mul3A_2674 = arith.mulf %add3A_2667, %mul3A_2673 : vector<128x128xf32>
      %tanh3A_2675 = math.tanh %add3A_2667 : vector<128x128xf32>
      %add3A_2676 = arith.constant 384 : i32
      %add3A_2677 = arith.addi %add3A_2676, %scan3A_2624 : i32
      %get3A_2678 = arith.index_cast %arg0 : i32 to index
      %get3A_2679 = arith.index_cast %add3A_2677 : i32 to index
      %get3A_2680 = memref.load %arg1[%get3A_2678, %get3A_2679] : memref<8x768xf32, #tpu.memory_space<smem>>
      %mul3A_2681 = vector.broadcast %get3A_2680 : f32 to vector<128x128xf32>
      %mul3A_2682 = arith.mulf %tanh3A_2675, %mul3A_2681 : vector<128x128xf32>
      %add3A_2683 = arith.addf %mul3A_2674, %mul3A_2682 : vector<128x128xf32>
      %add3A_2684 = arith.constant 448 : i32
      %add3A_2685 = arith.addi %add3A_2684, %scan3A_2624 : i32
      %get3A_2686 = arith.index_cast %arg0 : i32 to index
      %get3A_2687 = arith.index_cast %add3A_2685 : i32 to index
      %get3A_2688 = memref.load %arg1[%get3A_2686, %get3A_2687] : memref<8x768xf32, #tpu.memory_space<smem>>
      %add3A_2689 = vector.broadcast %get3A_2688 : f32 to vector<128x128xf32>
      %add3A_2690 = arith.addf %add3A_2683, %add3A_2689 : vector<128x128xf32>
      %add3A_2691 = arith.constant 512 : i32
      %add3A_2692 = arith.addi %add3A_2691, %scan3A_2624 : i32
      %get3A_2693 = arith.index_cast %arg0 : i32 to index
      %get3A_2694 = arith.index_cast %add3A_2692 : i32 to index
      %get3A_2695 = memref.load %arg1[%get3A_2693, %get3A_2694] : memref<8x768xf32, #tpu.memory_space<smem>>
      %mul3A_2696 = vector.broadcast %get3A_2695 : f32 to vector<128x128xf32>
      %mul3A_2697 = arith.mulf %add3A_2690, %mul3A_2696 : vector<128x128xf32>
      %tanh3A_2698 = math.tanh %add3A_2690 : vector<128x128xf32>
      %add3A_2699 = arith.constant 576 : i32
      %add3A_2700 = arith.addi %add3A_2699, %scan3A_2624 : i32
      %get3A_2701 = arith.index_cast %arg0 : i32 to index
      %get3A_2702 = arith.index_cast %add3A_2700 : i32 to index
      %get3A_2703 = memref.load %arg1[%get3A_2701, %get3A_2702] : memref<8x768xf32, #tpu.memory_space<smem>>
      %mul3A_2704 = vector.broadcast %get3A_2703 : f32 to vector<128x128xf32>
      %mul3A_2705 = arith.mulf %tanh3A_2698, %mul3A_2704 : vector<128x128xf32>
      %add3A_2706 = arith.addf %mul3A_2697, %mul3A_2705 : vector<128x128xf32>
      %add3A_2707 = arith.constant 640 : i32
      %add3A_2708 = arith.addi %add3A_2707, %scan3A_2624 : i32
      %get3A_2709 = arith.index_cast %arg0 : i32 to index
      %get3A_2710 = arith.index_cast %add3A_2708 : i32 to index
      %get3A_2711 = memref.load %arg1[%get3A_2709, %get3A_2710] : memref<8x768xf32, #tpu.memory_space<smem>>
      %add3A_2712 = vector.broadcast %get3A_2711 : f32 to vector<128x128xf32>
      %add3A_2713 = arith.addf %add3A_2706, %add3A_2712 : vector<128x128xf32>
      %tanh3A_2714 = math.tanh %add3A_2713 : vector<128x128xf32>
      %mul3A_2715 = arith.constant 5.000000e-01 : f32
      %mul3A_2716 = vector.broadcast %mul3A_2715 : f32 to vector<128x128xf32>
      %mul3A_2717 = arith.mulf %mul3A_2716, %tanh3A_2714 : vector<128x128xf32>
      %add3A_2718 = arith.constant 5.000000e-01 : f32
      %add3A_2719 = vector.broadcast %add3A_2718 : f32 to vector<128x128xf32>
      %add3A_2720 = arith.addf %mul3A_2717, %add3A_2719 : vector<128x128xf32>
      %swap3A_2721 = arith.constant 0 : index
      %swap3A_2722 = arith.index_cast %scan3A_2624 : i32 to index
      %swap3A_2723 = arith.constant 0 : index
      %swap3A_2724 = arith.constant 0 : index
      %swap3A_2725 = vector.load %arg3[%swap3A_2721, %swap3A_2722, %swap3A_2723, %swap3A_2724] : memref<1x64x128x128xf32, #tpu.memory_space<vmem>>, vector<1x1x128x128xf32>
      %swap3A_2726 = vector.shape_cast %swap3A_2725 : vector<1x1x128x128xf32> to vector<128x128xf32>
      %swap3A_2727 = vector.shape_cast %add3A_2720 : vector<128x128xf32> to vector<1x1x128x128xf32>
      tpu.vector_store %arg3[%swap3A_2721, %swap3A_2722, %swap3A_2723, %swap3A_2724], %swap3A_2727 {strides = array<i32>} : memref<1x64x128x128xf32, #tpu.memory_space<vmem>>, vector<1x1x128x128xf32>,
      %scan3A_2728 = arith.constant 26 : i32
      %scan3A_2729 = arith.addi %scan3A_4, %scan3A_2728 : i32
      %get3A_2730 = arith.constant 0 : index
      %get3A_2731 = arith.index_cast %scan3A_2729 : i32 to index
      %get3A_2732 = arith.constant 0 : index
      %get3A_2733 = arith.constant 0 : index
      %get3A_2734 = vector.load %arg2[%get3A_2730, %get3A_2731, %get3A_2732, %get3A_2733] : memref<1x64x128x128xf32, #tpu.memory_space<vmem>>, vector<1x1x128x128xf32>
      %get3A_2735 = vector.shape_cast %get3A_2734 : vector<1x1x128x128xf32> to vector<128x128xf32>
      %add3A_2736 = arith.constant 0 : i32
      %add3A_2737 = arith.addi %add3A_2736, %scan3A_2729 : i32
      %get3A_2738 = arith.index_cast %arg0 : i32 to index
      %get3A_2739 = arith.index_cast %add3A_2737 : i32 to index
      %get3A_2740 = memref.load %arg1[%get3A_2738, %get3A_2739] : memref<8x768xf32, #tpu.memory_space<smem>>
      %mul3A_2741 = vector.broadcast %get3A_2740 : f32 to vector<128x128xf32>
      %mul3A_2742 = arith.mulf %get3A_2735, %mul3A_2741 : vector<128x128xf32>
      %add3A_2743 = arith.constant 64 : i32
      %add3A_2744 = arith.addi %add3A_2743, %scan3A_2729 : i32
      %get3A_2745 = arith.index_cast %arg0 : i32 to index
      %get3A_2746 = arith.index_cast %add3A_2744 : i32 to index
      %get3A_2747 = memref.load %arg1[%get3A_2745, %get3A_2746] : memref<8x768xf32, #tpu.memory_space<smem>>
      %add3A_2748 = vector.broadcast %get3A_2747 : f32 to vector<128x128xf32>
      %add3A_2749 = arith.addf %mul3A_2742, %add3A_2748 : vector<128x128xf32>
      %add3A_2750 = arith.constant 128 : i32
      %add3A_2751 = arith.addi %add3A_2750, %scan3A_2729 : i32
      %get3A_2752 = arith.index_cast %arg0 : i32 to index
      %get3A_2753 = arith.index_cast %add3A_2751 : i32 to index
      %get3A_2754 = memref.load %arg1[%get3A_2752, %get3A_2753] : memref<8x768xf32, #tpu.memory_space<smem>>
      %mul3A_2755 = vector.broadcast %get3A_2754 : f32 to vector<128x128xf32>
      %mul3A_2756 = arith.mulf %add3A_2749, %mul3A_2755 : vector<128x128xf32>
      %tanh3A_2757 = math.tanh %add3A_2749 : vector<128x128xf32>
      %add3A_2758 = arith.constant 192 : i32
      %add3A_2759 = arith.addi %add3A_2758, %scan3A_2729 : i32
      %get3A_2760 = arith.index_cast %arg0 : i32 to index
      %get3A_2761 = arith.index_cast %add3A_2759 : i32 to index
      %get3A_2762 = memref.load %arg1[%get3A_2760, %get3A_2761] : memref<8x768xf32, #tpu.memory_space<smem>>
      %mul3A_2763 = vector.broadcast %get3A_2762 : f32 to vector<128x128xf32>
      %mul3A_2764 = arith.mulf %tanh3A_2757, %mul3A_2763 : vector<128x128xf32>
      %add3A_2765 = arith.addf %mul3A_2756, %mul3A_2764 : vector<128x128xf32>
      %add3A_2766 = arith.constant 256 : i32
      %add3A_2767 = arith.addi %add3A_2766, %scan3A_2729 : i32
      %get3A_2768 = arith.index_cast %arg0 : i32 to index
      %get3A_2769 = arith.index_cast %add3A_2767 : i32 to index
      %get3A_2770 = memref.load %arg1[%get3A_2768, %get3A_2769] : memref<8x768xf32, #tpu.memory_space<smem>>
      %add3A_2771 = vector.broadcast %get3A_2770 : f32 to vector<128x128xf32>
      %add3A_2772 = arith.addf %add3A_2765, %add3A_2771 : vector<128x128xf32>
      %add3A_2773 = arith.constant 320 : i32
      %add3A_2774 = arith.addi %add3A_2773, %scan3A_2729 : i32
      %get3A_2775 = arith.index_cast %arg0 : i32 to index
      %get3A_2776 = arith.index_cast %add3A_2774 : i32 to index
      %get3A_2777 = memref.load %arg1[%get3A_2775, %get3A_2776] : memref<8x768xf32, #tpu.memory_space<smem>>
      %mul3A_2778 = vector.broadcast %get3A_2777 : f32 to vector<128x128xf32>
      %mul3A_2779 = arith.mulf %add3A_2772, %mul3A_2778 : vector<128x128xf32>
      %tanh3A_2780 = math.tanh %add3A_2772 : vector<128x128xf32>
      %add3A_2781 = arith.constant 384 : i32
      %add3A_2782 = arith.addi %add3A_2781, %scan3A_2729 : i32
      %get3A_2783 = arith.index_cast %arg0 : i32 to index
      %get3A_2784 = arith.index_cast %add3A_2782 : i32 to index
      %get3A_2785 = memref.load %arg1[%get3A_2783, %get3A_2784] : memref<8x768xf32, #tpu.memory_space<smem>>
      %mul3A_2786 = vector.broadcast %get3A_2785 : f32 to vector<128x128xf32>
      %mul3A_2787 = arith.mulf %tanh3A_2780, %mul3A_2786 : vector<128x128xf32>
      %add3A_2788 = arith.addf %mul3A_2779, %mul3A_2787 : vector<128x128xf32>
      %add3A_2789 = arith.constant 448 : i32
      %add3A_2790 = arith.addi %add3A_2789, %scan3A_2729 : i32
      %get3A_2791 = arith.index_cast %arg0 : i32 to index
      %get3A_2792 = arith.index_cast %add3A_2790 : i32 to index
      %get3A_2793 = memref.load %arg1[%get3A_2791, %get3A_2792] : memref<8x768xf32, #tpu.memory_space<smem>>
      %add3A_2794 = vector.broadcast %get3A_2793 : f32 to vector<128x128xf32>
      %add3A_2795 = arith.addf %add3A_2788, %add3A_2794 : vector<128x128xf32>
      %add3A_2796 = arith.constant 512 : i32
      %add3A_2797 = arith.addi %add3A_2796, %scan3A_2729 : i32
      %get3A_2798 = arith.index_cast %arg0 : i32 to index
      %get3A_2799 = arith.index_cast %add3A_2797 : i32 to index
      %get3A_2800 = memref.load %arg1[%get3A_2798, %get3A_2799] : memref<8x768xf32, #tpu.memory_space<smem>>
      %mul3A_2801 = vector.broadcast %get3A_2800 : f32 to vector<128x128xf32>
      %mul3A_2802 = arith.mulf %add3A_2795, %mul3A_2801 : vector<128x128xf32>
      %tanh3A_2803 = math.tanh %add3A_2795 : vector<128x128xf32>
      %add3A_2804 = arith.constant 576 : i32
      %add3A_2805 = arith.addi %add3A_2804, %scan3A_2729 : i32
      %get3A_2806 = arith.index_cast %arg0 : i32 to index
      %get3A_2807 = arith.index_cast %add3A_2805 : i32 to index
      %get3A_2808 = memref.load %arg1[%get3A_2806, %get3A_2807] : memref<8x768xf32, #tpu.memory_space<smem>>
      %mul3A_2809 = vector.broadcast %get3A_2808 : f32 to vector<128x128xf32>
      %mul3A_2810 = arith.mulf %tanh3A_2803, %mul3A_2809 : vector<128x128xf32>
      %add3A_2811 = arith.addf %mul3A_2802, %mul3A_2810 : vector<128x128xf32>
      %add3A_2812 = arith.constant 640 : i32
      %add3A_2813 = arith.addi %add3A_2812, %scan3A_2729 : i32
      %get3A_2814 = arith.index_cast %arg0 : i32 to index
      %get3A_2815 = arith.index_cast %add3A_2813 : i32 to index
      %get3A_2816 = memref.load %arg1[%get3A_2814, %get3A_2815] : memref<8x768xf32, #tpu.memory_space<smem>>
      %add3A_2817 = vector.broadcast %get3A_2816 : f32 to vector<128x128xf32>
      %add3A_2818 = arith.addf %add3A_2811, %add3A_2817 : vector<128x128xf32>
      %tanh3A_2819 = math.tanh %add3A_2818 : vector<128x128xf32>
      %mul3A_2820 = arith.constant 5.000000e-01 : f32
      %mul3A_2821 = vector.broadcast %mul3A_2820 : f32 to vector<128x128xf32>
      %mul3A_2822 = arith.mulf %mul3A_2821, %tanh3A_2819 : vector<128x128xf32>
      %add3A_2823 = arith.constant 5.000000e-01 : f32
      %add3A_2824 = vector.broadcast %add3A_2823 : f32 to vector<128x128xf32>
      %add3A_2825 = arith.addf %mul3A_2822, %add3A_2824 : vector<128x128xf32>
      %swap3A_2826 = arith.constant 0 : index
      %swap3A_2827 = arith.index_cast %scan3A_2729 : i32 to index
      %swap3A_2828 = arith.constant 0 : index
      %swap3A_2829 = arith.constant 0 : index
      %swap3A_2830 = vector.load %arg3[%swap3A_2826, %swap3A_2827, %swap3A_2828, %swap3A_2829] : memref<1x64x128x128xf32, #tpu.memory_space<vmem>>, vector<1x1x128x128xf32>
      %swap3A_2831 = vector.shape_cast %swap3A_2830 : vector<1x1x128x128xf32> to vector<128x128xf32>
      %swap3A_2832 = vector.shape_cast %add3A_2825 : vector<128x128xf32> to vector<1x1x128x128xf32>
      tpu.vector_store %arg3[%swap3A_2826, %swap3A_2827, %swap3A_2828, %swap3A_2829], %swap3A_2832 {strides = array<i32>} : memref<1x64x128x128xf32, #tpu.memory_space<vmem>>, vector<1x1x128x128xf32>,
      %scan3A_2833 = arith.constant 27 : i32
      %scan3A_2834 = arith.addi %scan3A_4, %scan3A_2833 : i32
      %get3A_2835 = arith.constant 0 : index
      %get3A_2836 = arith.index_cast %scan3A_2834 : i32 to index
      %get3A_2837 = arith.constant 0 : index
      %get3A_2838 = arith.constant 0 : index
      %get3A_2839 = vector.load %arg2[%get3A_2835, %get3A_2836, %get3A_2837, %get3A_2838] : memref<1x64x128x128xf32, #tpu.memory_space<vmem>>, vector<1x1x128x128xf32>
      %get3A_2840 = vector.shape_cast %get3A_2839 : vector<1x1x128x128xf32> to vector<128x128xf32>
      %add3A_2841 = arith.constant 0 : i32
      %add3A_2842 = arith.addi %add3A_2841, %scan3A_2834 : i32
      %get3A_2843 = arith.index_cast %arg0 : i32 to index
      %get3A_2844 = arith.index_cast %add3A_2842 : i32 to index
      %get3A_2845 = memref.load %arg1[%get3A_2843, %get3A_2844] : memref<8x768xf32, #tpu.memory_space<smem>>
      %mul3A_2846 = vector.broadcast %get3A_2845 : f32 to vector<128x128xf32>
      %mul3A_2847 = arith.mulf %get3A_2840, %mul3A_2846 : vector<128x128xf32>
      %add3A_2848 = arith.constant 64 : i32
      %add3A_2849 = arith.addi %add3A_2848, %scan3A_2834 : i32
      %get3A_2850 = arith.index_cast %arg0 : i32 to index
      %get3A_2851 = arith.index_cast %add3A_2849 : i32 to index
      %get3A_2852 = memref.load %arg1[%get3A_2850, %get3A_2851] : memref<8x768xf32, #tpu.memory_space<smem>>
      %add3A_2853 = vector.broadcast %get3A_2852 : f32 to vector<128x128xf32>
      %add3A_2854 = arith.addf %mul3A_2847, %add3A_2853 : vector<128x128xf32>
      %add3A_2855 = arith.constant 128 : i32
      %add3A_2856 = arith.addi %add3A_2855, %scan3A_2834 : i32
      %get3A_2857 = arith.index_cast %arg0 : i32 to index
      %get3A_2858 = arith.index_cast %add3A_2856 : i32 to index
      %get3A_2859 = memref.load %arg1[%get3A_2857, %get3A_2858] : memref<8x768xf32, #tpu.memory_space<smem>>
      %mul3A_2860 = vector.broadcast %get3A_2859 : f32 to vector<128x128xf32>
      %mul3A_2861 = arith.mulf %add3A_2854, %mul3A_2860 : vector<128x128xf32>
      %tanh3A_2862 = math.tanh %add3A_2854 : vector<128x128xf32>
      %add3A_2863 = arith.constant 192 : i32
      %add3A_2864 = arith.addi %add3A_2863, %scan3A_2834 : i32
      %get3A_2865 = arith.index_cast %arg0 : i32 to index
      %get3A_2866 = arith.index_cast %add3A_2864 : i32 to index
      %get3A_2867 = memref.load %arg1[%get3A_2865, %get3A_2866] : memref<8x768xf32, #tpu.memory_space<smem>>
      %mul3A_2868 = vector.broadcast %get3A_2867 : f32 to vector<128x128xf32>
      %mul3A_2869 = arith.mulf %tanh3A_2862, %mul3A_2868 : vector<128x128xf32>
      %add3A_2870 = arith.addf %mul3A_2861, %mul3A_2869 : vector<128x128xf32>
      %add3A_2871 = arith.constant 256 : i32
      %add3A_2872 = arith.addi %add3A_2871, %scan3A_2834 : i32
      %get3A_2873 = arith.index_cast %arg0 : i32 to index
      %get3A_2874 = arith.index_cast %add3A_2872 : i32 to index
      %get3A_2875 = memref.load %arg1[%get3A_2873, %get3A_2874] : memref<8x768xf32, #tpu.memory_space<smem>>
      %add3A_2876 = vector.broadcast %get3A_2875 : f32 to vector<128x128xf32>
      %add3A_2877 = arith.addf %add3A_2870, %add3A_2876 : vector<128x128xf32>
      %add3A_2878 = arith.constant 320 : i32
      %add3A_2879 = arith.addi %add3A_2878, %scan3A_2834 : i32
      %get3A_2880 = arith.index_cast %arg0 : i32 to index
      %get3A_2881 = arith.index_cast %add3A_2879 : i32 to index
      %get3A_2882 = memref.load %arg1[%get3A_2880, %get3A_2881] : memref<8x768xf32, #tpu.memory_space<smem>>
      %mul3A_2883 = vector.broadcast %get3A_2882 : f32 to vector<128x128xf32>
      %mul3A_2884 = arith.mulf %add3A_2877, %mul3A_2883 : vector<128x128xf32>
      %tanh3A_2885 = math.tanh %add3A_2877 : vector<128x128xf32>
      %add3A_2886 = arith.constant 384 : i32
      %add3A_2887 = arith.addi %add3A_2886, %scan3A_2834 : i32
      %get3A_2888 = arith.index_cast %arg0 : i32 to index
      %get3A_2889 = arith.index_cast %add3A_2887 : i32 to index
      %get3A_2890 = memref.load %arg1[%get3A_2888, %get3A_2889] : memref<8x768xf32, #tpu.memory_space<smem>>
      %mul3A_2891 = vector.broadcast %get3A_2890 : f32 to vector<128x128xf32>
      %mul3A_2892 = arith.mulf %tanh3A_2885, %mul3A_2891 : vector<128x128xf32>
      %add3A_2893 = arith.addf %mul3A_2884, %mul3A_2892 : vector<128x128xf32>
      %add3A_2894 = arith.constant 448 : i32
      %add3A_2895 = arith.addi %add3A_2894, %scan3A_2834 : i32
      %get3A_2896 = arith.index_cast %arg0 : i32 to index
      %get3A_2897 = arith.index_cast %add3A_2895 : i32 to index
      %get3A_2898 = memref.load %arg1[%get3A_2896, %get3A_2897] : memref<8x768xf32, #tpu.memory_space<smem>>
      %add3A_2899 = vector.broadcast %get3A_2898 : f32 to vector<128x128xf32>
      %add3A_2900 = arith.addf %add3A_2893, %add3A_2899 : vector<128x128xf32>
      %add3A_2901 = arith.constant 512 : i32
      %add3A_2902 = arith.addi %add3A_2901, %scan3A_2834 : i32
      %get3A_2903 = arith.index_cast %arg0 : i32 to index
      %get3A_2904 = arith.index_cast %add3A_2902 : i32 to index
      %get3A_2905 = memref.load %arg1[%get3A_2903, %get3A_2904] : memref<8x768xf32, #tpu.memory_space<smem>>
      %mul3A_2906 = vector.broadcast %get3A_2905 : f32 to vector<128x128xf32>
      %mul3A_2907 = arith.mulf %add3A_2900, %mul3A_2906 : vector<128x128xf32>
      %tanh3A_2908 = math.tanh %add3A_2900 : vector<128x128xf32>
      %add3A_2909 = arith.constant 576 : i32
      %add3A_2910 = arith.addi %add3A_2909, %scan3A_2834 : i32
      %get3A_2911 = arith.index_cast %arg0 : i32 to index
      %get3A_2912 = arith.index_cast %add3A_2910 : i32 to index
      %get3A_2913 = memref.load %arg1[%get3A_2911, %get3A_2912] : memref<8x768xf32, #tpu.memory_space<smem>>
      %mul3A_2914 = vector.broadcast %get3A_2913 : f32 to vector<128x128xf32>
      %mul3A_2915 = arith.mulf %tanh3A_2908, %mul3A_2914 : vector<128x128xf32>
      %add3A_2916 = arith.addf %mul3A_2907, %mul3A_2915 : vector<128x128xf32>
      %add3A_2917 = arith.constant 640 : i32
      %add3A_2918 = arith.addi %add3A_2917, %scan3A_2834 : i32
      %get3A_2919 = arith.index_cast %arg0 : i32 to index
      %get3A_2920 = arith.index_cast %add3A_2918 : i32 to index
      %get3A_2921 = memref.load %arg1[%get3A_2919, %get3A_2920] : memref<8x768xf32, #tpu.memory_space<smem>>
      %add3A_2922 = vector.broadcast %get3A_2921 : f32 to vector<128x128xf32>
      %add3A_2923 = arith.addf %add3A_2916, %add3A_2922 : vector<128x128xf32>
      %tanh3A_2924 = math.tanh %add3A_2923 : vector<128x128xf32>
      %mul3A_2925 = arith.constant 5.000000e-01 : f32
      %mul3A_2926 = vector.broadcast %mul3A_2925 : f32 to vector<128x128xf32>
      %mul3A_2927 = arith.mulf %mul3A_2926, %tanh3A_2924 : vector<128x128xf32>
      %add3A_2928 = arith.constant 5.000000e-01 : f32
      %add3A_2929 = vector.broadcast %add3A_2928 : f32 to vector<128x128xf32>
      %add3A_2930 = arith.addf %mul3A_2927, %add3A_2929 : vector<128x128xf32>
      %swap3A_2931 = arith.constant 0 : index
      %swap3A_2932 = arith.index_cast %scan3A_2834 : i32 to index
      %swap3A_2933 = arith.constant 0 : index
      %swap3A_2934 = arith.constant 0 : index
      %swap3A_2935 = vector.load %arg3[%swap3A_2931, %swap3A_2932, %swap3A_2933, %swap3A_2934] : memref<1x64x128x128xf32, #tpu.memory_space<vmem>>, vector<1x1x128x128xf32>
      %swap3A_2936 = vector.shape_cast %swap3A_2935 : vector<1x1x128x128xf32> to vector<128x128xf32>
      %swap3A_2937 = vector.shape_cast %add3A_2930 : vector<128x128xf32> to vector<1x1x128x128xf32>
      tpu.vector_store %arg3[%swap3A_2931, %swap3A_2932, %swap3A_2933, %swap3A_2934], %swap3A_2937 {strides = array<i32>} : memref<1x64x128x128xf32, #tpu.memory_space<vmem>>, vector<1x1x128x128xf32>,
      %scan3A_2938 = arith.constant 28 : i32
      %scan3A_2939 = arith.addi %scan3A_4, %scan3A_2938 : i32
      %get3A_2940 = arith.constant 0 : index
      %get3A_2941 = arith.index_cast %scan3A_2939 : i32 to index
      %get3A_2942 = arith.constant 0 : index
      %get3A_2943 = arith.constant 0 : index
      %get3A_2944 = vector.load %arg2[%get3A_2940, %get3A_2941, %get3A_2942, %get3A_2943] : memref<1x64x128x128xf32, #tpu.memory_space<vmem>>, vector<1x1x128x128xf32>
      %get3A_2945 = vector.shape_cast %get3A_2944 : vector<1x1x128x128xf32> to vector<128x128xf32>
      %add3A_2946 = arith.constant 0 : i32
      %add3A_2947 = arith.addi %add3A_2946, %scan3A_2939 : i32
      %get3A_2948 = arith.index_cast %arg0 : i32 to index
      %get3A_2949 = arith.index_cast %add3A_2947 : i32 to index
      %get3A_2950 = memref.load %arg1[%get3A_2948, %get3A_2949] : memref<8x768xf32, #tpu.memory_space<smem>>
      %mul3A_2951 = vector.broadcast %get3A_2950 : f32 to vector<128x128xf32>
      %mul3A_2952 = arith.mulf %get3A_2945, %mul3A_2951 : vector<128x128xf32>
      %add3A_2953 = arith.constant 64 : i32
      %add3A_2954 = arith.addi %add3A_2953, %scan3A_2939 : i32
      %get3A_2955 = arith.index_cast %arg0 : i32 to index
      %get3A_2956 = arith.index_cast %add3A_2954 : i32 to index
      %get3A_2957 = memref.load %arg1[%get3A_2955, %get3A_2956] : memref<8x768xf32, #tpu.memory_space<smem>>
      %add3A_2958 = vector.broadcast %get3A_2957 : f32 to vector<128x128xf32>
      %add3A_2959 = arith.addf %mul3A_2952, %add3A_2958 : vector<128x128xf32>
      %add3A_2960 = arith.constant 128 : i32
      %add3A_2961 = arith.addi %add3A_2960, %scan3A_2939 : i32
      %get3A_2962 = arith.index_cast %arg0 : i32 to index
      %get3A_2963 = arith.index_cast %add3A_2961 : i32 to index
      %get3A_2964 = memref.load %arg1[%get3A_2962, %get3A_2963] : memref<8x768xf32, #tpu.memory_space<smem>>
      %mul3A_2965 = vector.broadcast %get3A_2964 : f32 to vector<128x128xf32>
      %mul3A_2966 = arith.mulf %add3A_2959, %mul3A_2965 : vector<128x128xf32>
      %tanh3A_2967 = math.tanh %add3A_2959 : vector<128x128xf32>
      %add3A_2968 = arith.constant 192 : i32
      %add3A_2969 = arith.addi %add3A_2968, %scan3A_2939 : i32
      %get3A_2970 = arith.index_cast %arg0 : i32 to index
      %get3A_2971 = arith.index_cast %add3A_2969 : i32 to index
      %get3A_2972 = memref.load %arg1[%get3A_2970, %get3A_2971] : memref<8x768xf32, #tpu.memory_space<smem>>
      %mul3A_2973 = vector.broadcast %get3A_2972 : f32 to vector<128x128xf32>
      %mul3A_2974 = arith.mulf %tanh3A_2967, %mul3A_2973 : vector<128x128xf32>
      %add3A_2975 = arith.addf %mul3A_2966, %mul3A_2974 : vector<128x128xf32>
      %add3A_2976 = arith.constant 256 : i32
      %add3A_2977 = arith.addi %add3A_2976, %scan3A_2939 : i32
      %get3A_2978 = arith.index_cast %arg0 : i32 to index
      %get3A_2979 = arith.index_cast %add3A_2977 : i32 to index
      %get3A_2980 = memref.load %arg1[%get3A_2978, %get3A_2979] : memref<8x768xf32, #tpu.memory_space<smem>>
      %add3A_2981 = vector.broadcast %get3A_2980 : f32 to vector<128x128xf32>
      %add3A_2982 = arith.addf %add3A_2975, %add3A_2981 : vector<128x128xf32>
      %add3A_2983 = arith.constant 320 : i32
      %add3A_2984 = arith.addi %add3A_2983, %scan3A_2939 : i32
      %get3A_2985 = arith.index_cast %arg0 : i32 to index
      %get3A_2986 = arith.index_cast %add3A_2984 : i32 to index
      %get3A_2987 = memref.load %arg1[%get3A_2985, %get3A_2986] : memref<8x768xf32, #tpu.memory_space<smem>>
      %mul3A_2988 = vector.broadcast %get3A_2987 : f32 to vector<128x128xf32>
      %mul3A_2989 = arith.mulf %add3A_2982, %mul3A_2988 : vector<128x128xf32>
      %tanh3A_2990 = math.tanh %add3A_2982 : vector<128x128xf32>
      %add3A_2991 = arith.constant 384 : i32
      %add3A_2992 = arith.addi %add3A_2991, %scan3A_2939 : i32
      %get3A_2993 = arith.index_cast %arg0 : i32 to index
      %get3A_2994 = arith.index_cast %add3A_2992 : i32 to index
      %get3A_2995 = memref.load %arg1[%get3A_2993, %get3A_2994] : memref<8x768xf32, #tpu.memory_space<smem>>
      %mul3A_2996 = vector.broadcast %get3A_2995 : f32 to vector<128x128xf32>
      %mul3A_2997 = arith.mulf %tanh3A_2990, %mul3A_2996 : vector<128x128xf32>
      %add3A_2998 = arith.addf %mul3A_2989, %mul3A_2997 : vector<128x128xf32>
      %add3A_2999 = arith.constant 448 : i32
      %add3A_3000 = arith.addi %add3A_2999, %scan3A_2939 : i32
      %get3A_3001 = arith.index_cast %arg0 : i32 to index
      %get3A_3002 = arith.index_cast %add3A_3000 : i32 to index
      %get3A_3003 = memref.load %arg1[%get3A_3001, %get3A_3002] : memref<8x768xf32, #tpu.memory_space<smem>>
      %add3A_3004 = vector.broadcast %get3A_3003 : f32 to vector<128x128xf32>
      %add3A_3005 = arith.addf %add3A_2998, %add3A_3004 : vector<128x128xf32>
      %add3A_3006 = arith.constant 512 : i32
      %add3A_3007 = arith.addi %add3A_3006, %scan3A_2939 : i32
      %get3A_3008 = arith.index_cast %arg0 : i32 to index
      %get3A_3009 = arith.index_cast %add3A_3007 : i32 to index
      %get3A_3010 = memref.load %arg1[%get3A_3008, %get3A_3009] : memref<8x768xf32, #tpu.memory_space<smem>>
      %mul3A_3011 = vector.broadcast %get3A_3010 : f32 to vector<128x128xf32>
      %mul3A_3012 = arith.mulf %add3A_3005, %mul3A_3011 : vector<128x128xf32>
      %tanh3A_3013 = math.tanh %add3A_3005 : vector<128x128xf32>
      %add3A_3014 = arith.constant 576 : i32
      %add3A_3015 = arith.addi %add3A_3014, %scan3A_2939 : i32
      %get3A_3016 = arith.index_cast %arg0 : i32 to index
      %get3A_3017 = arith.index_cast %add3A_3015 : i32 to index
      %get3A_3018 = memref.load %arg1[%get3A_3016, %get3A_3017] : memref<8x768xf32, #tpu.memory_space<smem>>
      %mul3A_3019 = vector.broadcast %get3A_3018 : f32 to vector<128x128xf32>
      %mul3A_3020 = arith.mulf %tanh3A_3013, %mul3A_3019 : vector<128x128xf32>
      %add3A_3021 = arith.addf %mul3A_3012, %mul3A_3020 : vector<128x128xf32>
      %add3A_3022 = arith.constant 640 : i32
      %add3A_3023 = arith.addi %add3A_3022, %scan3A_2939 : i32
      %get3A_3024 = arith.index_cast %arg0 : i32 to index
      %get3A_3025 = arith.index_cast %add3A_3023 : i32 to index
      %get3A_3026 = memref.load %arg1[%get3A_3024, %get3A_3025] : memref<8x768xf32, #tpu.memory_space<smem>>
      %add3A_3027 = vector.broadcast %get3A_3026 : f32 to vector<128x128xf32>
      %add3A_3028 = arith.addf %add3A_3021, %add3A_3027 : vector<128x128xf32>
      %tanh3A_3029 = math.tanh %add3A_3028 : vector<128x128xf32>
      %mul3A_3030 = arith.constant 5.000000e-01 : f32
      %mul3A_3031 = vector.broadcast %mul3A_3030 : f32 to vector<128x128xf32>
      %mul3A_3032 = arith.mulf %mul3A_3031, %tanh3A_3029 : vector<128x128xf32>
      %add3A_3033 = arith.constant 5.000000e-01 : f32
      %add3A_3034 = vector.broadcast %add3A_3033 : f32 to vector<128x128xf32>
      %add3A_3035 = arith.addf %mul3A_3032, %add3A_3034 : vector<128x128xf32>
      %swap3A_3036 = arith.constant 0 : index
      %swap3A_3037 = arith.index_cast %scan3A_2939 : i32 to index
      %swap3A_3038 = arith.constant 0 : index
      %swap3A_3039 = arith.constant 0 : index
      %swap3A_3040 = vector.load %arg3[%swap3A_3036, %swap3A_3037, %swap3A_3038, %swap3A_3039] : memref<1x64x128x128xf32, #tpu.memory_space<vmem>>, vector<1x1x128x128xf32>
      %swap3A_3041 = vector.shape_cast %swap3A_3040 : vector<1x1x128x128xf32> to vector<128x128xf32>
      %swap3A_3042 = vector.shape_cast %add3A_3035 : vector<128x128xf32> to vector<1x1x128x128xf32>
      tpu.vector_store %arg3[%swap3A_3036, %swap3A_3037, %swap3A_3038, %swap3A_3039], %swap3A_3042 {strides = array<i32>} : memref<1x64x128x128xf32, #tpu.memory_space<vmem>>, vector<1x1x128x128xf32>,
      %scan3A_3043 = arith.constant 29 : i32
      %scan3A_3044 = arith.addi %scan3A_4, %scan3A_3043 : i32
      %get3A_3045 = arith.constant 0 : index
      %get3A_3046 = arith.index_cast %scan3A_3044 : i32 to index
      %get3A_3047 = arith.constant 0 : index
      %get3A_3048 = arith.constant 0 : index
      %get3A_3049 = vector.load %arg2[%get3A_3045, %get3A_3046, %get3A_3047, %get3A_3048] : memref<1x64x128x128xf32, #tpu.memory_space<vmem>>, vector<1x1x128x128xf32>
      %get3A_3050 = vector.shape_cast %get3A_3049 : vector<1x1x128x128xf32> to vector<128x128xf32>
      %add3A_3051 = arith.constant 0 : i32
      %add3A_3052 = arith.addi %add3A_3051, %scan3A_3044 : i32
      %get3A_3053 = arith.index_cast %arg0 : i32 to index
      %get3A_3054 = arith.index_cast %add3A_3052 : i32 to index
      %get3A_3055 = memref.load %arg1[%get3A_3053, %get3A_3054] : memref<8x768xf32, #tpu.memory_space<smem>>
      %mul3A_3056 = vector.broadcast %get3A_3055 : f32 to vector<128x128xf32>
      %mul3A_3057 = arith.mulf %get3A_3050, %mul3A_3056 : vector<128x128xf32>
      %add3A_3058 = arith.constant 64 : i32
      %add3A_3059 = arith.addi %add3A_3058, %scan3A_3044 : i32
      %get3A_3060 = arith.index_cast %arg0 : i32 to index
      %get3A_3061 = arith.index_cast %add3A_3059 : i32 to index
      %get3A_3062 = memref.load %arg1[%get3A_3060, %get3A_3061] : memref<8x768xf32, #tpu.memory_space<smem>>
      %add3A_3063 = vector.broadcast %get3A_3062 : f32 to vector<128x128xf32>
      %add3A_3064 = arith.addf %mul3A_3057, %add3A_3063 : vector<128x128xf32>
      %add3A_3065 = arith.constant 128 : i32
      %add3A_3066 = arith.addi %add3A_3065, %scan3A_3044 : i32
      %get3A_3067 = arith.index_cast %arg0 : i32 to index
      %get3A_3068 = arith.index_cast %add3A_3066 : i32 to index
      %get3A_3069 = memref.load %arg1[%get3A_3067, %get3A_3068] : memref<8x768xf32, #tpu.memory_space<smem>>
      %mul3A_3070 = vector.broadcast %get3A_3069 : f32 to vector<128x128xf32>
      %mul3A_3071 = arith.mulf %add3A_3064, %mul3A_3070 : vector<128x128xf32>
      %tanh3A_3072 = math.tanh %add3A_3064 : vector<128x128xf32>
      %add3A_3073 = arith.constant 192 : i32
      %add3A_3074 = arith.addi %add3A_3073, %scan3A_3044 : i32
      %get3A_3075 = arith.index_cast %arg0 : i32 to index
      %get3A_3076 = arith.index_cast %add3A_3074 : i32 to index
      %get3A_3077 = memref.load %arg1[%get3A_3075, %get3A_3076] : memref<8x768xf32, #tpu.memory_space<smem>>
      %mul3A_3078 = vector.broadcast %get3A_3077 : f32 to vector<128x128xf32>
      %mul3A_3079 = arith.mulf %tanh3A_3072, %mul3A_3078 : vector<128x128xf32>
      %add3A_3080 = arith.addf %mul3A_3071, %mul3A_3079 : vector<128x128xf32>
      %add3A_3081 = arith.constant 256 : i32
      %add3A_3082 = arith.addi %add3A_3081, %scan3A_3044 : i32
      %get3A_3083 = arith.index_cast %arg0 : i32 to index
      %get3A_3084 = arith.index_cast %add3A_3082 : i32 to index
      %get3A_3085 = memref.load %arg1[%get3A_3083, %get3A_3084] : memref<8x768xf32, #tpu.memory_space<smem>>
      %add3A_3086 = vector.broadcast %get3A_3085 : f32 to vector<128x128xf32>
      %add3A_3087 = arith.addf %add3A_3080, %add3A_3086 : vector<128x128xf32>
      %add3A_3088 = arith.constant 320 : i32
      %add3A_3089 = arith.addi %add3A_3088, %scan3A_3044 : i32
      %get3A_3090 = arith.index_cast %arg0 : i32 to index
      %get3A_3091 = arith.index_cast %add3A_3089 : i32 to index
      %get3A_3092 = memref.load %arg1[%get3A_3090, %get3A_3091] : memref<8x768xf32, #tpu.memory_space<smem>>
      %mul3A_3093 = vector.broadcast %get3A_3092 : f32 to vector<128x128xf32>
      %mul3A_3094 = arith.mulf %add3A_3087, %mul3A_3093 : vector<128x128xf32>
      %tanh3A_3095 = math.tanh %add3A_3087 : vector<128x128xf32>
      %add3A_3096 = arith.constant 384 : i32
      %add3A_3097 = arith.addi %add3A_3096, %scan3A_3044 : i32
      %get3A_3098 = arith.index_cast %arg0 : i32 to index
      %get3A_3099 = arith.index_cast %add3A_3097 : i32 to index
      %get3A_3100 = memref.load %arg1[%get3A_3098, %get3A_3099] : memref<8x768xf32, #tpu.memory_space<smem>>
      %mul3A_3101 = vector.broadcast %get3A_3100 : f32 to vector<128x128xf32>
      %mul3A_3102 = arith.mulf %tanh3A_3095, %mul3A_3101 : vector<128x128xf32>
      %add3A_3103 = arith.addf %mul3A_3094, %mul3A_3102 : vector<128x128xf32>
      %add3A_3104 = arith.constant 448 : i32
      %add3A_3105 = arith.addi %add3A_3104, %scan3A_3044 : i32
      %get3A_3106 = arith.index_cast %arg0 : i32 to index
      %get3A_3107 = arith.index_cast %add3A_3105 : i32 to index
      %get3A_3108 = memref.load %arg1[%get3A_3106, %get3A_3107] : memref<8x768xf32, #tpu.memory_space<smem>>
      %add3A_3109 = vector.broadcast %get3A_3108 : f32 to vector<128x128xf32>
      %add3A_3110 = arith.addf %add3A_3103, %add3A_3109 : vector<128x128xf32>
      %add3A_3111 = arith.constant 512 : i32
      %add3A_3112 = arith.addi %add3A_3111, %scan3A_3044 : i32
      %get3A_3113 = arith.index_cast %arg0 : i32 to index
      %get3A_3114 = arith.index_cast %add3A_3112 : i32 to index
      %get3A_3115 = memref.load %arg1[%get3A_3113, %get3A_3114] : memref<8x768xf32, #tpu.memory_space<smem>>
      %mul3A_3116 = vector.broadcast %get3A_3115 : f32 to vector<128x128xf32>
      %mul3A_3117 = arith.mulf %add3A_3110, %mul3A_3116 : vector<128x128xf32>
      %tanh3A_3118 = math.tanh %add3A_3110 : vector<128x128xf32>
      %add3A_3119 = arith.constant 576 : i32
      %add3A_3120 = arith.addi %add3A_3119, %scan3A_3044 : i32
      %get3A_3121 = arith.index_cast %arg0 : i32 to index
      %get3A_3122 = arith.index_cast %add3A_3120 : i32 to index
      %get3A_3123 = memref.load %arg1[%get3A_3121, %get3A_3122] : memref<8x768xf32, #tpu.memory_space<smem>>
      %mul3A_3124 = vector.broadcast %get3A_3123 : f32 to vector<128x128xf32>
      %mul3A_3125 = arith.mulf %tanh3A_3118, %mul3A_3124 : vector<128x128xf32>
      %add3A_3126 = arith.addf %mul3A_3117, %mul3A_3125 : vector<128x128xf32>
      %add3A_3127 = arith.constant 640 : i32
      %add3A_3128 = arith.addi %add3A_3127, %scan3A_3044 : i32
      %get3A_3129 = arith.index_cast %arg0 : i32 to index
      %get3A_3130 = arith.index_cast %add3A_3128 : i32 to index
      %get3A_3131 = memref.load %arg1[%get3A_3129, %get3A_3130] : memref<8x768xf32, #tpu.memory_space<smem>>
      %add3A_3132 = vector.broadcast %get3A_3131 : f32 to vector<128x128xf32>
      %add3A_3133 = arith.addf %add3A_3126, %add3A_3132 : vector<128x128xf32>
      %tanh3A_3134 = math.tanh %add3A_3133 : vector<128x128xf32>
      %mul3A_3135 = arith.constant 5.000000e-01 : f32
      %mul3A_3136 = vector.broadcast %mul3A_3135 : f32 to vector<128x128xf32>
      %mul3A_3137 = arith.mulf %mul3A_3136, %tanh3A_3134 : vector<128x128xf32>
      %add3A_3138 = arith.constant 5.000000e-01 : f32
      %add3A_3139 = vector.broadcast %add3A_3138 : f32 to vector<128x128xf32>
      %add3A_3140 = arith.addf %mul3A_3137, %add3A_3139 : vector<128x128xf32>
      %swap3A_3141 = arith.constant 0 : index
      %swap3A_3142 = arith.index_cast %scan3A_3044 : i32 to index
      %swap3A_3143 = arith.constant 0 : index
      %swap3A_3144 = arith.constant 0 : index
      %swap3A_3145 = vector.load %arg3[%swap3A_3141, %swap3A_3142, %swap3A_3143, %swap3A_3144] : memref<1x64x128x128xf32, #tpu.memory_space<vmem>>, vector<1x1x128x128xf32>
      %swap3A_3146 = vector.shape_cast %swap3A_3145 : vector<1x1x128x128xf32> to vector<128x128xf32>
      %swap3A_3147 = vector.shape_cast %add3A_3140 : vector<128x128xf32> to vector<1x1x128x128xf32>
      tpu.vector_store %arg3[%swap3A_3141, %swap3A_3142, %swap3A_3143, %swap3A_3144], %swap3A_3147 {strides = array<i32>} : memref<1x64x128x128xf32, #tpu.memory_space<vmem>>, vector<1x1x128x128xf32>,
      %scan3A_3148 = arith.constant 30 : i32
      %scan3A_3149 = arith.addi %scan3A_4, %scan3A_3148 : i32
      %get3A_3150 = arith.constant 0 : index
      %get3A_3151 = arith.index_cast %scan3A_3149 : i32 to index
      %get3A_3152 = arith.constant 0 : index
      %get3A_3153 = arith.constant 0 : index
      %get3A_3154 = vector.load %arg2[%get3A_3150, %get3A_3151, %get3A_3152, %get3A_3153] : memref<1x64x128x128xf32, #tpu.memory_space<vmem>>, vector<1x1x128x128xf32>
      %get3A_3155 = vector.shape_cast %get3A_3154 : vector<1x1x128x128xf32> to vector<128x128xf32>
      %add3A_3156 = arith.constant 0 : i32
      %add3A_3157 = arith.addi %add3A_3156, %scan3A_3149 : i32
      %get3A_3158 = arith.index_cast %arg0 : i32 to index
      %get3A_3159 = arith.index_cast %add3A_3157 : i32 to index
      %get3A_3160 = memref.load %arg1[%get3A_3158, %get3A_3159] : memref<8x768xf32, #tpu.memory_space<smem>>
      %mul3A_3161 = vector.broadcast %get3A_3160 : f32 to vector<128x128xf32>
      %mul3A_3162 = arith.mulf %get3A_3155, %mul3A_3161 : vector<128x128xf32>
      %add3A_3163 = arith.constant 64 : i32
      %add3A_3164 = arith.addi %add3A_3163, %scan3A_3149 : i32
      %get3A_3165 = arith.index_cast %arg0 : i32 to index
      %get3A_3166 = arith.index_cast %add3A_3164 : i32 to index
      %get3A_3167 = memref.load %arg1[%get3A_3165, %get3A_3166] : memref<8x768xf32, #tpu.memory_space<smem>>
      %add3A_3168 = vector.broadcast %get3A_3167 : f32 to vector<128x128xf32>
      %add3A_3169 = arith.addf %mul3A_3162, %add3A_3168 : vector<128x128xf32>
      %add3A_3170 = arith.constant 128 : i32
      %add3A_3171 = arith.addi %add3A_3170, %scan3A_3149 : i32
      %get3A_3172 = arith.index_cast %arg0 : i32 to index
      %get3A_3173 = arith.index_cast %add3A_3171 : i32 to index
      %get3A_3174 = memref.load %arg1[%get3A_3172, %get3A_3173] : memref<8x768xf32, #tpu.memory_space<smem>>
      %mul3A_3175 = vector.broadcast %get3A_3174 : f32 to vector<128x128xf32>
      %mul3A_3176 = arith.mulf %add3A_3169, %mul3A_3175 : vector<128x128xf32>
      %tanh3A_3177 = math.tanh %add3A_3169 : vector<128x128xf32>
      %add3A_3178 = arith.constant 192 : i32
      %add3A_3179 = arith.addi %add3A_3178, %scan3A_3149 : i32
      %get3A_3180 = arith.index_cast %arg0 : i32 to index
      %get3A_3181 = arith.index_cast %add3A_3179 : i32 to index
      %get3A_3182 = memref.load %arg1[%get3A_3180, %get3A_3181] : memref<8x768xf32, #tpu.memory_space<smem>>
      %mul3A_3183 = vector.broadcast %get3A_3182 : f32 to vector<128x128xf32>
      %mul3A_3184 = arith.mulf %tanh3A_3177, %mul3A_3183 : vector<128x128xf32>
      %add3A_3185 = arith.addf %mul3A_3176, %mul3A_3184 : vector<128x128xf32>
      %add3A_3186 = arith.constant 256 : i32
      %add3A_3187 = arith.addi %add3A_3186, %scan3A_3149 : i32
      %get3A_3188 = arith.index_cast %arg0 : i32 to index
      %get3A_3189 = arith.index_cast %add3A_3187 : i32 to index
      %get3A_3190 = memref.load %arg1[%get3A_3188, %get3A_3189] : memref<8x768xf32, #tpu.memory_space<smem>>
      %add3A_3191 = vector.broadcast %get3A_3190 : f32 to vector<128x128xf32>
      %add3A_3192 = arith.addf %add3A_3185, %add3A_3191 : vector<128x128xf32>
      %add3A_3193 = arith.constant 320 : i32
      %add3A_3194 = arith.addi %add3A_3193, %scan3A_3149 : i32
      %get3A_3195 = arith.index_cast %arg0 : i32 to index
      %get3A_3196 = arith.index_cast %add3A_3194 : i32 to index
      %get3A_3197 = memref.load %arg1[%get3A_3195, %get3A_3196] : memref<8x768xf32, #tpu.memory_space<smem>>
      %mul3A_3198 = vector.broadcast %get3A_3197 : f32 to vector<128x128xf32>
      %mul3A_3199 = arith.mulf %add3A_3192, %mul3A_3198 : vector<128x128xf32>
      %tanh3A_3200 = math.tanh %add3A_3192 : vector<128x128xf32>
      %add3A_3201 = arith.constant 384 : i32
      %add3A_3202 = arith.addi %add3A_3201, %scan3A_3149 : i32
      %get3A_3203 = arith.index_cast %arg0 : i32 to index
      %get3A_3204 = arith.index_cast %add3A_3202 : i32 to index
      %get3A_3205 = memref.load %arg1[%get3A_3203, %get3A_3204] : memref<8x768xf32, #tpu.memory_space<smem>>
      %mul3A_3206 = vector.broadcast %get3A_3205 : f32 to vector<128x128xf32>
      %mul3A_3207 = arith.mulf %tanh3A_3200, %mul3A_3206 : vector<128x128xf32>
      %add3A_3208 = arith.addf %mul3A_3199, %mul3A_3207 : vector<128x128xf32>
      %add3A_3209 = arith.constant 448 : i32
      %add3A_3210 = arith.addi %add3A_3209, %scan3A_3149 : i32
      %get3A_3211 = arith.index_cast %arg0 : i32 to index
      %get3A_3212 = arith.index_cast %add3A_3210 : i32 to index
      %get3A_3213 = memref.load %arg1[%get3A_3211, %get3A_3212] : memref<8x768xf32, #tpu.memory_space<smem>>
      %add3A_3214 = vector.broadcast %get3A_3213 : f32 to vector<128x128xf32>
      %add3A_3215 = arith.addf %add3A_3208, %add3A_3214 : vector<128x128xf32>
      %add3A_3216 = arith.constant 512 : i32
      %add3A_3217 = arith.addi %add3A_3216, %scan3A_3149 : i32
      %get3A_3218 = arith.index_cast %arg0 : i32 to index
      %get3A_3219 = arith.index_cast %add3A_3217 : i32 to index
      %get3A_3220 = memref.load %arg1[%get3A_3218, %get3A_3219] : memref<8x768xf32, #tpu.memory_space<smem>>
      %mul3A_3221 = vector.broadcast %get3A_3220 : f32 to vector<128x128xf32>
      %mul3A_3222 = arith.mulf %add3A_3215, %mul3A_3221 : vector<128x128xf32>
      %tanh3A_3223 = math.tanh %add3A_3215 : vector<128x128xf32>
      %add3A_3224 = arith.constant 576 : i32
      %add3A_3225 = arith.addi %add3A_3224, %scan3A_3149 : i32
      %get3A_3226 = arith.index_cast %arg0 : i32 to index
      %get3A_3227 = arith.index_cast %add3A_3225 : i32 to index
      %get3A_3228 = memref.load %arg1[%get3A_3226, %get3A_3227] : memref<8x768xf32, #tpu.memory_space<smem>>
      %mul3A_3229 = vector.broadcast %get3A_3228 : f32 to vector<128x128xf32>
      %mul3A_3230 = arith.mulf %tanh3A_3223, %mul3A_3229 : vector<128x128xf32>
      %add3A_3231 = arith.addf %mul3A_3222, %mul3A_3230 : vector<128x128xf32>
      %add3A_3232 = arith.constant 640 : i32
      %add3A_3233 = arith.addi %add3A_3232, %scan3A_3149 : i32
      %get3A_3234 = arith.index_cast %arg0 : i32 to index
      %get3A_3235 = arith.index_cast %add3A_3233 : i32 to index
      %get3A_3236 = memref.load %arg1[%get3A_3234, %get3A_3235] : memref<8x768xf32, #tpu.memory_space<smem>>
      %add3A_3237 = vector.broadcast %get3A_3236 : f32 to vector<128x128xf32>
      %add3A_3238 = arith.addf %add3A_3231, %add3A_3237 : vector<128x128xf32>
      %tanh3A_3239 = math.tanh %add3A_3238 : vector<128x128xf32>
      %mul3A_3240 = arith.constant 5.000000e-01 : f32
      %mul3A_3241 = vector.broadcast %mul3A_3240 : f32 to vector<128x128xf32>
      %mul3A_3242 = arith.mulf %mul3A_3241, %tanh3A_3239 : vector<128x128xf32>
      %add3A_3243 = arith.constant 5.000000e-01 : f32
      %add3A_3244 = vector.broadcast %add3A_3243 : f32 to vector<128x128xf32>
      %add3A_3245 = arith.addf %mul3A_3242, %add3A_3244 : vector<128x128xf32>
      %swap3A_3246 = arith.constant 0 : index
      %swap3A_3247 = arith.index_cast %scan3A_3149 : i32 to index
      %swap3A_3248 = arith.constant 0 : index
      %swap3A_3249 = arith.constant 0 : index
      %swap3A_3250 = vector.load %arg3[%swap3A_3246, %swap3A_3247, %swap3A_3248, %swap3A_3249] : memref<1x64x128x128xf32, #tpu.memory_space<vmem>>, vector<1x1x128x128xf32>
      %swap3A_3251 = vector.shape_cast %swap3A_3250 : vector<1x1x128x128xf32> to vector<128x128xf32>
      %swap3A_3252 = vector.shape_cast %add3A_3245 : vector<128x128xf32> to vector<1x1x128x128xf32>
      tpu.vector_store %arg3[%swap3A_3246, %swap3A_3247, %swap3A_3248, %swap3A_3249], %swap3A_3252 {strides = array<i32>} : memref<1x64x128x128xf32, #tpu.memory_space<vmem>>, vector<1x1x128x128xf32>,
      %scan3A_3253 = arith.constant 31 : i32
      %scan3A_3254 = arith.addi %scan3A_4, %scan3A_3253 : i32
      %get3A_3255 = arith.constant 0 : index
      %get3A_3256 = arith.index_cast %scan3A_3254 : i32 to index
      %get3A_3257 = arith.constant 0 : index
      %get3A_3258 = arith.constant 0 : index
      %get3A_3259 = vector.load %arg2[%get3A_3255, %get3A_3256, %get3A_3257, %get3A_3258] : memref<1x64x128x128xf32, #tpu.memory_space<vmem>>, vector<1x1x128x128xf32>
      %get3A_3260 = vector.shape_cast %get3A_3259 : vector<1x1x128x128xf32> to vector<128x128xf32>
      %add3A_3261 = arith.constant 0 : i32
      %add3A_3262 = arith.addi %add3A_3261, %scan3A_3254 : i32
      %get3A_3263 = arith.index_cast %arg0 : i32 to index
      %get3A_3264 = arith.index_cast %add3A_3262 : i32 to index
      %get3A_3265 = memref.load %arg1[%get3A_3263, %get3A_3264] : memref<8x768xf32, #tpu.memory_space<smem>>
      %mul3A_3266 = vector.broadcast %get3A_3265 : f32 to vector<128x128xf32>
      %mul3A_3267 = arith.mulf %get3A_3260, %mul3A_3266 : vector<128x128xf32>
      %add3A_3268 = arith.constant 64 : i32
      %add3A_3269 = arith.addi %add3A_3268, %scan3A_3254 : i32
      %get3A_3270 = arith.index_cast %arg0 : i32 to index
      %get3A_3271 = arith.index_cast %add3A_3269 : i32 to index
      %get3A_3272 = memref.load %arg1[%get3A_3270, %get3A_3271] : memref<8x768xf32, #tpu.memory_space<smem>>
      %add3A_3273 = vector.broadcast %get3A_3272 : f32 to vector<128x128xf32>
      %add3A_3274 = arith.addf %mul3A_3267, %add3A_3273 : vector<128x128xf32>
      %add3A_3275 = arith.constant 128 : i32
      %add3A_3276 = arith.addi %add3A_3275, %scan3A_3254 : i32
      %get3A_3277 = arith.index_cast %arg0 : i32 to index
      %get3A_3278 = arith.index_cast %add3A_3276 : i32 to index
      %get3A_3279 = memref.load %arg1[%get3A_3277, %get3A_3278] : memref<8x768xf32, #tpu.memory_space<smem>>
      %mul3A_3280 = vector.broadcast %get3A_3279 : f32 to vector<128x128xf32>
      %mul3A_3281 = arith.mulf %add3A_3274, %mul3A_3280 : vector<128x128xf32>
      %tanh3A_3282 = math.tanh %add3A_3274 : vector<128x128xf32>
      %add3A_3283 = arith.constant 192 : i32
      %add3A_3284 = arith.addi %add3A_3283, %scan3A_3254 : i32
      %get3A_3285 = arith.index_cast %arg0 : i32 to index
      %get3A_3286 = arith.index_cast %add3A_3284 : i32 to index
      %get3A_3287 = memref.load %arg1[%get3A_3285, %get3A_3286] : memref<8x768xf32, #tpu.memory_space<smem>>
      %mul3A_3288 = vector.broadcast %get3A_3287 : f32 to vector<128x128xf32>
      %mul3A_3289 = arith.mulf %tanh3A_3282, %mul3A_3288 : vector<128x128xf32>
      %add3A_3290 = arith.addf %mul3A_3281, %mul3A_3289 : vector<128x128xf32>
      %add3A_3291 = arith.constant 256 : i32
      %add3A_3292 = arith.addi %add3A_3291, %scan3A_3254 : i32
      %get3A_3293 = arith.index_cast %arg0 : i32 to index
      %get3A_3294 = arith.index_cast %add3A_3292 : i32 to index
      %get3A_3295 = memref.load %arg1[%get3A_3293, %get3A_3294] : memref<8x768xf32, #tpu.memory_space<smem>>
      %add3A_3296 = vector.broadcast %get3A_3295 : f32 to vector<128x128xf32>
      %add3A_3297 = arith.addf %add3A_3290, %add3A_3296 : vector<128x128xf32>
      %add3A_3298 = arith.constant 320 : i32
      %add3A_3299 = arith.addi %add3A_3298, %scan3A_3254 : i32
      %get3A_3300 = arith.index_cast %arg0 : i32 to index
      %get3A_3301 = arith.index_cast %add3A_3299 : i32 to index
      %get3A_3302 = memref.load %arg1[%get3A_3300, %get3A_3301] : memref<8x768xf32, #tpu.memory_space<smem>>
      %mul3A_3303 = vector.broadcast %get3A_3302 : f32 to vector<128x128xf32>
      %mul3A_3304 = arith.mulf %add3A_3297, %mul3A_3303 : vector<128x128xf32>
      %tanh3A_3305 = math.tanh %add3A_3297 : vector<128x128xf32>
      %add3A_3306 = arith.constant 384 : i32
      %add3A_3307 = arith.addi %add3A_3306, %scan3A_3254 : i32
      %get3A_3308 = arith.index_cast %arg0 : i32 to index
      %get3A_3309 = arith.index_cast %add3A_3307 : i32 to index
      %get3A_3310 = memref.load %arg1[%get3A_3308, %get3A_3309] : memref<8x768xf32, #tpu.memory_space<smem>>
      %mul3A_3311 = vector.broadcast %get3A_3310 : f32 to vector<128x128xf32>
      %mul3A_3312 = arith.mulf %tanh3A_3305, %mul3A_3311 : vector<128x128xf32>
      %add3A_3313 = arith.addf %mul3A_3304, %mul3A_3312 : vector<128x128xf32>
      %add3A_3314 = arith.constant 448 : i32
      %add3A_3315 = arith.addi %add3A_3314, %scan3A_3254 : i32
      %get3A_3316 = arith.index_cast %arg0 : i32 to index
      %get3A_3317 = arith.index_cast %add3A_3315 : i32 to index
      %get3A_3318 = memref.load %arg1[%get3A_3316, %get3A_3317] : memref<8x768xf32, #tpu.memory_space<smem>>
      %add3A_3319 = vector.broadcast %get3A_3318 : f32 to vector<128x128xf32>
      %add3A_3320 = arith.addf %add3A_3313, %add3A_3319 : vector<128x128xf32>
      %add3A_3321 = arith.constant 512 : i32
      %add3A_3322 = arith.addi %add3A_3321, %scan3A_3254 : i32
      %get3A_3323 = arith.index_cast %arg0 : i32 to index
      %get3A_3324 = arith.index_cast %add3A_3322 : i32 to index
      %get3A_3325 = memref.load %arg1[%get3A_3323, %get3A_3324] : memref<8x768xf32, #tpu.memory_space<smem>>
      %mul3A_3326 = vector.broadcast %get3A_3325 : f32 to vector<128x128xf32>
      %mul3A_3327 = arith.mulf %add3A_3320, %mul3A_3326 : vector<128x128xf32>
      %tanh3A_3328 = math.tanh %add3A_3320 : vector<128x128xf32>
      %add3A_3329 = arith.constant 576 : i32
      %add3A_3330 = arith.addi %add3A_3329, %scan3A_3254 : i32
      %get3A_3331 = arith.index_cast %arg0 : i32 to index
      %get3A_3332 = arith.index_cast %add3A_3330 : i32 to index
      %get3A_3333 = memref.load %arg1[%get3A_3331, %get3A_3332] : memref<8x768xf32, #tpu.memory_space<smem>>
      %mul3A_3334 = vector.broadcast %get3A_3333 : f32 to vector<128x128xf32>
      %mul3A_3335 = arith.mulf %tanh3A_3328, %mul3A_3334 : vector<128x128xf32>
      %add3A_3336 = arith.addf %mul3A_3327, %mul3A_3335 : vector<128x128xf32>
      %add3A_3337 = arith.constant 640 : i32
      %add3A_3338 = arith.addi %add3A_3337, %scan3A_3254 : i32
      %get3A_3339 = arith.index_cast %arg0 : i32 to index
      %get3A_3340 = arith.index_cast %add3A_3338 : i32 to index
      %get3A_3341 = memref.load %arg1[%get3A_3339, %get3A_3340] : memref<8x768xf32, #tpu.memory_space<smem>>
      %add3A_3342 = vector.broadcast %get3A_3341 : f32 to vector<128x128xf32>
      %add3A_3343 = arith.addf %add3A_3336, %add3A_3342 : vector<128x128xf32>
      %tanh3A_3344 = math.tanh %add3A_3343 : vector<128x128xf32>
      %mul3A_3345 = arith.constant 5.000000e-01 : f32
      %mul3A_3346 = vector.broadcast %mul3A_3345 : f32 to vector<128x128xf32>
      %mul3A_3347 = arith.mulf %mul3A_3346, %tanh3A_3344 : vector<128x128xf32>
      %add3A_3348 = arith.constant 5.000000e-01 : f32
      %add3A_3349 = vector.broadcast %add3A_3348 : f32 to vector<128x128xf32>
      %add3A_3350 = arith.addf %mul3A_3347, %add3A_3349 : vector<128x128xf32>
      %swap3A_3351 = arith.constant 0 : index
      %swap3A_3352 = arith.index_cast %scan3A_3254 : i32 to index
      %swap3A_3353 = arith.constant 0 : index
      %swap3A_3354 = arith.constant 0 : index
      %swap3A_3355 = vector.load %arg3[%swap3A_3351, %swap3A_3352, %swap3A_3353, %swap3A_3354] : memref<1x64x128x128xf32, #tpu.memory_space<vmem>>, vector<1x1x128x128xf32>
      %swap3A_3356 = vector.shape_cast %swap3A_3355 : vector<1x1x128x128xf32> to vector<128x128xf32>
      %swap3A_3357 = vector.shape_cast %add3A_3350 : vector<128x128xf32> to vector<1x1x128x128xf32>
      tpu.vector_store %arg3[%swap3A_3351, %swap3A_3352, %swap3A_3353, %swap3A_3354], %swap3A_3357 {strides = array<i32>} : memref<1x64x128x128xf32, #tpu.memory_space<vmem>>, vector<1x1x128x128xf32>,
    }
    %scan3A_3 = arith.constant 64 : i32
    return
  }
  func.func @transform_0(%arg0: i32) -> (i32, i32) {
    %c0_i32 = arith.constant 0 : i32
    %c0_i32_0 = arith.constant 0 : i32
    %c0_i32_1 = arith.constant 0 : i32
    return %c0_i32, %c0_i32_0 : i32, i32
  }
  func.func @transform_1(%arg0: i32) -> (i32, i32, i32, i32) {
    %c0_i32 = arith.constant 0 : i32
    %c0_i32_0 = arith.constant 0 : i32
    %c0_i32_1 = arith.constant 0 : i32
    %c0_i32_2 = arith.constant 0 : i32
    return %arg0, %c0_i32, %c0_i32_0, %c0_i32_1 : i32, i32, i32, i32
  }
  func.func @transform_2(%arg0: i32) -> (i32, i32, i32, i32) {
    %c0_i32 = arith.constant 0 : i32
    %c0_i32_0 = arith.constant 0 : i32
    %c0_i32_1 = arith.constant 0 : i32
    %c0_i32_2 = arith.constant 0 : i32
    return %arg0, %c0_i32, %c0_i32_0, %c0_i32_1 : i32, i32, i32, i32
  }
}

</mosaic_0001>

<sc_bundles>
// kernel: kernel.5.cloned.1.call-start
scs
__scs_entry_jumppad:
0x0: {  	(pc) =	sbr.rel $0x88, $3  }
0x1: {  	(tag) =	ssettag $0x0;
	lr =	simm.s32 $0x1  }
0x2: {  	[smem:$0x3F94] =	sst lr;
	_ =	strace $0xD0000000  }
0x3: {  	_ = 	snop  }
0x4: {  	_ = 	snop  }
0x5: {  	_ = 	snop  }
0x6: {  	_ = 	snop  }
0x7: {  	_ = 	snop  }
__scs_overlays_trampoline_lowered:
0x8: {  	[smem:$0x3FA3] =	sst s0  }
0x9: {  	[smem:$0x3FA4] =	sst s1  }
0xa: {  	[smem:$0x3FA5] =	sst s2  }
0xb: {  	[smem:$0x3FA6] =	sst s3  }
0xc: {  	[smem:$0x3FA7] =	sst s4  }
0xd: {  	[smem:$0x3FA8] =	sst s5  }
0xe: {  	[smem:$0x3FA9] =	sst s6  }
0xf: {  	[smem:$0x3FAA] =	sst s7  }
0x10: {  	[smem:$0x3FAB] =	sst s8  }
0x11: {  	[smem:$0x3FAC] =	sst s9;
	s0 =	simm.s32 @!p0 $0x0  }
0x12: {  	s1 =	sld [smem:$0x3F92];
	s0 =	simm.s32 @p0 $0x1  }
0x13: {  	[smem:$0x3FAD] =	sst s0;
	s0 =	simm.s32 @!p1 $0x0  }
0x14: {  	s2 =	sld [smem:$0x3F91];
	s0 =	simm.s32 @p1 $0x1  }
0x15: {  	[smem:$0x3FAE] =	sst s0;
	s0 =	simm.s32 @!p2 $0x0  }
0x16: {  	s3 =	sld [smem:$0x3FDB];
	s0 =	simm.s32 @p2 $0x1  }
0x17: {  	s4 =	simm.s32 $0x1BF5;
	[smem:$0x3FB0] =	sst s0  }
0x18: {  	s0 =	sld [smem:$0x3F93];
	_ =	swait.ge [sflag:s4], $0x0  }
0x19: {  	s7 =	sld [smem:$0x3F94]  }
0x1a: {  	s8 =	sadd.s32 $0xFFFFE003, lr  }
0x1b: {  	s9 =	sadd.s32 $0xFFFFFEF7, lr;
	s5 =	simm.s32 $0xFFFFFFFF;
	p2 =	slt.u32 s8, $0xFFFFF086  }
0x1c: {  	p1 =	slt.u32 s9, $0xF7A;
	s5 =	simm.s32 @!p2 $0x0  }
0x1d: {  	s5 =	simm.s32 @p1 $0x1;
	p0 =	seq.s32 s7, s2  }
0x1e: {  	s7 =	smul.u32 @!p0 $0xF7A, s2;
	p2 =	seq.s32 @!p0 s5, $0x0  }
0x1f: {  	s9 =	smul.u32 $0xF7A, s1;
	s8 =	simm.s32 @!p0 $0x1BF5;
	p2 =	por !p2, p0  }
0x20: {  	[sflag:s8] =	ssyncset.s32 @!p0 $0xFFFFF086;
	s6 =	sadd.s32 @!p0 s3, s7;
	s7 =	simm.s32 @!p0 $0x108  }
0x21: {  	s3 =	sadd.s32 s3, s9;
	s6 =	sadd.s32 @!p0 $0x88, s6;
	s7 =	simm.s32 @p2 $0x1082  }
0x22: {  	[simem:s7], [sflag:s8] =	dma.local @!p0 [hbm:s6], $0xF7A  }
0x23: {  	s9 =	sor.u32 $0xD0000000, s2;
	s6 =	simm.s32 $0x108;
	_ =	swait.ge @!p0 [sflag:s8], $0x0  }
0x24: {  	s3 =	sadd.s32 $0x88, s3;
	s6 =	simm.s32 @!p1 $0x1082;
	[sflag:s4] =	ssyncset.s32 $0xFFFFF086  }
0x25: {  	[simem:s6], [sflag:s4] =	dma.local [hbm:s3], $0xF7A  }
0x26: {  	[smem:$0x3F94] =	sst s1;
	(tag) =	ssettag s2;
	_ =	strace s9  }
0x27: {  	s1 =	sld [smem:$0x3FA4]  }
0x28: {  	s2 =	sld [smem:$0x3FA5]  }
0x29: {  	s4 =	sld [smem:$0x3FA7]  }
0x2a: {  	p0 =	seq.s32 s5, $0x0;
	s5 =	sld [smem:$0x3FA8]  }
0x2b: {  	s6 =	sld [smem:$0x3FA9]  }
0x2c: {  	s7 =	sld [smem:$0x3FAA]  }
0x2d: {  	s3 =	simm.s32 $0x108;
	s8 =	sld [smem:$0x3FAB]  }
0x2e: {  	s3 =	simm.s32 @!p0 $0x1082;
	s9 =	sld [smem:$0x3FAC]  }
0x2f: {  	lr =	sadd.s32 s0, s3;
	s0 =	sld [smem:$0x3FA3]  }
0x30: {  	s3 =	sld [smem:$0x3FA6]  }
0x31: {  	[smem:$0x3FAF] =	sst s10  }
0x32: {  	s10 =	sld [smem:$0x3FAD];
	_ =	sdelay $0x3  }
0x33: {  	p0 =	seq.s32 s10, $0x1;
	s10 =	sld [smem:$0x3FAF];
	_ =	sdelay $0x3  }
0x34: {  	[smem:$0x3FAF] =	sst s10  }
0x35: {  	s10 =	sld [smem:$0x3FAE];
	_ =	sdelay $0x3  }
0x36: {  	p1 =	seq.s32 s10, $0x1;
	s10 =	sld [smem:$0x3FAF];
	_ =	sdelay $0x3  }
0x37: {  	[smem:$0x3FAF] =	sst s10  }
0x38: {  	s10 =	sld [smem:$0x3FB0]  }
0x39: {  	_ = 	snop;
	(pc) =	sbr.ind lr, $3  }
0x3a: {  	_ = 	snop  }
0x3b: {  	_ = 	snop  }
0x3c: {  	p2 =	seq.s32 s10, $0x1;
	s10 =	sld [smem:$0x3FAF]  }
0x3d: {  	_ =	shalt  }
0x3e: {  	_ =	shalt  }
0x3f: {  	_ =	shalt  }
0x40: {  	_ =	shalt  }
0x41: {  	_ =	shalt  }
0x42: {  	_ =	shalt  }
0x43: {  	_ =	shalt  }
0x44: {  	_ =	shalt  }
0x45: {  	_ =	shalt  }
0x46: {  	_ =	shalt  }
0x47: {  	_ =	shalt  }
0x48: {  	_ =	shalt  }
0x49: {  	_ =	shalt  }
0x4a: {  	_ =	shalt  }
0x4b: {  	_ =	shalt  }
0x4c: {  	_ =	shalt  }
0x4d: {  	_ =	shalt  }
0x4e: {  	_ =	shalt  }
0x4f: {  	_ =	shalt  }
0x50: {  	_ =	shalt  }
0x51: {  	_ =	shalt  }
0x52: {  	_ =	shalt  }
0x53: {  	_ =	shalt  }
0x54: {  	_ =	shalt  }
0x55: {  	_ =	shalt  }
0x56: {  	_ =	shalt  }
0x57: {  	_ =	shalt  }
0x58: {  	_ =	shalt  }
0x59: {  	_ =	shalt  }
0x5a: {  	_ =	shalt  }
0x5b: {  	_ =	shalt  }
0x5c: {  	_ =	shalt  }
0x5d: {  	_ =	shalt  }
0x5e: {  	_ =	shalt  }
0x5f: {  	_ =	shalt  }
0x60: {  	_ =	shalt  }
0x61: {  	_ =	shalt  }
0x62: {  	_ =	shalt  }
0x63: {  	_ =	shalt  }
0x64: {  	_ =	shalt  }
0x65: {  	_ =	shalt  }
0x66: {  	_ =	shalt  }
0x67: {  	_ =	shalt  }
0x68: {  	_ =	shalt  }
0x69: {  	_ =	shalt  }
0x6a: {  	_ =	shalt  }
0x6b: {  	_ =	shalt  }
0x6c: {  	_ =	shalt  }
0x6d: {  	_ =	shalt  }
0x6e: {  	_ =	shalt  }
0x6f: {  	_ =	shalt  }
0x70: {  	_ =	shalt  }
0x71: {  	_ =	shalt  }
0x72: {  	_ =	shalt  }
0x73: {  	_ =	shalt  }
0x74: {  	_ =	shalt  }
0x75: {  	_ =	shalt  }
0x76: {  	_ =	shalt  }
0x77: {  	_ =	shalt  }
0x78: {  	_ =	shalt  }
0x79: {  	_ =	shalt  }
0x7a: {  	_ =	shalt  }
0x7b: {  	_ =	shalt  }
0x7c: {  	_ =	shalt  }
0x7d: {  	_ =	shalt  }
0x7e: {  	_ =	shalt  }
0x7f: {  	_ =	shalt  }
0x80: {  	_ =	shalt  }
0x81: {  	_ =	shalt  }
0x82: {  	_ =	shalt  }
0x83: {  	_ =	shalt  }
0x84: {  	_ =	shalt  }
0x85: {  	_ =	shalt  }
0x86: {  	_ =	shalt  }
0x87: {  	_ =	shalt  }
.Lfunc_end0:
.L_simem_size_0:
called_computation_lowered:
.L_overlay_start_0:
0x88: {  	s2 =	sld [smem:$0x3FD9]  }
0x89: {  	s3 =	sld [smem:$0x3FFE];
	_ =	sdelay $0x1  }
0x8a: {  	s1 =	srdreg.scid  }
0x8b: {  	s0 =	sand.u32 $0x1, s1  }
0x8c: {  	s17 =	sshll.u32 s0, $0xA;
	s2 =	sadd.s32 s3, s2  }
0x8d: {  	s2 =	sadd.s32 s2, s17  }
0x8e: {  	[smem:$0x3FBB] =	sst s2  }
0x8f: {  	_ = 	snop  }
0x90: {  	s2 =	sld [smem:$0x3FC8]  }
0x91: {  	s18 =	sld [smem:$0x3FD0];
	(tm) =	ssettm $0x1  }
0x92: {  	s4 =	sld [smem:$0x3FFB];
	_ =	sdelay $0x3  }
0x93: {  	_ =	strace s4  }
0x94: {  	s4 =	sld [smem:$0x3FFC];
	_ =	sdelay $0x3  }
0x95: {  	_ =	strace s4  }
0x96: {  	s4 =	sld [smem:$0x3FFD];
	_ =	sdelay $0x3  }
0x97: {  	_ =	strace s4  }
0x98: {  	_ =	strace $0x8FFFFFFF  }
0x99: {  	s19 =	sld [smem:$0x3FDB];
	_ =	sdelay $0x1  }
0x9a: {  	s5 =	simm.s32 $_scs_section_size  }
0x9b: {  	s6 =	simm.s32 $_size__tile_overlayer_lowered;
	s7 =	simm.s32 $_tile_overlayer_lowered  }
0x9c: {  	s22 =	simm.s32 $0x1BFF;
	s21 =	sshll.u32 s7, $0x1;
	s4 =	sadd.s32 s5, s19  }
0x9d: {  	s8 =	simm.s32 $0x0;
	s20 =	sshll.u32 s6, $0x1;
	s6 =	sadd.s32 s21, s4  }
0x9e: {  	[timem:s8], [sflag:s22] =	dma.local [hbm:s6], s20  }
0x9f: {  	_ =	swait.ge [sflag:s22], s20  }
0xa0: {  	s5 =	ssub.s32 $0x0, s20;
	[sflag:s22] =	ssyncset.done $0x0  }
0xa1: {  	[sflag:s22] =	ssyncadd.s32 s5;
	_ =	sdelay $0x1  }
0xa2: {  	s23 =	simm.s32 $0x1B8B  }
0xa3: {  	_ =	swait.ge [sflag:s23], $0x1  }
0xa4: {  	[sflag:s23] =	ssyncset.done $0x0  }
0xa5: {  	s25 =	simm.s32 $0x1B8E;
	s24 =	sld [smem:$0x3FFE];
	[sflag:s23] =	ssyncadd.s32 $0xFFFFFFFF  }
0xa6: {  	s26 =	simm.s32 $execute0_lowered;
	[smem:$0x3FD2] =	sst s25  }
0xa7: {  	s6 =	sshll.u32 s26, $0x1;
	_ =	strace $0x80000046;
	[dreg:$0x1] =	wrdreg $0xFFFFFFFF  }
0xa8: {  	s28 =	simm.s32 $_size_execute0_lowered;
	s4 =	sadd.s32 s4, s6;
	[dreg:$0x0] =	wrdreg $0x0  }
0xa9: {  	s6 =	sshll.u32 s28, $0x1;
	[dreg:$0x2] =	wrdreg s4  }
0xaa: {  	[dreg:$0x3] =	wrdreg s6  }
0xab: {  	[dreg:$0x4] =	wrdreg $0xC0  }
0xac: {  	_ =	task [dreg:s8], $0x5FFFF  }
0xad: {  	[dreg:$0x1] =	wrdreg $0xFFFFFFFF  }
0xae: {  	[dreg:$0x0] =	wrdreg $0x60  }
0xaf: {  	[dreg:$0x2] =	wrdreg s18  }
0xb0: {  	[dreg:$0x3] =	wrdreg s2  }
0xb1: {  	[dreg:$0x4] =	wrdreg s24  }
0xb2: {  	[dreg:$0x5] =	wrdreg $0x9  }
0xb3: {  	_ =	task.clear_ibuf [dreg:s8], $0x6FFFF;
	_ =	strace $0x90000046  }
0xb4: {  	s29 =	simm.s32 $0x9;
	_ =	strace $0x80000048  }
0xb5: {  	_ =	swait.ge [sflag:s29], $0x1  }
0xb6: {  	[sflag:s29] =	ssyncadd.s32 $0xFFFFFFFF  }
0xb7: {  	_ =	strace $0x90000048  }
0xb8: {  	_ =	sfence  }
0xb9: {  	s30 =	sld [smem:$0x0];
	_ =	sdelay $0x2  }
0xba: {  	s31 =	sshll.u32 s1, $0xD;
	s1 =	sshrl.u32 s1, $0x2  }
0xbb: {  	s3 =	sand.u32 $0x4000, s31;
	s1 =	sadd.s32 s1, s30  }
0xbc: {  	s0 =	sor.u32 s3, s0;
	s1 =	sshll.u32 s1, $0x11  }
0xbd: {  	s0 =	sor.u32 s1, s0  }
0xbe: {  	s0 =	sadd.s32 $0x8F2B, s0  }
0xbf: {  	[sflag:s0] =	ssyncadd.remote.s32 $0x1  }
0xc0: {  	_ =	sfence.sel $0xFFFF  }
0xc1: {  	[dreg:$0x0] =	wrdreg $0xFFFFFFFF;
	(pc) =	sbr.abs _section_cstart, $3  }
0xc2: {  	[dreg:$0x1] =	wrdreg $0xFFFFFFFF  }
0xc3: {  	_ =	task.clear_ibuf [dreg:s8], $0x2FFFF;
	_ =	strace $0x9FFFFFFF  }
0xc4: {  	(tm) =	ssettm $0x7FFFFFFF  }
0xc5: {  	_ =	shalt  }
tec
execute0_lowered:
.L_overlay_start_1:
0x0: {  	(tag) =	ssettag $0x1  }
0x1: {  	s0 =	srdreg.scid  }
0x2: {  	s10 =	sand.u32 $0x1, s0;
	s0 =	stileid.u32  }
0x3: {  	s4 =	sshll.u32 s0, $0x1;
	s5 =	ssub.s32 $0x0, s10  }
0x4: {  	p0 =	sne.s32 s4, s5  }
.Ltmp0:
0x5: {  	_ = 	snop;
	(pc) =	sbr.rel @p0 .LBB2_4-.Ltmp0, $4  }
0x6: {  	s2 =	rddreg [dreg:$0x0]  }
0x7: {  	s3 =	rddreg [dreg:$0x1]  }
0x8: {  	s12 =	rddreg [dreg:$0x2]  }
0x9: {  	s1 =	rddreg [dreg:$0x3];
	_ =	strace $0x80000047  }
0xa: {  	s5 =	simm.s32 $0x0;
	s4 =	simm.s32 $0x2  }
0xb: {  	[tilespmem:s5], [sflag:$0x2] =	stream.linear.gather [hbm4b:s3+s5], $0x80, $0x38;
	[tilespmem:$0x1880] =	vst v63  }
0xc: {  	_ =	swait.ge [sflag:s4], $0x80  }
0xd: {  	[sflag:s4] =	ssyncset.done $0x0  }
0xe: {  	[sflag:s4] =	ssyncadd.s32 $0xFFFFFF80  }
0xf: {  	v0 =	vld.msk [tilespmem:$0x0], $0xff;
	_ =	sdelay $0x4  }
0x10: {  	v1 =	vshrl.u32 v0, $0x3  }
0x11: {  	v1 =	vmul.u32 $0x30, v1  }
0x12: {  	v2 =	vlaneseq.u32;
	v3 =	vand.u32 $0x7, v0  }
0x13: {  	v0 =	vand.u32 $0x7, v2;
	v2 =	vshrl.u32 v2, $0x3;
	v3 =	vor.u32 v3, v1  }
0x14: {  	v1 =	vmul.u32 $0x8, v2;
	v2 =	vperm.xlane v3, v0;
	_ =	sdelay $0x1  }
0x15: {  	v2 =	vadd.s32 v1, v2;
	_ =	sdelay $0x2  }
0x16: {  	s13 =	ssub.s32 $0x2, s10  }
0x17: {  	vm0 =	vmmov $0xffff;
	s6 =	simm.s32 $0x80;
	s7 =	sadd.s32 $0x100, s2;
	s14 =	sshrl.u32 s13, $0x1  }
0x18: {  	[tilespmem:s6], [sflag:$0x1] =	stream.indirect_vreg.gather [hbm4b:s2+s5], $0x80, v2, vm0, $0xb8;
	[tilespmem:$0x1880] =	vst v63  }
0x19: {  	s8 =	sadd.s32 $0x200, s2;
	s9 =	simm.s32 $0x880;
	s13 =	ssub.s32 s13, s14  }
0x1a: {  	[tilespmem:s9], [sflag:$0x1] =	stream.indirect_vreg.gather [hbm4b:s7+s5], $0x80, v2, vm0, $0xb8;
	[tilespmem:$0x1880] =	vst v63  }
0x1b: {  	s10 =	simm.s32 $0x1080;
	s11 =	simm.s32 $0x1;
	s13 =	smax.u32 s13, $0x1  }
0x1c: {  	[tilespmem:s10], [sflag:$0x1] =	stream.indirect_vreg.gather [hbm4b:s8+s5], $0x80, v2, vm0, $0xb8;
	[tilespmem:$0x1880] =	vst v63  }
0x1d: {  	p0 =	sne.s32 s13, $0x1;
	_ =	swait.ge [sflag:s11], $0x1800  }
.Ltmp1:
0x1e: {  	[sflag:s11] =	ssyncset.done $0x0;
	(pc) =	sbr.rel @!p0 .LBB2_3-.Ltmp1, $4  }
0x1f: {  	s12 =	sadd.s32 $0x800, s12;
	[sflag:s11] =	ssyncadd.s32 $0xFFFFE800  }
0x20: {  	[hbm4b:s12+s5] =	stream.linear.scatter [tilespmem:s6], [sflag:$0x2], $0x1800, $0x38;
	[tilespmem:$0x1880] =	vst v63  }
0x21: {  	_ =	swait.ge [sflag:s4], $0x1800  }
0x22: {  	s13 =	sadd.s32 $0xFFFFFFFF, s13;
	[sflag:s4] =	ssyncset.done $0x0  }
.LBB2_2:
0x23: {  	p0 =	sne.s32 s13, $0x1;
	s13 =	sadd.s32 $0xFFFFFFFF, s13;
	[sflag:s4] =	ssyncadd.s32 $0xFFFFE800  }
0x24: {  	[tilespmem:s5], [sflag:$0x2] =	stream.linear.gather [hbm4b:s3+s5], $0x80, $0x38;
	[tilespmem:$0x1880] =	vst v63  }
0x25: {  	_ =	swait.ge [sflag:s4], $0x80  }
0x26: {  	[sflag:s4] =	ssyncset.done $0x0  }
0x27: {  	[sflag:s4] =	ssyncadd.s32 $0xFFFFFF80  }
0x28: {  	v2 =	vld.msk [tilespmem:$0x0], $0xff;
	_ =	sdelay $0x4  }
0x29: {  	v3 =	vshrl.u32 v2, $0x3  }
0x2a: {  	v3 =	vmul.u32 $0x30, v3  }
0x2b: {  	v2 =	vand.u32 $0x7, v2  }
0x2c: {  	v2 =	vor.u32 v2, v3  }
0x2d: {  	v2 =	vperm.xlane v2, v0;
	_ =	sdelay $0x1  }
0x2e: {  	v2 =	vadd.s32 v1, v2;
	_ =	sdelay $0x4  }
0x2f: {  	[tilespmem:s6], [sflag:$0x1] =	stream.indirect_vreg.gather [hbm4b:s2+s5], $0x80, v2, vm0, $0xb8;
	[tilespmem:$0x1880] =	vst v63  }
0x30: {  	_ = 	snop  }
0x31: {  	[tilespmem:s9], [sflag:$0x1] =	stream.indirect_vreg.gather [hbm4b:s7+s5], $0x80, v2, vm0, $0xb8;
	[tilespmem:$0x1880] =	vst v63  }
0x32: {  	_ = 	snop  }
0x33: {  	[tilespmem:s10], [sflag:$0x1] =	stream.indirect_vreg.gather [hbm4b:s8+s5], $0x80, v2, vm0, $0xb8;
	[tilespmem:$0x1880] =	vst v63  }
0x34: {  	_ =	swait.ge [sflag:s11], $0x1800  }
.Ltmp2:
0x35: {  	[sflag:s11] =	ssyncset.done $0x0;
	(pc) =	sbr.rel @p0 .LBB2_2-.Ltmp2, $4  }
0x36: {  	[sflag:s11] =	ssyncadd.s32 $0xFFFFE800  }
0x37: {  	[hbm4b:s12+s5] =	stream.linear.scatter [tilespmem:s6], [sflag:$0x2], $0x1800, $0x38;
	[tilespmem:$0x1880] =	vst v63  }
0x38: {  	_ =	swait.ge [sflag:s4], $0x1800  }
0x39: {  	[sflag:s4] =	ssyncset.done $0x0  }
.LBB2_3:
0x3a: {  	[sflag:s4] =	ssyncadd.s32 $0xFFFFE800  }
.LBB2_4:
0x3b: {  	_ =	sfence.sel $0x180000  }
0x3c: {  	[bflag:$0x0] =	sbarrier.arrive $0xFFFF  }
0x3d: {  	p0 =	sne.s32 s0, $0x0;
	_ =	strace $0x90000047  }
0x3e: {  	s0 =	sadd.s32 @!p0 $0x100000, s1;
	[bflag:$0x2] =	sbarrier.arrive $0xFFFF  }
0x3f: {  	[sflag:s0] =	ssyncadd.tile.s32 @!p0 $0x1;
	_ =	shalt  }
.Lfunc_end2:
_tile_overlayer_lowered:
.L_overlay_start_2:
0x40: {  	(tag) =	ssettag $0x2  }
0x41: {  	s0 =	rddreg [dreg:$0x0];
	s2 =	stileid.u32  }
0x42: {  	s1 =	rddreg [dreg:$0x1];
	p0 =	sne.s32 s2, $0x0  }
0x43: {  	s3 =	rddreg [dreg:$0x2];
	[bflag:$0x3] =	sbarrier.arrive $0xFFFF;
	s2 =	simm.s32 @!p0 $0x1C02  }
0x44: {  	[timem:s3], [sflag:s2] =	dma.local @!p0 [hbm:s0], s1  }
0x45: {  	s0 =	simm.s32 @!p0 $0x2  }
0x46: {  	_ =	swait.ge @!p0 [sflag:s0], s1  }
0x47: {  	s1 =	ssub.s32 @!p0 $0x0, s1;
	[sflag:s0] =	ssyncset.done @!p0 $0x0  }
0x48: {  	[sflag:s0] =	ssyncadd.s32 @!p0 s1  }
0x49: {  	[bflag:$0x3] =	sbarrier.arrive $0xFFFF  }
0x4a: {  	_ =	shalt  }

</sc_bundles>
